<compile_context>
chip_gen: v7x
topology: tpu7x:2x2x1
jax: 0.10.2.dev20260603
libtpu: 0.0.44.dev20260713+nightly
codegen_flags: <defaults>
</compile_context>

<pallas_src>
import functools

import jax
import jax.numpy as jnp
from jax import lax
from jax.experimental import pallas as pl
from jax.experimental.pallas import tpu as pltpu
from jax.experimental.pallas import tpu_sc as plsc

BATCH = 16384
D = 64
VOCAB = 100000
NUM_CORES = 2
NUM_SUBCORES = 16
NW = NUM_CORES * NUM_SUBCORES
DPW = D // NW
G = 4096


def _sc_transposed_gather(user_idx, pos_idx, neg_idx, user_t, item_t):
    mesh = plsc.VectorSubcoreMesh(core_axis_name="c", subcore_axis_name="s")

    @functools.partial(
        pl.kernel,
        mesh=mesh,
        out_type=(
            jax.ShapeDtypeStruct((D, BATCH), jnp.float32),
            jax.ShapeDtypeStruct((D, BATCH), jnp.float32),
        ),
        compiler_params=pltpu.CompilerParams(needs_layout_passes=False),
        scratch_types=[
            pltpu.VMEM((VOCAB,), jnp.float32),
            pltpu.VMEM((BATCH,), jnp.int32),
            pltpu.VMEM((G,), jnp.int32),
            pltpu.VMEM((G,), jnp.float32),
            pltpu.SemaphoreType.DMA,
            pltpu.SemaphoreType.DMA,
        ],
    )
    def k(uidx_h, pidx_h, nidx_h, ut_h, it_h, out_u, out_d,
          line, idxa, idxn, oa, seml, semi):
        wid = lax.axis_index("s") * NUM_CORES + lax.axis_index("c")

        def user_phase():
            ah = pltpu.async_copy(uidx_h, idxa, semi)

            def utask(t, carry):
                c = wid * DPW + (t + (wid // 2) % 2) % DPW
                pltpu.async_copy(ut_h.at[c], line, seml).wait()
                for q in range(BATCH // G):
                    qsl = pl.ds(q * G, G)

                    @plsc.parallel_loop(0, G // 16, unroll=8)
                    def ubody(i, q=q):
                        sl = pl.ds(i * 16, 16)
                        oa[sl] = plsc.load_gather(
                            line, [idxa[pl.ds(q * G + i * 16, 16)]])

                    pltpu.sync_copy(oa, out_u.at[c, qsl])
                return carry

            ah.wait()
            lax.fori_loop(0, DPW, utask, 0)

        def item_phase():
            ah = pltpu.async_copy(pidx_h, idxa, semi)

            def itask(t, carry):
                c = wid * DPW + (t + (wid // 2) % 2) % DPW
                pltpu.async_copy(it_h.at[c], line, seml).wait()
                for q in range(BATCH // G):
                    qsl = pl.ds(q * G, G)
                    pltpu.sync_copy(nidx_h.at[qsl], idxn)

                    @plsc.parallel_loop(0, G // 16, unroll=8)
                    def ibody(i, q=q):
                        sl = pl.ds(i * 16, 16)
                        gp = plsc.load_gather(
                            line, [idxa[pl.ds(q * G + i * 16, 16)]])
                        gn = plsc.load_gather(line, [idxn[sl]])
                        oa[sl] = gp - gn

                    pltpu.sync_copy(oa, out_d.at[c, qsl])
                return carry

            ah.wait()
            lax.fori_loop(0, DPW, itask, 0)

        @pl.when(wid % 2 == 0)
        def _():
            user_phase()
            item_phase()

        @pl.when(wid % 2 == 1)
        def _():
            item_phase()
            user_phase()

    return k(user_idx, pos_idx, neg_idx, user_t, item_t)


def _tc_loss(u_t, d_t):
    def body(u_ref, d_ref, o_ref):
        x = jnp.sum(u_ref[...] * d_ref[...], axis=0, keepdims=True)
        t = -x
        sp = jnp.maximum(t, 0.0) + jnp.log(1.0 + jnp.exp(-jnp.abs(t)))
        o_ref[0, 0] = jnp.sum(sp) / BATCH

    out = pl.pallas_call(
        body,
        out_shape=jax.ShapeDtypeStruct((1, 1), jnp.float32),
        out_specs=pl.BlockSpec(memory_space=pltpu.SMEM),
    )(u_t, d_t)
    return out[0, 0]


def kernel(user_idx, pos_idx, neg_idx, user_emb, item_emb):
    user_t = user_emb.T
    item_t = item_emb.T
    u_t, d_t = _sc_transposed_gather(user_idx, pos_idx, neg_idx, user_t, item_t)
    return _tc_loss(u_t, d_t)

# --- scband reference (transcript-rebuilt; emitter-appended) ---
"""Pipeline reference for scband-bprmf-62697932587609 (READ-ONLY COPY).

The authoritative reference and input builder live on the scoring server;
editing this copy changes nothing except your own understanding.
"""

import jax, jax.numpy as jnp
import numpy as np

NUM_USERS = 100000
NUM_ITEMS = 100000
EMBED_DIM = 64
BATCH = 16384


def setup_inputs(seed=0) -> dict:
    key = jax.random.key(seed)
    k1, k2, k3, k4, k5 = jax.random.split(key, 5)
    user_idx = jax.random.randint(k1, (BATCH,), 0, NUM_USERS, dtype=jnp.int64 if jax.config.jax_enable_x64 else jnp.int32).astype(jnp.int32)
    pos_idx = jax.random.randint(k2, (BATCH,), 0, NUM_ITEMS).astype(jnp.int32)
    neg_idx = jax.random.randint(k3, (BATCH,), 0, NUM_ITEMS).astype(jnp.int32)
    user_emb = jax.random.normal(k4, (NUM_USERS, EMBED_DIM), dtype=jnp.float32) * 0.05
    item_emb = jax.random.normal(k5, (NUM_ITEMS, EMBED_DIM), dtype=jnp.float32) * 0.05
    return {"user_idx": user_idx, "pos_idx": pos_idx, "neg_idx": neg_idx, "user_emb": user_emb, "item_emb": item_emb}


def _score(user_emb, item_emb, user_idx, item_idx):
    user_vec = jnp.take(user_emb, user_idx, axis=0)
    item_vec = jnp.take(item_emb, item_idx, axis=0)
    return jnp.sum(user_vec * item_vec, axis=-1)


def reference(user_idx, pos_idx, neg_idx, user_emb, item_emb):
    pos_score = _score(user_emb, item_emb, user_idx, pos_idx)
    neg_score = _score(user_emb, item_emb, user_idx, neg_idx)
    return -jnp.mean(jax.nn.log_sigmoid(pos_score - neg_score))

if __name__ == "__main__":
    import jax
    _d = setup_inputs()
    print(jax.jit(kernel)(*tuple(_d.values())))

</pallas_src>

<mosaic_0001>
#map = affine_map<(d0, d1) -> (0)>
#map1 = affine_map<(d0, d1) -> (0, 0)>
module attributes {stable_mosaic.version = 14 : i64} {
  func.func @k(%arg0: i32, %arg1: i32, %arg2: memref<16384xi32, #tpu.memory_space<hbm>>, %arg3: memref<16384xi32, #tpu.memory_space<hbm>>, %arg4: memref<16384xi32, #tpu.memory_space<hbm>>, %arg5: memref<64x100000xf32, #tpu.memory_space<hbm>>, %arg6: memref<64x100000xf32, #tpu.memory_space<hbm>>, %arg7: memref<64x16384xf32, #tpu.memory_space<hbm>>, %arg8: memref<64x16384xf32, #tpu.memory_space<hbm>>, %arg9: memref<100000xf32, #tpu.memory_space<vmem>>, %arg10: memref<16384xi32, #tpu.memory_space<vmem>>, %arg11: memref<4096xi32, #tpu.memory_space<vmem>>, %arg12: memref<4096xf32, #tpu.memory_space<vmem>>, %arg13: memref<!tpu.dma_semaphore, #tpu.memory_space<semaphore_mem>>, %arg14: memref<!tpu.dma_semaphore, #tpu.memory_space<semaphore_mem>>) attributes {dimension_semantics = [#tpu.dimension_semantics<core_parallel>, #tpu.dimension_semantics<subcore_parallel>], iteration_bounds = array<i64: 2, 16>, scalar_prefetch = 0 : i64, scratch_operands = 6 : i64, tpu.core_type = #tpu.core_type<sc_vector_subcore>, window_params = [{transform_indices = #map}, {transform_indices = #map}, {transform_indices = #map}, {transform_indices = #map1}, {transform_indices = #map1}, {transform_indices = #map1}, {transform_indices = #map1}]} {
    %mul3A = arith.constant 2 : i32
    %mul3A_0 = arith.muli %arg1, %mul3A : i32
    %add3A = arith.addi %mul3A_0, %arg0 : i32
    %jit3A = arith.constant 2 : i32
    %eq3A = arith.constant 0 : i32
    %eq3A_1 = arith.cmpi eq, %jit3A, %eq3A : i32
    %jit3A_2 = arith.constant 1 : i32
    %select_n3A = arith.select %eq3A_1, %jit3A_2, %jit3A : i32
    %rem3A = arith.remsi %add3A, %select_n3A : i32
    %ne3A = arith.constant 0 : i32
    %ne3A_3 = arith.cmpi ne, %rem3A, %ne3A : i32
    %lt3A = arith.constant 0 : i32
    %lt3A_4 = arith.cmpi slt, %rem3A, %lt3A : i32
    %lt3A_5 = arith.constant 0 : i32
    %lt3A_6 = arith.cmpi slt, %select_n3A, %lt3A_5 : i32
    %ne3A_7 = arith.xori %lt3A_4, %lt3A_6 : i1
    %and3A = arith.andi %ne3A_7, %ne3A_3 : i1
    %add3A_8 = arith.addi %rem3A, %select_n3A : i32
    %select_n3A_9 = arith.select %and3A, %add3A_8, %rem3A : i32
    %eq3A_10 = arith.constant 0 : i32
    %eq3A_11 = arith.cmpi eq, %select_n3A_9, %eq3A_10 : i32
    %convert_element_type3A = arith.extui %eq3A_11 : i1 to i32
    %cond3A = arith.constant 0 : i32
    %cond3A_12 = arith.cmpi ne, %convert_element_type3A, %cond3A : i32
    scf.if %cond3A_12 {
      tpu.enqueue_dma source(%arg2 : memref<16384xi32, #tpu.memory_space<hbm>>) target(%arg10 : memref<16384xi32, #tpu.memory_space<vmem>>) target_semaphore(%arg14 : memref<!tpu.dma_semaphore, #tpu.memory_space<semaphore_mem>>)
      tpu.wait_dma2 semaphore(%arg14 : memref<!tpu.dma_semaphore, #tpu.memory_space<semaphore_mem>>) src(%arg2 : memref<16384xi32, #tpu.memory_space<hbm>>) dst(%arg10 : memref<16384xi32, #tpu.memory_space<vmem>>)
      %scan3A = arith.constant 0 : i32
      %scan3A_34 = arith.constant 0 : i32
      %scan3A_35 = arith.constant 2 : i32
      %scan3A_36 = arith.addi %scan3A_34, %scan3A_35 : i32
      %scan3A_37 = arith.constant 1 : i32
      scf.for %scan3A_45 = %scan3A_34 to %scan3A_36 step %scan3A_37  : i32 {
        %mul3A_46 = arith.constant 2 : i32
        %mul3A_47 = arith.muli %add3A, %mul3A_46 : i32
        %jit3A_48 = arith.constant 2 : i32
        %div3A = arith.divsi %add3A, %jit3A_48 : i32
        %sign3A = arith.constant 0 : i32
        %sign3A_49 = arith.cmpi sgt, %add3A, %sign3A : i32
        %sign3A_50 = arith.extui %sign3A_49 : i1 to i32
        %sign3A_51 = arith.constant 0 : i32
        %sign3A_52 = arith.cmpi slt, %add3A, %sign3A_51 : i32
        %sign3A_53 = arith.extui %sign3A_52 : i1 to i32
        %sign3A_54 = arith.subi %sign3A_50, %sign3A_53 : i32
        %sign3A_55 = arith.constant 0 : i32
        %sign3A_56 = arith.cmpi sgt, %jit3A_48, %sign3A_55 : i32
        %sign3A_57 = arith.extui %sign3A_56 : i1 to i32
        %sign3A_58 = arith.constant 0 : i32
        %sign3A_59 = arith.cmpi slt, %jit3A_48, %sign3A_58 : i32
        %sign3A_60 = arith.extui %sign3A_59 : i1 to i32
        %sign3A_61 = arith.subi %sign3A_57, %sign3A_60 : i32
        %ne3A_62 = arith.cmpi ne, %sign3A_54, %sign3A_61 : i32
        %rem3A_63 = arith.remsi %add3A, %jit3A_48 : i32
        %ne3A_64 = arith.constant 0 : i32
        %ne3A_65 = arith.cmpi ne, %rem3A_63, %ne3A_64 : i32
        %and3A_66 = arith.andi %ne3A_62, %ne3A_65 : i1
        %sub3A = arith.constant 1 : i32
        %sub3A_67 = arith.subi %div3A, %sub3A : i32
        %select_n3A_68 = arith.select %and3A_66, %sub3A_67, %div3A : i32
        %jit3A_69 = arith.constant 2 : i32
        %eq3A_70 = arith.constant 0 : i32
        %eq3A_71 = arith.cmpi eq, %jit3A_69, %eq3A_70 : i32
        %jit3A_72 = arith.constant 1 : i32
        %select_n3A_73 = arith.select %eq3A_71, %jit3A_72, %jit3A_69 : i32
        %rem3A_74 = arith.remsi %select_n3A_68, %select_n3A_73 : i32
        %ne3A_75 = arith.constant 0 : i32
        %ne3A_76 = arith.cmpi ne, %rem3A_74, %ne3A_75 : i32
        %lt3A_77 = arith.constant 0 : i32
        %lt3A_78 = arith.cmpi slt, %rem3A_74, %lt3A_77 : i32
        %lt3A_79 = arith.constant 0 : i32
        %lt3A_80 = arith.cmpi slt, %select_n3A_73, %lt3A_79 : i32
        %ne3A_81 = arith.xori %lt3A_78, %lt3A_80 : i1
        %and3A_82 = arith.andi %ne3A_81, %ne3A_76 : i1
        %add3A_83 = arith.addi %rem3A_74, %select_n3A_73 : i32
        %select_n3A_84 = arith.select %and3A_82, %add3A_83, %rem3A_74 : i32
        %add3A_85 = arith.addi %scan3A_45, %select_n3A_84 : i32
        %jit3A_86 = arith.constant 2 : i32
        %eq3A_87 = arith.constant 0 : i32
        %eq3A_88 = arith.cmpi eq, %jit3A_86, %eq3A_87 : i32
        %jit3A_89 = arith.constant 1 : i32
        %select_n3A_90 = arith.select %eq3A_88, %jit3A_89, %jit3A_86 : i32
        %rem3A_91 = arith.remsi %add3A_85, %select_n3A_90 : i32
        %ne3A_92 = arith.constant 0 : i32
        %ne3A_93 = arith.cmpi ne, %rem3A_91, %ne3A_92 : i32
        %lt3A_94 = arith.constant 0 : i32
        %lt3A_95 = arith.cmpi slt, %rem3A_91, %lt3A_94 : i32
        %lt3A_96 = arith.constant 0 : i32
        %lt3A_97 = arith.cmpi slt, %select_n3A_90, %lt3A_96 : i32
        %ne3A_98 = arith.xori %lt3A_95, %lt3A_97 : i1
        %and3A_99 = arith.andi %ne3A_98, %ne3A_93 : i1
        %add3A_100 = arith.addi %rem3A_91, %select_n3A_90 : i32
        %select_n3A_101 = arith.select %and3A_99, %add3A_100, %rem3A_91 : i32
        %add3A_102 = arith.addi %mul3A_47, %select_n3A_101 : i32
        %dma_start3A = arith.constant 0 : i32
        %dma_start3A_103 = tpu.memref_slice %arg5[%add3A_102, %dma_start3A] : memref<64x100000xf32, #tpu.memory_space<hbm>> -> memref<1x100000xf32, #tpu.memory_space<hbm>>
        %dma_start3A_104 = tpu.memref_squeeze %dma_start3A_103 : memref<1x100000xf32, #tpu.memory_space<hbm>> -> memref<100000xf32, #tpu.memory_space<hbm>>
        %dma_start3A_105 = arith.constant 0 : i32
        %dma_start3A_106 = tpu.memref_slice %arg5[%add3A_102, %dma_start3A_105] : memref<64x100000xf32, #tpu.memory_space<hbm>> -> memref<1x100000xf32, #tpu.memory_space<hbm>>
        %dma_start3A_107 = tpu.memref_squeeze %dma_start3A_106 : memref<1x100000xf32, #tpu.memory_space<hbm>> -> memref<100000xf32, #tpu.memory_space<hbm>>
        tpu.enqueue_dma source(%dma_start3A_107 : memref<100000xf32, #tpu.memory_space<hbm>>) target(%arg9 : memref<100000xf32, #tpu.memory_space<vmem>>) target_semaphore(%arg13 : memref<!tpu.dma_semaphore, #tpu.memory_space<semaphore_mem>>)
        %dma_wait3A = arith.constant 0 : i32
        %dma_wait3A_108 = tpu.memref_slice %arg5[%add3A_102, %dma_wait3A] : memref<64x100000xf32, #tpu.memory_space<hbm>> -> memref<1x100000xf32, #tpu.memory_space<hbm>>
        %dma_wait3A_109 = tpu.memref_squeeze %dma_wait3A_108 : memref<1x100000xf32, #tpu.memory_space<hbm>> -> memref<100000xf32, #tpu.memory_space<hbm>>
        %dma_wait3A_110 = arith.constant 0 : i32
        %dma_wait3A_111 = tpu.memref_slice %arg5[%add3A_102, %dma_wait3A_110] : memref<64x100000xf32, #tpu.memory_space<hbm>> -> memref<1x100000xf32, #tpu.memory_space<hbm>>
        %dma_wait3A_112 = tpu.memref_squeeze %dma_wait3A_111 : memref<1x100000xf32, #tpu.memory_space<hbm>> -> memref<100000xf32, #tpu.memory_space<hbm>>
        tpu.wait_dma2 semaphore(%arg13 : memref<!tpu.dma_semaphore, #tpu.memory_space<semaphore_mem>>) src(%dma_wait3A_112 : memref<100000xf32, #tpu.memory_space<hbm>>) dst(%arg9 : memref<100000xf32, #tpu.memory_space<vmem>>)
        %parallel_loop3A = arith.constant 0 : i32
        %parallel_loop3A_113 = arith.constant 256 : i32
        %parallel_loop3A_114 = arith.constant 1 : i32
        scf.for %parallel_loop3A_124 = %parallel_loop3A to %parallel_loop3A_113 step %parallel_loop3A_114  : i32 {
          %parallel_loop3A_125 = arith.constant 16 : i32
          %parallel_loop3A_126 = arith.muli %parallel_loop3A_124, %parallel_loop3A_125 : i32
          %parallel_loop3A_127 = arith.constant 16 : i32
          %parallel_loop3A_128 = arith.muli %parallel_loop3A_124, %parallel_loop3A_127 : i32
          %parallel_loop3A_129 = arith.constant 0 : i32
          %parallel_loop3A_130 = arith.addi %parallel_loop3A_129, %parallel_loop3A_128 : i32
          %parallel_loop3A_131 = arith.index_cast %parallel_loop3A_130 : i32 to index
          %parallel_loop3A_132 = tpu.vector_load %arg10[%parallel_loop3A_131] {strides = array<i32>} : memref<16384xi32, #tpu.memory_space<vmem>>, vector<16xi32>,
          %parallel_loop3A_133 = tpu.vector_load_idx %arg9[%parallel_loop3A_132] : memref<100000xf32, #tpu.memory_space<vmem>>[vector<16xi32>], vector<16xf32>,
          %parallel_loop3A_134 = arith.index_cast %parallel_loop3A_126 : i32 to index
          %parallel_loop3A_135 = tpu.vector_load %arg12[%parallel_loop3A_134] {strides = array<i32>} : memref<4096xf32, #tpu.memory_space<vmem>>, vector<16xf32>,
          tpu.vector_store %arg12[%parallel_loop3A_134], %parallel_loop3A_133 {strides = array<i32>} : memref<4096xf32, #tpu.memory_space<vmem>>, vector<16xf32>,
        } {sc.loop_unroll_factor = 8 : i64, sc.parallel_access}
        "tpu.region"() ({
          %run_scoped3A = tpu.sem_alloc : memref<!tpu.dma_semaphore, #tpu.memory_space<semaphore_mem>>
          %dma_start3A_124 = arith.constant 0 : i32
          %dma_start3A_125 = tpu.memref_slice %arg7[%add3A_102, %dma_start3A_124] : memref<64x16384xf32, #tpu.memory_space<hbm>> -> memref<1x4096xf32, #tpu.memory_space<hbm>>
          %dma_start3A_126 = tpu.memref_squeeze %dma_start3A_125 : memref<1x4096xf32, #tpu.memory_space<hbm>> -> memref<4096xf32, #tpu.memory_space<hbm>>
          %dma_start3A_127 = arith.constant 0 : i32
          %dma_start3A_128 = tpu.memref_slice %arg7[%add3A_102, %dma_start3A_127] : memref<64x16384xf32, #tpu.memory_space<hbm>> -> memref<1x4096xf32, #tpu.memory_space<hbm>>
          %dma_start3A_129 = tpu.memref_squeeze %dma_start3A_128 : memref<1x4096xf32, #tpu.memory_space<hbm>> -> memref<4096xf32, #tpu.memory_space<hbm>>
          tpu.enqueue_dma source(%arg12 : memref<4096xf32, #tpu.memory_space<vmem>>) target(%dma_start3A_129 : memref<4096xf32, #tpu.memory_space<hbm>>) target_semaphore(%run_scoped3A : memref<!tpu.dma_semaphore, #tpu.memory_space<semaphore_mem>>)
          %dma_wait3A_130 = arith.constant 0 : i32
          %dma_wait3A_131 = tpu.memref_slice %arg7[%add3A_102, %dma_wait3A_130] : memref<64x16384xf32, #tpu.memory_space<hbm>> -> memref<1x4096xf32, #tpu.memory_space<hbm>>
          %dma_wait3A_132 = tpu.memref_squeeze %dma_wait3A_131 : memref<1x4096xf32, #tpu.memory_space<hbm>> -> memref<4096xf32, #tpu.memory_space<hbm>>
          %dma_wait3A_133 = arith.constant 0 : i32
          %dma_wait3A_134 = tpu.memref_slice %arg7[%add3A_102, %dma_wait3A_133] : memref<64x16384xf32, #tpu.memory_space<hbm>> -> memref<1x4096xf32, #tpu.memory_space<hbm>>
          %dma_wait3A_135 = tpu.memref_squeeze %dma_wait3A_134 : memref<1x4096xf32, #tpu.memory_space<hbm>> -> memref<4096xf32, #tpu.memory_space<hbm>>
          tpu.wait_dma2 semaphore(%run_scoped3A : memref<!tpu.dma_semaphore, #tpu.memory_space<semaphore_mem>>) src(%arg12 : memref<4096xf32, #tpu.memory_space<vmem>>) dst(%dma_wait3A_135 : memref<4096xf32, #tpu.memory_space<hbm>>)
          tpu.yield
        }) : () -> ()
        %parallel_loop3A_115 = arith.constant 0 : i32
        %parallel_loop3A_116 = arith.constant 256 : i32
        %parallel_loop3A_117 = arith.constant 1 : i32
        scf.for %parallel_loop3A_124 = %parallel_loop3A_115 to %parallel_loop3A_116 step %parallel_loop3A_117  : i32 {
          %parallel_loop3A_125 = arith.constant 16 : i32
          %parallel_loop3A_126 = arith.muli %parallel_loop3A_124, %parallel_loop3A_125 : i32
          %parallel_loop3A_127 = arith.constant 16 : i32
          %parallel_loop3A_128 = arith.muli %parallel_loop3A_124, %parallel_loop3A_127 : i32
          %parallel_loop3A_129 = arith.constant 4096 : i32
          %parallel_loop3A_130 = arith.addi %parallel_loop3A_129, %parallel_loop3A_128 : i32
          %parallel_loop3A_131 = arith.index_cast %parallel_loop3A_130 : i32 to index
          %parallel_loop3A_132 = tpu.vector_load %arg10[%parallel_loop3A_131] {strides = array<i32>} : memref<16384xi32, #tpu.memory_space<vmem>>, vector<16xi32>,
          %parallel_loop3A_133 = tpu.vector_load_idx %arg9[%parallel_loop3A_132] : memref<100000xf32, #tpu.memory_space<vmem>>[vector<16xi32>], vector<16xf32>,
          %parallel_loop3A_134 = arith.index_cast %parallel_loop3A_126 : i32 to index
          %parallel_loop3A_135 = tpu.vector_load %arg12[%parallel_loop3A_134] {strides = array<i32>} : memref<4096xf32, #tpu.memory_space<vmem>>, vector<16xf32>,
          tpu.vector_store %arg12[%parallel_loop3A_134], %parallel_loop3A_133 {strides = array<i32>} : memref<4096xf32, #tpu.memory_space<vmem>>, vector<16xf32>,
        } {sc.loop_unroll_factor = 8 : i64, sc.parallel_access}
        "tpu.region"() ({
          %run_scoped3A = tpu.sem_alloc : memref<!tpu.dma_semaphore, #tpu.memory_space<semaphore_mem>>
          %dma_start3A_124 = arith.constant 4096 : i32
          %dma_start3A_125 = tpu.memref_slice %arg7[%add3A_102, %dma_start3A_124] : memref<64x16384xf32, #tpu.memory_space<hbm>> -> memref<1x4096xf32, #tpu.memory_space<hbm>>
          %dma_start3A_126 = tpu.memref_squeeze %dma_start3A_125 : memref<1x4096xf32, #tpu.memory_space<hbm>> -> memref<4096xf32, #tpu.memory_space<hbm>>
          %dma_start3A_127 = arith.constant 4096 : i32
          %dma_start3A_128 = tpu.memref_slice %arg7[%add3A_102, %dma_start3A_127] : memref<64x16384xf32, #tpu.memory_space<hbm>> -> memref<1x4096xf32, #tpu.memory_space<hbm>>
          %dma_start3A_129 = tpu.memref_squeeze %dma_start3A_128 : memref<1x4096xf32, #tpu.memory_space<hbm>> -> memref<4096xf32, #tpu.memory_space<hbm>>
          tpu.enqueue_dma source(%arg12 : memref<4096xf32, #tpu.memory_space<vmem>>) target(%dma_start3A_129 : memref<4096xf32, #tpu.memory_space<hbm>>) target_semaphore(%run_scoped3A : memref<!tpu.dma_semaphore, #tpu.memory_space<semaphore_mem>>)
          %dma_wait3A_130 = arith.constant 4096 : i32
          %dma_wait3A_131 = tpu.memref_slice %arg7[%add3A_102, %dma_wait3A_130] : memref<64x16384xf32, #tpu.memory_space<hbm>> -> memref<1x4096xf32, #tpu.memory_space<hbm>>
          %dma_wait3A_132 = tpu.memref_squeeze %dma_wait3A_131 : memref<1x4096xf32, #tpu.memory_space<hbm>> -> memref<4096xf32, #tpu.memory_space<hbm>>
          %dma_wait3A_133 = arith.constant 4096 : i32
          %dma_wait3A_134 = tpu.memref_slice %arg7[%add3A_102, %dma_wait3A_133] : memref<64x16384xf32, #tpu.memory_space<hbm>> -> memref<1x4096xf32, #tpu.memory_space<hbm>>
          %dma_wait3A_135 = tpu.memref_squeeze %dma_wait3A_134 : memref<1x4096xf32, #tpu.memory_space<hbm>> -> memref<4096xf32, #tpu.memory_space<hbm>>
          tpu.wait_dma2 semaphore(%run_scoped3A : memref<!tpu.dma_semaphore, #tpu.memory_space<semaphore_mem>>) src(%arg12 : memref<4096xf32, #tpu.memory_space<vmem>>) dst(%dma_wait3A_135 : memref<4096xf32, #tpu.memory_space<hbm>>)
          tpu.yield
        }) : () -> ()
        %parallel_loop3A_118 = arith.constant 0 : i32
        %parallel_loop3A_119 = arith.constant 256 : i32
        %parallel_loop3A_120 = arith.constant 1 : i32
        scf.for %parallel_loop3A_124 = %parallel_loop3A_118 to %parallel_loop3A_119 step %parallel_loop3A_120  : i32 {
          %parallel_loop3A_125 = arith.constant 16 : i32
          %parallel_loop3A_126 = arith.muli %parallel_loop3A_124, %parallel_loop3A_125 : i32
          %parallel_loop3A_127 = arith.constant 16 : i32
          %parallel_loop3A_128 = arith.muli %parallel_loop3A_124, %parallel_loop3A_127 : i32
          %parallel_loop3A_129 = arith.constant 8192 : i32
          %parallel_loop3A_130 = arith.addi %parallel_loop3A_129, %parallel_loop3A_128 : i32
          %parallel_loop3A_131 = arith.index_cast %parallel_loop3A_130 : i32 to index
          %parallel_loop3A_132 = tpu.vector_load %arg10[%parallel_loop3A_131] {strides = array<i32>} : memref<16384xi32, #tpu.memory_space<vmem>>, vector<16xi32>,
          %parallel_loop3A_133 = tpu.vector_load_idx %arg9[%parallel_loop3A_132] : memref<100000xf32, #tpu.memory_space<vmem>>[vector<16xi32>], vector<16xf32>,
          %parallel_loop3A_134 = arith.index_cast %parallel_loop3A_126 : i32 to index
          %parallel_loop3A_135 = tpu.vector_load %arg12[%parallel_loop3A_134] {strides = array<i32>} : memref<4096xf32, #tpu.memory_space<vmem>>, vector<16xf32>,
          tpu.vector_store %arg12[%parallel_loop3A_134], %parallel_loop3A_133 {strides = array<i32>} : memref<4096xf32, #tpu.memory_space<vmem>>, vector<16xf32>,
        } {sc.loop_unroll_factor = 8 : i64, sc.parallel_access}
        "tpu.region"() ({
          %run_scoped3A = tpu.sem_alloc : memref<!tpu.dma_semaphore, #tpu.memory_space<semaphore_mem>>
          %dma_start3A_124 = arith.constant 8192 : i32
          %dma_start3A_125 = tpu.memref_slice %arg7[%add3A_102, %dma_start3A_124] : memref<64x16384xf32, #tpu.memory_space<hbm>> -> memref<1x4096xf32, #tpu.memory_space<hbm>>
          %dma_start3A_126 = tpu.memref_squeeze %dma_start3A_125 : memref<1x4096xf32, #tpu.memory_space<hbm>> -> memref<4096xf32, #tpu.memory_space<hbm>>
          %dma_start3A_127 = arith.constant 8192 : i32
          %dma_start3A_128 = tpu.memref_slice %arg7[%add3A_102, %dma_start3A_127] : memref<64x16384xf32, #tpu.memory_space<hbm>> -> memref<1x4096xf32, #tpu.memory_space<hbm>>
          %dma_start3A_129 = tpu.memref_squeeze %dma_start3A_128 : memref<1x4096xf32, #tpu.memory_space<hbm>> -> memref<4096xf32, #tpu.memory_space<hbm>>
          tpu.enqueue_dma source(%arg12 : memref<4096xf32, #tpu.memory_space<vmem>>) target(%dma_start3A_129 : memref<4096xf32, #tpu.memory_space<hbm>>) target_semaphore(%run_scoped3A : memref<!tpu.dma_semaphore, #tpu.memory_space<semaphore_mem>>)
          %dma_wait3A_130 = arith.constant 8192 : i32
          %dma_wait3A_131 = tpu.memref_slice %arg7[%add3A_102, %dma_wait3A_130] : memref<64x16384xf32, #tpu.memory_space<hbm>> -> memref<1x4096xf32, #tpu.memory_space<hbm>>
          %dma_wait3A_132 = tpu.memref_squeeze %dma_wait3A_131 : memref<1x4096xf32, #tpu.memory_space<hbm>> -> memref<4096xf32, #tpu.memory_space<hbm>>
          %dma_wait3A_133 = arith.constant 8192 : i32
          %dma_wait3A_134 = tpu.memref_slice %arg7[%add3A_102, %dma_wait3A_133] : memref<64x16384xf32, #tpu.memory_space<hbm>> -> memref<1x4096xf32, #tpu.memory_space<hbm>>
          %dma_wait3A_135 = tpu.memref_squeeze %dma_wait3A_134 : memref<1x4096xf32, #tpu.memory_space<hbm>> -> memref<4096xf32, #tpu.memory_space<hbm>>
          tpu.wait_dma2 semaphore(%run_scoped3A : memref<!tpu.dma_semaphore, #tpu.memory_space<semaphore_mem>>) src(%arg12 : memref<4096xf32, #tpu.memory_space<vmem>>) dst(%dma_wait3A_135 : memref<4096xf32, #tpu.memory_space<hbm>>)
          tpu.yield
        }) : () -> ()
        %parallel_loop3A_121 = arith.constant 0 : i32
        %parallel_loop3A_122 = arith.constant 256 : i32
        %parallel_loop3A_123 = arith.constant 1 : i32
        scf.for %parallel_loop3A_124 = %parallel_loop3A_121 to %parallel_loop3A_122 step %parallel_loop3A_123  : i32 {
          %parallel_loop3A_125 = arith.constant 16 : i32
          %parallel_loop3A_126 = arith.muli %parallel_loop3A_124, %parallel_loop3A_125 : i32
          %parallel_loop3A_127 = arith.constant 16 : i32
          %parallel_loop3A_128 = arith.muli %parallel_loop3A_124, %parallel_loop3A_127 : i32
          %parallel_loop3A_129 = arith.constant 12288 : i32
          %parallel_loop3A_130 = arith.addi %parallel_loop3A_129, %parallel_loop3A_128 : i32
          %parallel_loop3A_131 = arith.index_cast %parallel_loop3A_130 : i32 to index
          %parallel_loop3A_132 = tpu.vector_load %arg10[%parallel_loop3A_131] {strides = array<i32>} : memref<16384xi32, #tpu.memory_space<vmem>>, vector<16xi32>,
          %parallel_loop3A_133 = tpu.vector_load_idx %arg9[%parallel_loop3A_132] : memref<100000xf32, #tpu.memory_space<vmem>>[vector<16xi32>], vector<16xf32>,
          %parallel_loop3A_134 = arith.index_cast %parallel_loop3A_126 : i32 to index
          %parallel_loop3A_135 = tpu.vector_load %arg12[%parallel_loop3A_134] {strides = array<i32>} : memref<4096xf32, #tpu.memory_space<vmem>>, vector<16xf32>,
          tpu.vector_store %arg12[%parallel_loop3A_134], %parallel_loop3A_133 {strides = array<i32>} : memref<4096xf32, #tpu.memory_space<vmem>>, vector<16xf32>,
        } {sc.loop_unroll_factor = 8 : i64, sc.parallel_access}
        "tpu.region"() ({
          %run_scoped3A = tpu.sem_alloc : memref<!tpu.dma_semaphore, #tpu.memory_space<semaphore_mem>>
          %dma_start3A_124 = arith.constant 12288 : i32
          %dma_start3A_125 = tpu.memref_slice %arg7[%add3A_102, %dma_start3A_124] : memref<64x16384xf32, #tpu.memory_space<hbm>> -> memref<1x4096xf32, #tpu.memory_space<hbm>>
          %dma_start3A_126 = tpu.memref_squeeze %dma_start3A_125 : memref<1x4096xf32, #tpu.memory_space<hbm>> -> memref<4096xf32, #tpu.memory_space<hbm>>
          %dma_start3A_127 = arith.constant 12288 : i32
          %dma_start3A_128 = tpu.memref_slice %arg7[%add3A_102, %dma_start3A_127] : memref<64x16384xf32, #tpu.memory_space<hbm>> -> memref<1x4096xf32, #tpu.memory_space<hbm>>
          %dma_start3A_129 = tpu.memref_squeeze %dma_start3A_128 : memref<1x4096xf32, #tpu.memory_space<hbm>> -> memref<4096xf32, #tpu.memory_space<hbm>>
          tpu.enqueue_dma source(%arg12 : memref<4096xf32, #tpu.memory_space<vmem>>) target(%dma_start3A_129 : memref<4096xf32, #tpu.memory_space<hbm>>) target_semaphore(%run_scoped3A : memref<!tpu.dma_semaphore, #tpu.memory_space<semaphore_mem>>)
          %dma_wait3A_130 = arith.constant 12288 : i32
          %dma_wait3A_131 = tpu.memref_slice %arg7[%add3A_102, %dma_wait3A_130] : memref<64x16384xf32, #tpu.memory_space<hbm>> -> memref<1x4096xf32, #tpu.memory_space<hbm>>
          %dma_wait3A_132 = tpu.memref_squeeze %dma_wait3A_131 : memref<1x4096xf32, #tpu.memory_space<hbm>> -> memref<4096xf32, #tpu.memory_space<hbm>>
          %dma_wait3A_133 = arith.constant 12288 : i32
          %dma_wait3A_134 = tpu.memref_slice %arg7[%add3A_102, %dma_wait3A_133] : memref<64x16384xf32, #tpu.memory_space<hbm>> -> memref<1x4096xf32, #tpu.memory_space<hbm>>
          %dma_wait3A_135 = tpu.memref_squeeze %dma_wait3A_134 : memref<1x4096xf32, #tpu.memory_space<hbm>> -> memref<4096xf32, #tpu.memory_space<hbm>>
          tpu.wait_dma2 semaphore(%run_scoped3A : memref<!tpu.dma_semaphore, #tpu.memory_space<semaphore_mem>>) src(%arg12 : memref<4096xf32, #tpu.memory_space<vmem>>) dst(%dma_wait3A_135 : memref<4096xf32, #tpu.memory_space<hbm>>)
          tpu.yield
        }) : () -> ()
      }
      %scan3A_38 = arith.constant 2 : i32
      tpu.enqueue_dma source(%arg3 : memref<16384xi32, #tpu.memory_space<hbm>>) target(%arg10 : memref<16384xi32, #tpu.memory_space<vmem>>) target_semaphore(%arg14 : memref<!tpu.dma_semaphore, #tpu.memory_space<semaphore_mem>>)
      tpu.wait_dma2 semaphore(%arg14 : memref<!tpu.dma_semaphore, #tpu.memory_space<semaphore_mem>>) src(%arg3 : memref<16384xi32, #tpu.memory_space<hbm>>) dst(%arg10 : memref<16384xi32, #tpu.memory_space<vmem>>)
      %scan3A_39 = arith.constant 0 : i32
      %scan3A_40 = arith.constant 0 : i32
      %scan3A_41 = arith.constant 2 : i32
      %scan3A_42 = arith.addi %scan3A_40, %scan3A_41 : i32
      %scan3A_43 = arith.constant 1 : i32
      scf.for %scan3A_45 = %scan3A_40 to %scan3A_42 step %scan3A_43  : i32 {
        %mul3A_46 = arith.constant 2 : i32
        %mul3A_47 = arith.muli %add3A, %mul3A_46 : i32
        %jit3A_48 = arith.constant 2 : i32
        %div3A = arith.divsi %add3A, %jit3A_48 : i32
        %sign3A = arith.constant 0 : i32
        %sign3A_49 = arith.cmpi sgt, %add3A, %sign3A : i32
        %sign3A_50 = arith.extui %sign3A_49 : i1 to i32
        %sign3A_51 = arith.constant 0 : i32
        %sign3A_52 = arith.cmpi slt, %add3A, %sign3A_51 : i32
        %sign3A_53 = arith.extui %sign3A_52 : i1 to i32
        %sign3A_54 = arith.subi %sign3A_50, %sign3A_53 : i32
        %sign3A_55 = arith.constant 0 : i32
        %sign3A_56 = arith.cmpi sgt, %jit3A_48, %sign3A_55 : i32
        %sign3A_57 = arith.extui %sign3A_56 : i1 to i32
        %sign3A_58 = arith.constant 0 : i32
        %sign3A_59 = arith.cmpi slt, %jit3A_48, %sign3A_58 : i32
        %sign3A_60 = arith.extui %sign3A_59 : i1 to i32
        %sign3A_61 = arith.subi %sign3A_57, %sign3A_60 : i32
        %ne3A_62 = arith.cmpi ne, %sign3A_54, %sign3A_61 : i32
        %rem3A_63 = arith.remsi %add3A, %jit3A_48 : i32
        %ne3A_64 = arith.constant 0 : i32
        %ne3A_65 = arith.cmpi ne, %rem3A_63, %ne3A_64 : i32
        %and3A_66 = arith.andi %ne3A_62, %ne3A_65 : i1
        %sub3A = arith.constant 1 : i32
        %sub3A_67 = arith.subi %div3A, %sub3A : i32
        %select_n3A_68 = arith.select %and3A_66, %sub3A_67, %div3A : i32
        %jit3A_69 = arith.constant 2 : i32
        %eq3A_70 = arith.constant 0 : i32
        %eq3A_71 = arith.cmpi eq, %jit3A_69, %eq3A_70 : i32
        %jit3A_72 = arith.constant 1 : i32
        %select_n3A_73 = arith.select %eq3A_71, %jit3A_72, %jit3A_69 : i32
        %rem3A_74 = arith.remsi %select_n3A_68, %select_n3A_73 : i32
        %ne3A_75 = arith.constant 0 : i32
        %ne3A_76 = arith.cmpi ne, %rem3A_74, %ne3A_75 : i32
        %lt3A_77 = arith.constant 0 : i32
        %lt3A_78 = arith.cmpi slt, %rem3A_74, %lt3A_77 : i32
        %lt3A_79 = arith.constant 0 : i32
        %lt3A_80 = arith.cmpi slt, %select_n3A_73, %lt3A_79 : i32
        %ne3A_81 = arith.xori %lt3A_78, %lt3A_80 : i1
        %and3A_82 = arith.andi %ne3A_81, %ne3A_76 : i1
        %add3A_83 = arith.addi %rem3A_74, %select_n3A_73 : i32
        %select_n3A_84 = arith.select %and3A_82, %add3A_83, %rem3A_74 : i32
        %add3A_85 = arith.addi %scan3A_45, %select_n3A_84 : i32
        %jit3A_86 = arith.constant 2 : i32
        %eq3A_87 = arith.constant 0 : i32
        %eq3A_88 = arith.cmpi eq, %jit3A_86, %eq3A_87 : i32
        %jit3A_89 = arith.constant 1 : i32
        %select_n3A_90 = arith.select %eq3A_88, %jit3A_89, %jit3A_86 : i32
        %rem3A_91 = arith.remsi %add3A_85, %select_n3A_90 : i32
        %ne3A_92 = arith.constant 0 : i32
        %ne3A_93 = arith.cmpi ne, %rem3A_91, %ne3A_92 : i32
        %lt3A_94 = arith.constant 0 : i32
        %lt3A_95 = arith.cmpi slt, %rem3A_91, %lt3A_94 : i32
        %lt3A_96 = arith.constant 0 : i32
        %lt3A_97 = arith.cmpi slt, %select_n3A_90, %lt3A_96 : i32
        %ne3A_98 = arith.xori %lt3A_95, %lt3A_97 : i1
        %and3A_99 = arith.andi %ne3A_98, %ne3A_93 : i1
        %add3A_100 = arith.addi %rem3A_91, %select_n3A_90 : i32
        %select_n3A_101 = arith.select %and3A_99, %add3A_100, %rem3A_91 : i32
        %add3A_102 = arith.addi %mul3A_47, %select_n3A_101 : i32
        %dma_start3A = arith.constant 0 : i32
        %dma_start3A_103 = tpu.memref_slice %arg6[%add3A_102, %dma_start3A] : memref<64x100000xf32, #tpu.memory_space<hbm>> -> memref<1x100000xf32, #tpu.memory_space<hbm>>
        %dma_start3A_104 = tpu.memref_squeeze %dma_start3A_103 : memref<1x100000xf32, #tpu.memory_space<hbm>> -> memref<100000xf32, #tpu.memory_space<hbm>>
        %dma_start3A_105 = arith.constant 0 : i32
        %dma_start3A_106 = tpu.memref_slice %arg6[%add3A_102, %dma_start3A_105] : memref<64x100000xf32, #tpu.memory_space<hbm>> -> memref<1x100000xf32, #tpu.memory_space<hbm>>
        %dma_start3A_107 = tpu.memref_squeeze %dma_start3A_106 : memref<1x100000xf32, #tpu.memory_space<hbm>> -> memref<100000xf32, #tpu.memory_space<hbm>>
        tpu.enqueue_dma source(%dma_start3A_107 : memref<100000xf32, #tpu.memory_space<hbm>>) target(%arg9 : memref<100000xf32, #tpu.memory_space<vmem>>) target_semaphore(%arg13 : memref<!tpu.dma_semaphore, #tpu.memory_space<semaphore_mem>>)
        %dma_wait3A = arith.constant 0 : i32
        %dma_wait3A_108 = tpu.memref_slice %arg6[%add3A_102, %dma_wait3A] : memref<64x100000xf32, #tpu.memory_space<hbm>> -> memref<1x100000xf32, #tpu.memory_space<hbm>>
        %dma_wait3A_109 = tpu.memref_squeeze %dma_wait3A_108 : memref<1x100000xf32, #tpu.memory_space<hbm>> -> memref<100000xf32, #tpu.memory_space<hbm>>
        %dma_wait3A_110 = arith.constant 0 : i32
        %dma_wait3A_111 = tpu.memref_slice %arg6[%add3A_102, %dma_wait3A_110] : memref<64x100000xf32, #tpu.memory_space<hbm>> -> memref<1x100000xf32, #tpu.memory_space<hbm>>
        %dma_wait3A_112 = tpu.memref_squeeze %dma_wait3A_111 : memref<1x100000xf32, #tpu.memory_space<hbm>> -> memref<100000xf32, #tpu.memory_space<hbm>>
        tpu.wait_dma2 semaphore(%arg13 : memref<!tpu.dma_semaphore, #tpu.memory_space<semaphore_mem>>) src(%dma_wait3A_112 : memref<100000xf32, #tpu.memory_space<hbm>>) dst(%arg9 : memref<100000xf32, #tpu.memory_space<vmem>>)
        "tpu.region"() ({
          %run_scoped3A = tpu.sem_alloc : memref<!tpu.dma_semaphore, #tpu.memory_space<semaphore_mem>>
          %dma_start3A_124 = arith.constant 0 : i32
          %dma_start3A_125 = tpu.memref_slice %arg4[%dma_start3A_124] : memref<16384xi32, #tpu.memory_space<hbm>> -> memref<4096xi32, #tpu.memory_space<hbm>>
          %dma_start3A_126 = arith.constant 0 : i32
          %dma_start3A_127 = tpu.memref_slice %arg4[%dma_start3A_126] : memref<16384xi32, #tpu.memory_space<hbm>> -> memref<4096xi32, #tpu.memory_space<hbm>>
          tpu.enqueue_dma source(%dma_start3A_127 : memref<4096xi32, #tpu.memory_space<hbm>>) target(%arg11 : memref<4096xi32, #tpu.memory_space<vmem>>) target_semaphore(%run_scoped3A : memref<!tpu.dma_semaphore, #tpu.memory_space<semaphore_mem>>)
          %dma_wait3A_128 = arith.constant 0 : i32
          %dma_wait3A_129 = tpu.memref_slice %arg4[%dma_wait3A_128] : memref<16384xi32, #tpu.memory_space<hbm>> -> memref<4096xi32, #tpu.memory_space<hbm>>
          %dma_wait3A_130 = arith.constant 0 : i32
          %dma_wait3A_131 = tpu.memref_slice %arg4[%dma_wait3A_130] : memref<16384xi32, #tpu.memory_space<hbm>> -> memref<4096xi32, #tpu.memory_space<hbm>>
          tpu.wait_dma2 semaphore(%run_scoped3A : memref<!tpu.dma_semaphore, #tpu.memory_space<semaphore_mem>>) src(%dma_wait3A_131 : memref<4096xi32, #tpu.memory_space<hbm>>) dst(%arg11 : memref<4096xi32, #tpu.memory_space<vmem>>)
          tpu.yield
        }) : () -> ()
        %parallel_loop3A = arith.constant 0 : i32
        %parallel_loop3A_113 = arith.constant 256 : i32
        %parallel_loop3A_114 = arith.constant 1 : i32
        scf.for %parallel_loop3A_124 = %parallel_loop3A to %parallel_loop3A_113 step %parallel_loop3A_114  : i32 {
          %parallel_loop3A_125 = arith.constant 16 : i32
          %parallel_loop3A_126 = arith.muli %parallel_loop3A_124, %parallel_loop3A_125 : i32
          %parallel_loop3A_127 = arith.constant 16 : i32
          %parallel_loop3A_128 = arith.muli %parallel_loop3A_124, %parallel_loop3A_127 : i32
          %parallel_loop3A_129 = arith.constant 0 : i32
          %parallel_loop3A_130 = arith.addi %parallel_loop3A_129, %parallel_loop3A_128 : i32
          %parallel_loop3A_131 = arith.index_cast %parallel_loop3A_130 : i32 to index
          %parallel_loop3A_132 = tpu.vector_load %arg10[%parallel_loop3A_131] {strides = array<i32>} : memref<16384xi32, #tpu.memory_space<vmem>>, vector<16xi32>,
          %parallel_loop3A_133 = tpu.vector_load_idx %arg9[%parallel_loop3A_132] : memref<100000xf32, #tpu.memory_space<vmem>>[vector<16xi32>], vector<16xf32>,
          %parallel_loop3A_134 = arith.index_cast %parallel_loop3A_126 : i32 to index
          %parallel_loop3A_135 = tpu.vector_load %arg11[%parallel_loop3A_134] {strides = array<i32>} : memref<4096xi32, #tpu.memory_space<vmem>>, vector<16xi32>,
          %parallel_loop3A_136 = tpu.vector_load_idx %arg9[%parallel_loop3A_135] : memref<100000xf32, #tpu.memory_space<vmem>>[vector<16xi32>], vector<16xf32>,
          %parallel_loop3A_137 = arith.subf %parallel_loop3A_133, %parallel_loop3A_136 : vector<16xf32>
          %parallel_loop3A_138 = arith.index_cast %parallel_loop3A_126 : i32 to index
          %parallel_loop3A_139 = tpu.vector_load %arg12[%parallel_loop3A_138] {strides = array<i32>} : memref<4096xf32, #tpu.memory_space<vmem>>, vector<16xf32>,
          tpu.vector_store %arg12[%parallel_loop3A_138], %parallel_loop3A_137 {strides = array<i32>} : memref<4096xf32, #tpu.memory_space<vmem>>, vector<16xf32>,
        } {sc.loop_unroll_factor = 8 : i64, sc.parallel_access}
        "tpu.region"() ({
          %run_scoped3A = tpu.sem_alloc : memref<!tpu.dma_semaphore, #tpu.memory_space<semaphore_mem>>
          %dma_start3A_124 = arith.constant 0 : i32
          %dma_start3A_125 = tpu.memref_slice %arg8[%add3A_102, %dma_start3A_124] : memref<64x16384xf32, #tpu.memory_space<hbm>> -> memref<1x4096xf32, #tpu.memory_space<hbm>>
          %dma_start3A_126 = tpu.memref_squeeze %dma_start3A_125 : memref<1x4096xf32, #tpu.memory_space<hbm>> -> memref<4096xf32, #tpu.memory_space<hbm>>
          %dma_start3A_127 = arith.constant 0 : i32
          %dma_start3A_128 = tpu.memref_slice %arg8[%add3A_102, %dma_start3A_127] : memref<64x16384xf32, #tpu.memory_space<hbm>> -> memref<1x4096xf32, #tpu.memory_space<hbm>>
          %dma_start3A_129 = tpu.memref_squeeze %dma_start3A_128 : memref<1x4096xf32, #tpu.memory_space<hbm>> -> memref<4096xf32, #tpu.memory_space<hbm>>
          tpu.enqueue_dma source(%arg12 : memref<4096xf32, #tpu.memory_space<vmem>>) target(%dma_start3A_129 : memref<4096xf32, #tpu.memory_space<hbm>>) target_semaphore(%run_scoped3A : memref<!tpu.dma_semaphore, #tpu.memory_space<semaphore_mem>>)
          %dma_wait3A_130 = arith.constant 0 : i32
          %dma_wait3A_131 = tpu.memref_slice %arg8[%add3A_102, %dma_wait3A_130] : memref<64x16384xf32, #tpu.memory_space<hbm>> -> memref<1x4096xf32, #tpu.memory_space<hbm>>
          %dma_wait3A_132 = tpu.memref_squeeze %dma_wait3A_131 : memref<1x4096xf32, #tpu.memory_space<hbm>> -> memref<4096xf32, #tpu.memory_space<hbm>>
          %dma_wait3A_133 = arith.constant 0 : i32
          %dma_wait3A_134 = tpu.memref_slice %arg8[%add3A_102, %dma_wait3A_133] : memref<64x16384xf32, #tpu.memory_space<hbm>> -> memref<1x4096xf32, #tpu.memory_space<hbm>>
          %dma_wait3A_135 = tpu.memref_squeeze %dma_wait3A_134 : memref<1x4096xf32, #tpu.memory_space<hbm>> -> memref<4096xf32, #tpu.memory_space<hbm>>
          tpu.wait_dma2 semaphore(%run_scoped3A : memref<!tpu.dma_semaphore, #tpu.memory_space<semaphore_mem>>) src(%arg12 : memref<4096xf32, #tpu.memory_space<vmem>>) dst(%dma_wait3A_135 : memref<4096xf32, #tpu.memory_space<hbm>>)
          tpu.yield
        }) : () -> ()
        "tpu.region"() ({
          %run_scoped3A = tpu.sem_alloc : memref<!tpu.dma_semaphore, #tpu.memory_space<semaphore_mem>>
          %dma_start3A_124 = arith.constant 4096 : i32
          %dma_start3A_125 = tpu.memref_slice %arg4[%dma_start3A_124] : memref<16384xi32, #tpu.memory_space<hbm>> -> memref<4096xi32, #tpu.memory_space<hbm>>
          %dma_start3A_126 = arith.constant 4096 : i32
          %dma_start3A_127 = tpu.memref_slice %arg4[%dma_start3A_126] : memref<16384xi32, #tpu.memory_space<hbm>> -> memref<4096xi32, #tpu.memory_space<hbm>>
          tpu.enqueue_dma source(%dma_start3A_127 : memref<4096xi32, #tpu.memory_space<hbm>>) target(%arg11 : memref<4096xi32, #tpu.memory_space<vmem>>) target_semaphore(%run_scoped3A : memref<!tpu.dma_semaphore, #tpu.memory_space<semaphore_mem>>)
          %dma_wait3A_128 = arith.constant 4096 : i32
          %dma_wait3A_129 = tpu.memref_slice %arg4[%dma_wait3A_128] : memref<16384xi32, #tpu.memory_space<hbm>> -> memref<4096xi32, #tpu.memory_space<hbm>>
          %dma_wait3A_130 = arith.constant 4096 : i32
          %dma_wait3A_131 = tpu.memref_slice %arg4[%dma_wait3A_130] : memref<16384xi32, #tpu.memory_space<hbm>> -> memref<4096xi32, #tpu.memory_space<hbm>>
          tpu.wait_dma2 semaphore(%run_scoped3A : memref<!tpu.dma_semaphore, #tpu.memory_space<semaphore_mem>>) src(%dma_wait3A_131 : memref<4096xi32, #tpu.memory_space<hbm>>) dst(%arg11 : memref<4096xi32, #tpu.memory_space<vmem>>)
          tpu.yield
        }) : () -> ()
        %parallel_loop3A_115 = arith.constant 0 : i32
        %parallel_loop3A_116 = arith.constant 256 : i32
        %parallel_loop3A_117 = arith.constant 1 : i32
        scf.for %parallel_loop3A_124 = %parallel_loop3A_115 to %parallel_loop3A_116 step %parallel_loop3A_117  : i32 {
          %parallel_loop3A_125 = arith.constant 16 : i32
          %parallel_loop3A_126 = arith.muli %parallel_loop3A_124, %parallel_loop3A_125 : i32
          %parallel_loop3A_127 = arith.constant 16 : i32
          %parallel_loop3A_128 = arith.muli %parallel_loop3A_124, %parallel_loop3A_127 : i32
          %parallel_loop3A_129 = arith.constant 4096 : i32
          %parallel_loop3A_130 = arith.addi %parallel_loop3A_129, %parallel_loop3A_128 : i32
          %parallel_loop3A_131 = arith.index_cast %parallel_loop3A_130 : i32 to index
          %parallel_loop3A_132 = tpu.vector_load %arg10[%parallel_loop3A_131] {strides = array<i32>} : memref<16384xi32, #tpu.memory_space<vmem>>, vector<16xi32>,
          %parallel_loop3A_133 = tpu.vector_load_idx %arg9[%parallel_loop3A_132] : memref<100000xf32, #tpu.memory_space<vmem>>[vector<16xi32>], vector<16xf32>,
          %parallel_loop3A_134 = arith.index_cast %parallel_loop3A_126 : i32 to index
          %parallel_loop3A_135 = tpu.vector_load %arg11[%parallel_loop3A_134] {strides = array<i32>} : memref<4096xi32, #tpu.memory_space<vmem>>, vector<16xi32>,
          %parallel_loop3A_136 = tpu.vector_load_idx %arg9[%parallel_loop3A_135] : memref<100000xf32, #tpu.memory_space<vmem>>[vector<16xi32>], vector<16xf32>,
          %parallel_loop3A_137 = arith.subf %parallel_loop3A_133, %parallel_loop3A_136 : vector<16xf32>
          %parallel_loop3A_138 = arith.index_cast %parallel_loop3A_126 : i32 to index
          %parallel_loop3A_139 = tpu.vector_load %arg12[%parallel_loop3A_138] {strides = array<i32>} : memref<4096xf32, #tpu.memory_space<vmem>>, vector<16xf32>,
          tpu.vector_store %arg12[%parallel_loop3A_138], %parallel_loop3A_137 {strides = array<i32>} : memref<4096xf32, #tpu.memory_space<vmem>>, vector<16xf32>,
        } {sc.loop_unroll_factor = 8 : i64, sc.parallel_access}
        "tpu.region"() ({
          %run_scoped3A = tpu.sem_alloc : memref<!tpu.dma_semaphore, #tpu.memory_space<semaphore_mem>>
          %dma_start3A_124 = arith.constant 4096 : i32
          %dma_start3A_125 = tpu.memref_slice %arg8[%add3A_102, %dma_start3A_124] : memref<64x16384xf32, #tpu.memory_space<hbm>> -> memref<1x4096xf32, #tpu.memory_space<hbm>>
          %dma_start3A_126 = tpu.memref_squeeze %dma_start3A_125 : memref<1x4096xf32, #tpu.memory_space<hbm>> -> memref<4096xf32, #tpu.memory_space<hbm>>
          %dma_start3A_127 = arith.constant 4096 : i32
          %dma_start3A_128 = tpu.memref_slice %arg8[%add3A_102, %dma_start3A_127] : memref<64x16384xf32, #tpu.memory_space<hbm>> -> memref<1x4096xf32, #tpu.memory_space<hbm>>
          %dma_start3A_129 = tpu.memref_squeeze %dma_start3A_128 : memref<1x4096xf32, #tpu.memory_space<hbm>> -> memref<4096xf32, #tpu.memory_space<hbm>>
          tpu.enqueue_dma source(%arg12 : memref<4096xf32, #tpu.memory_space<vmem>>) target(%dma_start3A_129 : memref<4096xf32, #tpu.memory_space<hbm>>) target_semaphore(%run_scoped3A : memref<!tpu.dma_semaphore, #tpu.memory_space<semaphore_mem>>)
          %dma_wait3A_130 = arith.constant 4096 : i32
          %dma_wait3A_131 = tpu.memref_slice %arg8[%add3A_102, %dma_wait3A_130] : memref<64x16384xf32, #tpu.memory_space<hbm>> -> memref<1x4096xf32, #tpu.memory_space<hbm>>
          %dma_wait3A_132 = tpu.memref_squeeze %dma_wait3A_131 : memref<1x4096xf32, #tpu.memory_space<hbm>> -> memref<4096xf32, #tpu.memory_space<hbm>>
          %dma_wait3A_133 = arith.constant 4096 : i32
          %dma_wait3A_134 = tpu.memref_slice %arg8[%add3A_102, %dma_wait3A_133] : memref<64x16384xf32, #tpu.memory_space<hbm>> -> memref<1x4096xf32, #tpu.memory_space<hbm>>
          %dma_wait3A_135 = tpu.memref_squeeze %dma_wait3A_134 : memref<1x4096xf32, #tpu.memory_space<hbm>> -> memref<4096xf32, #tpu.memory_space<hbm>>
          tpu.wait_dma2 semaphore(%run_scoped3A : memref<!tpu.dma_semaphore, #tpu.memory_space<semaphore_mem>>) src(%arg12 : memref<4096xf32, #tpu.memory_space<vmem>>) dst(%dma_wait3A_135 : memref<4096xf32, #tpu.memory_space<hbm>>)
          tpu.yield
        }) : () -> ()
        "tpu.region"() ({
          %run_scoped3A = tpu.sem_alloc : memref<!tpu.dma_semaphore, #tpu.memory_space<semaphore_mem>>
          %dma_start3A_124 = arith.constant 8192 : i32
          %dma_start3A_125 = tpu.memref_slice %arg4[%dma_start3A_124] : memref<16384xi32, #tpu.memory_space<hbm>> -> memref<4096xi32, #tpu.memory_space<hbm>>
          %dma_start3A_126 = arith.constant 8192 : i32
          %dma_start3A_127 = tpu.memref_slice %arg4[%dma_start3A_126] : memref<16384xi32, #tpu.memory_space<hbm>> -> memref<4096xi32, #tpu.memory_space<hbm>>
          tpu.enqueue_dma source(%dma_start3A_127 : memref<4096xi32, #tpu.memory_space<hbm>>) target(%arg11 : memref<4096xi32, #tpu.memory_space<vmem>>) target_semaphore(%run_scoped3A : memref<!tpu.dma_semaphore, #tpu.memory_space<semaphore_mem>>)
          %dma_wait3A_128 = arith.constant 8192 : i32
          %dma_wait3A_129 = tpu.memref_slice %arg4[%dma_wait3A_128] : memref<16384xi32, #tpu.memory_space<hbm>> -> memref<4096xi32, #tpu.memory_space<hbm>>
          %dma_wait3A_130 = arith.constant 8192 : i32
          %dma_wait3A_131 = tpu.memref_slice %arg4[%dma_wait3A_130] : memref<16384xi32, #tpu.memory_space<hbm>> -> memref<4096xi32, #tpu.memory_space<hbm>>
          tpu.wait_dma2 semaphore(%run_scoped3A : memref<!tpu.dma_semaphore, #tpu.memory_space<semaphore_mem>>) src(%dma_wait3A_131 : memref<4096xi32, #tpu.memory_space<hbm>>) dst(%arg11 : memref<4096xi32, #tpu.memory_space<vmem>>)
          tpu.yield
        }) : () -> ()
        %parallel_loop3A_118 = arith.constant 0 : i32
        %parallel_loop3A_119 = arith.constant 256 : i32
        %parallel_loop3A_120 = arith.constant 1 : i32
        scf.for %parallel_loop3A_124 = %parallel_loop3A_118 to %parallel_loop3A_119 step %parallel_loop3A_120  : i32 {
          %parallel_loop3A_125 = arith.constant 16 : i32
          %parallel_loop3A_126 = arith.muli %parallel_loop3A_124, %parallel_loop3A_125 : i32
          %parallel_loop3A_127 = arith.constant 16 : i32
          %parallel_loop3A_128 = arith.muli %parallel_loop3A_124, %parallel_loop3A_127 : i32
          %parallel_loop3A_129 = arith.constant 8192 : i32
          %parallel_loop3A_130 = arith.addi %parallel_loop3A_129, %parallel_loop3A_128 : i32
          %parallel_loop3A_131 = arith.index_cast %parallel_loop3A_130 : i32 to index
          %parallel_loop3A_132 = tpu.vector_load %arg10[%parallel_loop3A_131] {strides = array<i32>} : memref<16384xi32, #tpu.memory_space<vmem>>, vector<16xi32>,
          %parallel_loop3A_133 = tpu.vector_load_idx %arg9[%parallel_loop3A_132] : memref<100000xf32, #tpu.memory_space<vmem>>[vector<16xi32>], vector<16xf32>,
          %parallel_loop3A_134 = arith.index_cast %parallel_loop3A_126 : i32 to index
          %parallel_loop3A_135 = tpu.vector_load %arg11[%parallel_loop3A_134] {strides = array<i32>} : memref<4096xi32, #tpu.memory_space<vmem>>, vector<16xi32>,
          %parallel_loop3A_136 = tpu.vector_load_idx %arg9[%parallel_loop3A_135] : memref<100000xf32, #tpu.memory_space<vmem>>[vector<16xi32>], vector<16xf32>,
          %parallel_loop3A_137 = arith.subf %parallel_loop3A_133, %parallel_loop3A_136 : vector<16xf32>
          %parallel_loop3A_138 = arith.index_cast %parallel_loop3A_126 : i32 to index
          %parallel_loop3A_139 = tpu.vector_load %arg12[%parallel_loop3A_138] {strides = array<i32>} : memref<4096xf32, #tpu.memory_space<vmem>>, vector<16xf32>,
          tpu.vector_store %arg12[%parallel_loop3A_138], %parallel_loop3A_137 {strides = array<i32>} : memref<4096xf32, #tpu.memory_space<vmem>>, vector<16xf32>,
        } {sc.loop_unroll_factor = 8 : i64, sc.parallel_access}
        "tpu.region"() ({
          %run_scoped3A = tpu.sem_alloc : memref<!tpu.dma_semaphore, #tpu.memory_space<semaphore_mem>>
          %dma_start3A_124 = arith.constant 8192 : i32
          %dma_start3A_125 = tpu.memref_slice %arg8[%add3A_102, %dma_start3A_124] : memref<64x16384xf32, #tpu.memory_space<hbm>> -> memref<1x4096xf32, #tpu.memory_space<hbm>>
          %dma_start3A_126 = tpu.memref_squeeze %dma_start3A_125 : memref<1x4096xf32, #tpu.memory_space<hbm>> -> memref<4096xf32, #tpu.memory_space<hbm>>
          %dma_start3A_127 = arith.constant 8192 : i32
          %dma_start3A_128 = tpu.memref_slice %arg8[%add3A_102, %dma_start3A_127] : memref<64x16384xf32, #tpu.memory_space<hbm>> -> memref<1x4096xf32, #tpu.memory_space<hbm>>
          %dma_start3A_129 = tpu.memref_squeeze %dma_start3A_128 : memref<1x4096xf32, #tpu.memory_space<hbm>> -> memref<4096xf32, #tpu.memory_space<hbm>>
          tpu.enqueue_dma source(%arg12 : memref<4096xf32, #tpu.memory_space<vmem>>) target(%dma_start3A_129 : memref<4096xf32, #tpu.memory_space<hbm>>) target_semaphore(%run_scoped3A : memref<!tpu.dma_semaphore, #tpu.memory_space<semaphore_mem>>)
          %dma_wait3A_130 = arith.constant 8192 : i32
          %dma_wait3A_131 = tpu.memref_slice %arg8[%add3A_102, %dma_wait3A_130] : memref<64x16384xf32, #tpu.memory_space<hbm>> -> memref<1x4096xf32, #tpu.memory_space<hbm>>
          %dma_wait3A_132 = tpu.memref_squeeze %dma_wait3A_131 : memref<1x4096xf32, #tpu.memory_space<hbm>> -> memref<4096xf32, #tpu.memory_space<hbm>>
          %dma_wait3A_133 = arith.constant 8192 : i32
          %dma_wait3A_134 = tpu.memref_slice %arg8[%add3A_102, %dma_wait3A_133] : memref<64x16384xf32, #tpu.memory_space<hbm>> -> memref<1x4096xf32, #tpu.memory_space<hbm>>
          %dma_wait3A_135 = tpu.memref_squeeze %dma_wait3A_134 : memref<1x4096xf32, #tpu.memory_space<hbm>> -> memref<4096xf32, #tpu.memory_space<hbm>>
          tpu.wait_dma2 semaphore(%run_scoped3A : memref<!tpu.dma_semaphore, #tpu.memory_space<semaphore_mem>>) src(%arg12 : memref<4096xf32, #tpu.memory_space<vmem>>) dst(%dma_wait3A_135 : memref<4096xf32, #tpu.memory_space<hbm>>)
          tpu.yield
        }) : () -> ()
        "tpu.region"() ({
          %run_scoped3A = tpu.sem_alloc : memref<!tpu.dma_semaphore, #tpu.memory_space<semaphore_mem>>
          %dma_start3A_124 = arith.constant 12288 : i32
          %dma_start3A_125 = tpu.memref_slice %arg4[%dma_start3A_124] : memref<16384xi32, #tpu.memory_space<hbm>> -> memref<4096xi32, #tpu.memory_space<hbm>>
          %dma_start3A_126 = arith.constant 12288 : i32
          %dma_start3A_127 = tpu.memref_slice %arg4[%dma_start3A_126] : memref<16384xi32, #tpu.memory_space<hbm>> -> memref<4096xi32, #tpu.memory_space<hbm>>
          tpu.enqueue_dma source(%dma_start3A_127 : memref<4096xi32, #tpu.memory_space<hbm>>) target(%arg11 : memref<4096xi32, #tpu.memory_space<vmem>>) target_semaphore(%run_scoped3A : memref<!tpu.dma_semaphore, #tpu.memory_space<semaphore_mem>>)
          %dma_wait3A_128 = arith.constant 12288 : i32
          %dma_wait3A_129 = tpu.memref_slice %arg4[%dma_wait3A_128] : memref<16384xi32, #tpu.memory_space<hbm>> -> memref<4096xi32, #tpu.memory_space<hbm>>
          %dma_wait3A_130 = arith.constant 12288 : i32
          %dma_wait3A_131 = tpu.memref_slice %arg4[%dma_wait3A_130] : memref<16384xi32, #tpu.memory_space<hbm>> -> memref<4096xi32, #tpu.memory_space<hbm>>
          tpu.wait_dma2 semaphore(%run_scoped3A : memref<!tpu.dma_semaphore, #tpu.memory_space<semaphore_mem>>) src(%dma_wait3A_131 : memref<4096xi32, #tpu.memory_space<hbm>>) dst(%arg11 : memref<4096xi32, #tpu.memory_space<vmem>>)
          tpu.yield
        }) : () -> ()
        %parallel_loop3A_121 = arith.constant 0 : i32
        %parallel_loop3A_122 = arith.constant 256 : i32
        %parallel_loop3A_123 = arith.constant 1 : i32
        scf.for %parallel_loop3A_124 = %parallel_loop3A_121 to %parallel_loop3A_122 step %parallel_loop3A_123  : i32 {
          %parallel_loop3A_125 = arith.constant 16 : i32
          %parallel_loop3A_126 = arith.muli %parallel_loop3A_124, %parallel_loop3A_125 : i32
          %parallel_loop3A_127 = arith.constant 16 : i32
          %parallel_loop3A_128 = arith.muli %parallel_loop3A_124, %parallel_loop3A_127 : i32
          %parallel_loop3A_129 = arith.constant 12288 : i32
          %parallel_loop3A_130 = arith.addi %parallel_loop3A_129, %parallel_loop3A_128 : i32
          %parallel_loop3A_131 = arith.index_cast %parallel_loop3A_130 : i32 to index
          %parallel_loop3A_132 = tpu.vector_load %arg10[%parallel_loop3A_131] {strides = array<i32>} : memref<16384xi32, #tpu.memory_space<vmem>>, vector<16xi32>,
          %parallel_loop3A_133 = tpu.vector_load_idx %arg9[%parallel_loop3A_132] : memref<100000xf32, #tpu.memory_space<vmem>>[vector<16xi32>], vector<16xf32>,
          %parallel_loop3A_134 = arith.index_cast %parallel_loop3A_126 : i32 to index
          %parallel_loop3A_135 = tpu.vector_load %arg11[%parallel_loop3A_134] {strides = array<i32>} : memref<4096xi32, #tpu.memory_space<vmem>>, vector<16xi32>,
          %parallel_loop3A_136 = tpu.vector_load_idx %arg9[%parallel_loop3A_135] : memref<100000xf32, #tpu.memory_space<vmem>>[vector<16xi32>], vector<16xf32>,
          %parallel_loop3A_137 = arith.subf %parallel_loop3A_133, %parallel_loop3A_136 : vector<16xf32>
          %parallel_loop3A_138 = arith.index_cast %parallel_loop3A_126 : i32 to index
          %parallel_loop3A_139 = tpu.vector_load %arg12[%parallel_loop3A_138] {strides = array<i32>} : memref<4096xf32, #tpu.memory_space<vmem>>, vector<16xf32>,
          tpu.vector_store %arg12[%parallel_loop3A_138], %parallel_loop3A_137 {strides = array<i32>} : memref<4096xf32, #tpu.memory_space<vmem>>, vector<16xf32>,
        } {sc.loop_unroll_factor = 8 : i64, sc.parallel_access}
        "tpu.region"() ({
          %run_scoped3A = tpu.sem_alloc : memref<!tpu.dma_semaphore, #tpu.memory_space<semaphore_mem>>
          %dma_start3A_124 = arith.constant 12288 : i32
          %dma_start3A_125 = tpu.memref_slice %arg8[%add3A_102, %dma_start3A_124] : memref<64x16384xf32, #tpu.memory_space<hbm>> -> memref<1x4096xf32, #tpu.memory_space<hbm>>
          %dma_start3A_126 = tpu.memref_squeeze %dma_start3A_125 : memref<1x4096xf32, #tpu.memory_space<hbm>> -> memref<4096xf32, #tpu.memory_space<hbm>>
          %dma_start3A_127 = arith.constant 12288 : i32
          %dma_start3A_128 = tpu.memref_slice %arg8[%add3A_102, %dma_start3A_127] : memref<64x16384xf32, #tpu.memory_space<hbm>> -> memref<1x4096xf32, #tpu.memory_space<hbm>>
          %dma_start3A_129 = tpu.memref_squeeze %dma_start3A_128 : memref<1x4096xf32, #tpu.memory_space<hbm>> -> memref<4096xf32, #tpu.memory_space<hbm>>
          tpu.enqueue_dma source(%arg12 : memref<4096xf32, #tpu.memory_space<vmem>>) target(%dma_start3A_129 : memref<4096xf32, #tpu.memory_space<hbm>>) target_semaphore(%run_scoped3A : memref<!tpu.dma_semaphore, #tpu.memory_space<semaphore_mem>>)
          %dma_wait3A_130 = arith.constant 12288 : i32
          %dma_wait3A_131 = tpu.memref_slice %arg8[%add3A_102, %dma_wait3A_130] : memref<64x16384xf32, #tpu.memory_space<hbm>> -> memref<1x4096xf32, #tpu.memory_space<hbm>>
          %dma_wait3A_132 = tpu.memref_squeeze %dma_wait3A_131 : memref<1x4096xf32, #tpu.memory_space<hbm>> -> memref<4096xf32, #tpu.memory_space<hbm>>
          %dma_wait3A_133 = arith.constant 12288 : i32
          %dma_wait3A_134 = tpu.memref_slice %arg8[%add3A_102, %dma_wait3A_133] : memref<64x16384xf32, #tpu.memory_space<hbm>> -> memref<1x4096xf32, #tpu.memory_space<hbm>>
          %dma_wait3A_135 = tpu.memref_squeeze %dma_wait3A_134 : memref<1x4096xf32, #tpu.memory_space<hbm>> -> memref<4096xf32, #tpu.memory_space<hbm>>
          tpu.wait_dma2 semaphore(%run_scoped3A : memref<!tpu.dma_semaphore, #tpu.memory_space<semaphore_mem>>) src(%arg12 : memref<4096xf32, #tpu.memory_space<vmem>>) dst(%dma_wait3A_135 : memref<4096xf32, #tpu.memory_space<hbm>>)
          tpu.yield
        }) : () -> ()
      }
      %scan3A_44 = arith.constant 2 : i32
    } else {
    }
    %jit3A_13 = arith.constant 2 : i32
    %eq3A_14 = arith.constant 0 : i32
    %eq3A_15 = arith.cmpi eq, %jit3A_13, %eq3A_14 : i32
    %jit3A_16 = arith.constant 1 : i32
    %select_n3A_17 = arith.select %eq3A_15, %jit3A_16, %jit3A_13 : i32
    %rem3A_18 = arith.remsi %add3A, %select_n3A_17 : i32
    %ne3A_19 = arith.constant 0 : i32
    %ne3A_20 = arith.cmpi ne, %rem3A_18, %ne3A_19 : i32
    %lt3A_21 = arith.constant 0 : i32
    %lt3A_22 = arith.cmpi slt, %rem3A_18, %lt3A_21 : i32
    %lt3A_23 = arith.constant 0 : i32
    %lt3A_24 = arith.cmpi slt, %select_n3A_17, %lt3A_23 : i32
    %ne3A_25 = arith.xori %lt3A_22, %lt3A_24 : i1
    %and3A_26 = arith.andi %ne3A_25, %ne3A_20 : i1
    %add3A_27 = arith.addi %rem3A_18, %select_n3A_17 : i32
    %select_n3A_28 = arith.select %and3A_26, %add3A_27, %rem3A_18 : i32
    %eq3A_29 = arith.constant 1 : i32
    %eq3A_30 = arith.cmpi eq, %select_n3A_28, %eq3A_29 : i32
    %convert_element_type3A_31 = arith.extui %eq3A_30 : i1 to i32
    %cond3A_32 = arith.constant 0 : i32
    %cond3A_33 = arith.cmpi ne, %convert_element_type3A_31, %cond3A_32 : i32
    scf.if %cond3A_33 {
      tpu.enqueue_dma source(%arg3 : memref<16384xi32, #tpu.memory_space<hbm>>) target(%arg10 : memref<16384xi32, #tpu.memory_space<vmem>>) target_semaphore(%arg14 : memref<!tpu.dma_semaphore, #tpu.memory_space<semaphore_mem>>)
      tpu.wait_dma2 semaphore(%arg14 : memref<!tpu.dma_semaphore, #tpu.memory_space<semaphore_mem>>) src(%arg3 : memref<16384xi32, #tpu.memory_space<hbm>>) dst(%arg10 : memref<16384xi32, #tpu.memory_space<vmem>>)
      %scan3A = arith.constant 0 : i32
      %scan3A_34 = arith.constant 0 : i32
      %scan3A_35 = arith.constant 2 : i32
      %scan3A_36 = arith.addi %scan3A_34, %scan3A_35 : i32
      %scan3A_37 = arith.constant 1 : i32
      scf.for %scan3A_45 = %scan3A_34 to %scan3A_36 step %scan3A_37  : i32 {
        %mul3A_46 = arith.constant 2 : i32
        %mul3A_47 = arith.muli %add3A, %mul3A_46 : i32
        %jit3A_48 = arith.constant 2 : i32
        %div3A = arith.divsi %add3A, %jit3A_48 : i32
        %sign3A = arith.constant 0 : i32
        %sign3A_49 = arith.cmpi sgt, %add3A, %sign3A : i32
        %sign3A_50 = arith.extui %sign3A_49 : i1 to i32
        %sign3A_51 = arith.constant 0 : i32
        %sign3A_52 = arith.cmpi slt, %add3A, %sign3A_51 : i32
        %sign3A_53 = arith.extui %sign3A_52 : i1 to i32
        %sign3A_54 = arith.subi %sign3A_50, %sign3A_53 : i32
        %sign3A_55 = arith.constant 0 : i32
        %sign3A_56 = arith.cmpi sgt, %jit3A_48, %sign3A_55 : i32
        %sign3A_57 = arith.extui %sign3A_56 : i1 to i32
        %sign3A_58 = arith.constant 0 : i32
        %sign3A_59 = arith.cmpi slt, %jit3A_48, %sign3A_58 : i32
        %sign3A_60 = arith.extui %sign3A_59 : i1 to i32
        %sign3A_61 = arith.subi %sign3A_57, %sign3A_60 : i32
        %ne3A_62 = arith.cmpi ne, %sign3A_54, %sign3A_61 : i32
        %rem3A_63 = arith.remsi %add3A, %jit3A_48 : i32
        %ne3A_64 = arith.constant 0 : i32
        %ne3A_65 = arith.cmpi ne, %rem3A_63, %ne3A_64 : i32
        %and3A_66 = arith.andi %ne3A_62, %ne3A_65 : i1
        %sub3A = arith.constant 1 : i32
        %sub3A_67 = arith.subi %div3A, %sub3A : i32
        %select_n3A_68 = arith.select %and3A_66, %sub3A_67, %div3A : i32
        %jit3A_69 = arith.constant 2 : i32
        %eq3A_70 = arith.constant 0 : i32
        %eq3A_71 = arith.cmpi eq, %jit3A_69, %eq3A_70 : i32
        %jit3A_72 = arith.constant 1 : i32
        %select_n3A_73 = arith.select %eq3A_71, %jit3A_72, %jit3A_69 : i32
        %rem3A_74 = arith.remsi %select_n3A_68, %select_n3A_73 : i32
        %ne3A_75 = arith.constant 0 : i32
        %ne3A_76 = arith.cmpi ne, %rem3A_74, %ne3A_75 : i32
        %lt3A_77 = arith.constant 0 : i32
        %lt3A_78 = arith.cmpi slt, %rem3A_74, %lt3A_77 : i32
        %lt3A_79 = arith.constant 0 : i32
        %lt3A_80 = arith.cmpi slt, %select_n3A_73, %lt3A_79 : i32
        %ne3A_81 = arith.xori %lt3A_78, %lt3A_80 : i1
        %and3A_82 = arith.andi %ne3A_81, %ne3A_76 : i1
        %add3A_83 = arith.addi %rem3A_74, %select_n3A_73 : i32
        %select_n3A_84 = arith.select %and3A_82, %add3A_83, %rem3A_74 : i32
        %add3A_85 = arith.addi %scan3A_45, %select_n3A_84 : i32
        %jit3A_86 = arith.constant 2 : i32
        %eq3A_87 = arith.constant 0 : i32
        %eq3A_88 = arith.cmpi eq, %jit3A_86, %eq3A_87 : i32
        %jit3A_89 = arith.constant 1 : i32
        %select_n3A_90 = arith.select %eq3A_88, %jit3A_89, %jit3A_86 : i32
        %rem3A_91 = arith.remsi %add3A_85, %select_n3A_90 : i32
        %ne3A_92 = arith.constant 0 : i32
        %ne3A_93 = arith.cmpi ne, %rem3A_91, %ne3A_92 : i32
        %lt3A_94 = arith.constant 0 : i32
        %lt3A_95 = arith.cmpi slt, %rem3A_91, %lt3A_94 : i32
        %lt3A_96 = arith.constant 0 : i32
        %lt3A_97 = arith.cmpi slt, %select_n3A_90, %lt3A_96 : i32
        %ne3A_98 = arith.xori %lt3A_95, %lt3A_97 : i1
        %and3A_99 = arith.andi %ne3A_98, %ne3A_93 : i1
        %add3A_100 = arith.addi %rem3A_91, %select_n3A_90 : i32
        %select_n3A_101 = arith.select %and3A_99, %add3A_100, %rem3A_91 : i32
        %add3A_102 = arith.addi %mul3A_47, %select_n3A_101 : i32
        %dma_start3A = arith.constant 0 : i32
        %dma_start3A_103 = tpu.memref_slice %arg6[%add3A_102, %dma_start3A] : memref<64x100000xf32, #tpu.memory_space<hbm>> -> memref<1x100000xf32, #tpu.memory_space<hbm>>
        %dma_start3A_104 = tpu.memref_squeeze %dma_start3A_103 : memref<1x100000xf32, #tpu.memory_space<hbm>> -> memref<100000xf32, #tpu.memory_space<hbm>>
        %dma_start3A_105 = arith.constant 0 : i32
        %dma_start3A_106 = tpu.memref_slice %arg6[%add3A_102, %dma_start3A_105] : memref<64x100000xf32, #tpu.memory_space<hbm>> -> memref<1x100000xf32, #tpu.memory_space<hbm>>
        %dma_start3A_107 = tpu.memref_squeeze %dma_start3A_106 : memref<1x100000xf32, #tpu.memory_space<hbm>> -> memref<100000xf32, #tpu.memory_space<hbm>>
        tpu.enqueue_dma source(%dma_start3A_107 : memref<100000xf32, #tpu.memory_space<hbm>>) target(%arg9 : memref<100000xf32, #tpu.memory_space<vmem>>) target_semaphore(%arg13 : memref<!tpu.dma_semaphore, #tpu.memory_space<semaphore_mem>>)
        %dma_wait3A = arith.constant 0 : i32
        %dma_wait3A_108 = tpu.memref_slice %arg6[%add3A_102, %dma_wait3A] : memref<64x100000xf32, #tpu.memory_space<hbm>> -> memref<1x100000xf32, #tpu.memory_space<hbm>>
        %dma_wait3A_109 = tpu.memref_squeeze %dma_wait3A_108 : memref<1x100000xf32, #tpu.memory_space<hbm>> -> memref<100000xf32, #tpu.memory_space<hbm>>
        %dma_wait3A_110 = arith.constant 0 : i32
        %dma_wait3A_111 = tpu.memref_slice %arg6[%add3A_102, %dma_wait3A_110] : memref<64x100000xf32, #tpu.memory_space<hbm>> -> memref<1x100000xf32, #tpu.memory_space<hbm>>
        %dma_wait3A_112 = tpu.memref_squeeze %dma_wait3A_111 : memref<1x100000xf32, #tpu.memory_space<hbm>> -> memref<100000xf32, #tpu.memory_space<hbm>>
        tpu.wait_dma2 semaphore(%arg13 : memref<!tpu.dma_semaphore, #tpu.memory_space<semaphore_mem>>) src(%dma_wait3A_112 : memref<100000xf32, #tpu.memory_space<hbm>>) dst(%arg9 : memref<100000xf32, #tpu.memory_space<vmem>>)
        "tpu.region"() ({
          %run_scoped3A = tpu.sem_alloc : memref<!tpu.dma_semaphore, #tpu.memory_space<semaphore_mem>>
          %dma_start3A_124 = arith.constant 0 : i32
          %dma_start3A_125 = tpu.memref_slice %arg4[%dma_start3A_124] : memref<16384xi32, #tpu.memory_space<hbm>> -> memref<4096xi32, #tpu.memory_space<hbm>>
          %dma_start3A_126 = arith.constant 0 : i32
          %dma_start3A_127 = tpu.memref_slice %arg4[%dma_start3A_126] : memref<16384xi32, #tpu.memory_space<hbm>> -> memref<4096xi32, #tpu.memory_space<hbm>>
          tpu.enqueue_dma source(%dma_start3A_127 : memref<4096xi32, #tpu.memory_space<hbm>>) target(%arg11 : memref<4096xi32, #tpu.memory_space<vmem>>) target_semaphore(%run_scoped3A : memref<!tpu.dma_semaphore, #tpu.memory_space<semaphore_mem>>)
          %dma_wait3A_128 = arith.constant 0 : i32
          %dma_wait3A_129 = tpu.memref_slice %arg4[%dma_wait3A_128] : memref<16384xi32, #tpu.memory_space<hbm>> -> memref<4096xi32, #tpu.memory_space<hbm>>
          %dma_wait3A_130 = arith.constant 0 : i32
          %dma_wait3A_131 = tpu.memref_slice %arg4[%dma_wait3A_130] : memref<16384xi32, #tpu.memory_space<hbm>> -> memref<4096xi32, #tpu.memory_space<hbm>>
          tpu.wait_dma2 semaphore(%run_scoped3A : memref<!tpu.dma_semaphore, #tpu.memory_space<semaphore_mem>>) src(%dma_wait3A_131 : memref<4096xi32, #tpu.memory_space<hbm>>) dst(%arg11 : memref<4096xi32, #tpu.memory_space<vmem>>)
          tpu.yield
        }) : () -> ()
        %parallel_loop3A = arith.constant 0 : i32
        %parallel_loop3A_113 = arith.constant 256 : i32
        %parallel_loop3A_114 = arith.constant 1 : i32
        scf.for %parallel_loop3A_124 = %parallel_loop3A to %parallel_loop3A_113 step %parallel_loop3A_114  : i32 {
          %parallel_loop3A_125 = arith.constant 16 : i32
          %parallel_loop3A_126 = arith.muli %parallel_loop3A_124, %parallel_loop3A_125 : i32
          %parallel_loop3A_127 = arith.constant 16 : i32
          %parallel_loop3A_128 = arith.muli %parallel_loop3A_124, %parallel_loop3A_127 : i32
          %parallel_loop3A_129 = arith.constant 0 : i32
          %parallel_loop3A_130 = arith.addi %parallel_loop3A_129, %parallel_loop3A_128 : i32
          %parallel_loop3A_131 = arith.index_cast %parallel_loop3A_130 : i32 to index
          %parallel_loop3A_132 = tpu.vector_load %arg10[%parallel_loop3A_131] {strides = array<i32>} : memref<16384xi32, #tpu.memory_space<vmem>>, vector<16xi32>,
          %parallel_loop3A_133 = tpu.vector_load_idx %arg9[%parallel_loop3A_132] : memref<100000xf32, #tpu.memory_space<vmem>>[vector<16xi32>], vector<16xf32>,
          %parallel_loop3A_134 = arith.index_cast %parallel_loop3A_126 : i32 to index
          %parallel_loop3A_135 = tpu.vector_load %arg11[%parallel_loop3A_134] {strides = array<i32>} : memref<4096xi32, #tpu.memory_space<vmem>>, vector<16xi32>,
          %parallel_loop3A_136 = tpu.vector_load_idx %arg9[%parallel_loop3A_135] : memref<100000xf32, #tpu.memory_space<vmem>>[vector<16xi32>], vector<16xf32>,
          %parallel_loop3A_137 = arith.subf %parallel_loop3A_133, %parallel_loop3A_136 : vector<16xf32>
          %parallel_loop3A_138 = arith.index_cast %parallel_loop3A_126 : i32 to index
          %parallel_loop3A_139 = tpu.vector_load %arg12[%parallel_loop3A_138] {strides = array<i32>} : memref<4096xf32, #tpu.memory_space<vmem>>, vector<16xf32>,
          tpu.vector_store %arg12[%parallel_loop3A_138], %parallel_loop3A_137 {strides = array<i32>} : memref<4096xf32, #tpu.memory_space<vmem>>, vector<16xf32>,
        } {sc.loop_unroll_factor = 8 : i64, sc.parallel_access}
        "tpu.region"() ({
          %run_scoped3A = tpu.sem_alloc : memref<!tpu.dma_semaphore, #tpu.memory_space<semaphore_mem>>
          %dma_start3A_124 = arith.constant 0 : i32
          %dma_start3A_125 = tpu.memref_slice %arg8[%add3A_102, %dma_start3A_124] : memref<64x16384xf32, #tpu.memory_space<hbm>> -> memref<1x4096xf32, #tpu.memory_space<hbm>>
          %dma_start3A_126 = tpu.memref_squeeze %dma_start3A_125 : memref<1x4096xf32, #tpu.memory_space<hbm>> -> memref<4096xf32, #tpu.memory_space<hbm>>
          %dma_start3A_127 = arith.constant 0 : i32
          %dma_start3A_128 = tpu.memref_slice %arg8[%add3A_102, %dma_start3A_127] : memref<64x16384xf32, #tpu.memory_space<hbm>> -> memref<1x4096xf32, #tpu.memory_space<hbm>>
          %dma_start3A_129 = tpu.memref_squeeze %dma_start3A_128 : memref<1x4096xf32, #tpu.memory_space<hbm>> -> memref<4096xf32, #tpu.memory_space<hbm>>
          tpu.enqueue_dma source(%arg12 : memref<4096xf32, #tpu.memory_space<vmem>>) target(%dma_start3A_129 : memref<4096xf32, #tpu.memory_space<hbm>>) target_semaphore(%run_scoped3A : memref<!tpu.dma_semaphore, #tpu.memory_space<semaphore_mem>>)
          %dma_wait3A_130 = arith.constant 0 : i32
          %dma_wait3A_131 = tpu.memref_slice %arg8[%add3A_102, %dma_wait3A_130] : memref<64x16384xf32, #tpu.memory_space<hbm>> -> memref<1x4096xf32, #tpu.memory_space<hbm>>
          %dma_wait3A_132 = tpu.memref_squeeze %dma_wait3A_131 : memref<1x4096xf32, #tpu.memory_space<hbm>> -> memref<4096xf32, #tpu.memory_space<hbm>>
          %dma_wait3A_133 = arith.constant 0 : i32
          %dma_wait3A_134 = tpu.memref_slice %arg8[%add3A_102, %dma_wait3A_133] : memref<64x16384xf32, #tpu.memory_space<hbm>> -> memref<1x4096xf32, #tpu.memory_space<hbm>>
          %dma_wait3A_135 = tpu.memref_squeeze %dma_wait3A_134 : memref<1x4096xf32, #tpu.memory_space<hbm>> -> memref<4096xf32, #tpu.memory_space<hbm>>
          tpu.wait_dma2 semaphore(%run_scoped3A : memref<!tpu.dma_semaphore, #tpu.memory_space<semaphore_mem>>) src(%arg12 : memref<4096xf32, #tpu.memory_space<vmem>>) dst(%dma_wait3A_135 : memref<4096xf32, #tpu.memory_space<hbm>>)
          tpu.yield
        }) : () -> ()
        "tpu.region"() ({
          %run_scoped3A = tpu.sem_alloc : memref<!tpu.dma_semaphore, #tpu.memory_space<semaphore_mem>>
          %dma_start3A_124 = arith.constant 4096 : i32
          %dma_start3A_125 = tpu.memref_slice %arg4[%dma_start3A_124] : memref<16384xi32, #tpu.memory_space<hbm>> -> memref<4096xi32, #tpu.memory_space<hbm>>
          %dma_start3A_126 = arith.constant 4096 : i32
          %dma_start3A_127 = tpu.memref_slice %arg4[%dma_start3A_126] : memref<16384xi32, #tpu.memory_space<hbm>> -> memref<4096xi32, #tpu.memory_space<hbm>>
          tpu.enqueue_dma source(%dma_start3A_127 : memref<4096xi32, #tpu.memory_space<hbm>>) target(%arg11 : memref<4096xi32, #tpu.memory_space<vmem>>) target_semaphore(%run_scoped3A : memref<!tpu.dma_semaphore, #tpu.memory_space<semaphore_mem>>)
          %dma_wait3A_128 = arith.constant 4096 : i32
          %dma_wait3A_129 = tpu.memref_slice %arg4[%dma_wait3A_128] : memref<16384xi32, #tpu.memory_space<hbm>> -> memref<4096xi32, #tpu.memory_space<hbm>>
          %dma_wait3A_130 = arith.constant 4096 : i32
          %dma_wait3A_131 = tpu.memref_slice %arg4[%dma_wait3A_130] : memref<16384xi32, #tpu.memory_space<hbm>> -> memref<4096xi32, #tpu.memory_space<hbm>>
          tpu.wait_dma2 semaphore(%run_scoped3A : memref<!tpu.dma_semaphore, #tpu.memory_space<semaphore_mem>>) src(%dma_wait3A_131 : memref<4096xi32, #tpu.memory_space<hbm>>) dst(%arg11 : memref<4096xi32, #tpu.memory_space<vmem>>)
          tpu.yield
        }) : () -> ()
        %parallel_loop3A_115 = arith.constant 0 : i32
        %parallel_loop3A_116 = arith.constant 256 : i32
        %parallel_loop3A_117 = arith.constant 1 : i32
        scf.for %parallel_loop3A_124 = %parallel_loop3A_115 to %parallel_loop3A_116 step %parallel_loop3A_117  : i32 {
          %parallel_loop3A_125 = arith.constant 16 : i32
          %parallel_loop3A_126 = arith.muli %parallel_loop3A_124, %parallel_loop3A_125 : i32
          %parallel_loop3A_127 = arith.constant 16 : i32
          %parallel_loop3A_128 = arith.muli %parallel_loop3A_124, %parallel_loop3A_127 : i32
          %parallel_loop3A_129 = arith.constant 4096 : i32
          %parallel_loop3A_130 = arith.addi %parallel_loop3A_129, %parallel_loop3A_128 : i32
          %parallel_loop3A_131 = arith.index_cast %parallel_loop3A_130 : i32 to index
          %parallel_loop3A_132 = tpu.vector_load %arg10[%parallel_loop3A_131] {strides = array<i32>} : memref<16384xi32, #tpu.memory_space<vmem>>, vector<16xi32>,
          %parallel_loop3A_133 = tpu.vector_load_idx %arg9[%parallel_loop3A_132] : memref<100000xf32, #tpu.memory_space<vmem>>[vector<16xi32>], vector<16xf32>,
          %parallel_loop3A_134 = arith.index_cast %parallel_loop3A_126 : i32 to index
          %parallel_loop3A_135 = tpu.vector_load %arg11[%parallel_loop3A_134] {strides = array<i32>} : memref<4096xi32, #tpu.memory_space<vmem>>, vector<16xi32>,
          %parallel_loop3A_136 = tpu.vector_load_idx %arg9[%parallel_loop3A_135] : memref<100000xf32, #tpu.memory_space<vmem>>[vector<16xi32>], vector<16xf32>,
          %parallel_loop3A_137 = arith.subf %parallel_loop3A_133, %parallel_loop3A_136 : vector<16xf32>
          %parallel_loop3A_138 = arith.index_cast %parallel_loop3A_126 : i32 to index
          %parallel_loop3A_139 = tpu.vector_load %arg12[%parallel_loop3A_138] {strides = array<i32>} : memref<4096xf32, #tpu.memory_space<vmem>>, vector<16xf32>,
          tpu.vector_store %arg12[%parallel_loop3A_138], %parallel_loop3A_137 {strides = array<i32>} : memref<4096xf32, #tpu.memory_space<vmem>>, vector<16xf32>,
        } {sc.loop_unroll_factor = 8 : i64, sc.parallel_access}
        "tpu.region"() ({
          %run_scoped3A = tpu.sem_alloc : memref<!tpu.dma_semaphore, #tpu.memory_space<semaphore_mem>>
          %dma_start3A_124 = arith.constant 4096 : i32
          %dma_start3A_125 = tpu.memref_slice %arg8[%add3A_102, %dma_start3A_124] : memref<64x16384xf32, #tpu.memory_space<hbm>> -> memref<1x4096xf32, #tpu.memory_space<hbm>>
          %dma_start3A_126 = tpu.memref_squeeze %dma_start3A_125 : memref<1x4096xf32, #tpu.memory_space<hbm>> -> memref<4096xf32, #tpu.memory_space<hbm>>
          %dma_start3A_127 = arith.constant 4096 : i32
          %dma_start3A_128 = tpu.memref_slice %arg8[%add3A_102, %dma_start3A_127] : memref<64x16384xf32, #tpu.memory_space<hbm>> -> memref<1x4096xf32, #tpu.memory_space<hbm>>
          %dma_start3A_129 = tpu.memref_squeeze %dma_start3A_128 : memref<1x4096xf32, #tpu.memory_space<hbm>> -> memref<4096xf32, #tpu.memory_space<hbm>>
          tpu.enqueue_dma source(%arg12 : memref<4096xf32, #tpu.memory_space<vmem>>) target(%dma_start3A_129 : memref<4096xf32, #tpu.memory_space<hbm>>) target_semaphore(%run_scoped3A : memref<!tpu.dma_semaphore, #tpu.memory_space<semaphore_mem>>)
          %dma_wait3A_130 = arith.constant 4096 : i32
          %dma_wait3A_131 = tpu.memref_slice %arg8[%add3A_102, %dma_wait3A_130] : memref<64x16384xf32, #tpu.memory_space<hbm>> -> memref<1x4096xf32, #tpu.memory_space<hbm>>
          %dma_wait3A_132 = tpu.memref_squeeze %dma_wait3A_131 : memref<1x4096xf32, #tpu.memory_space<hbm>> -> memref<4096xf32, #tpu.memory_space<hbm>>
          %dma_wait3A_133 = arith.constant 4096 : i32
          %dma_wait3A_134 = tpu.memref_slice %arg8[%add3A_102, %dma_wait3A_133] : memref<64x16384xf32, #tpu.memory_space<hbm>> -> memref<1x4096xf32, #tpu.memory_space<hbm>>
          %dma_wait3A_135 = tpu.memref_squeeze %dma_wait3A_134 : memref<1x4096xf32, #tpu.memory_space<hbm>> -> memref<4096xf32, #tpu.memory_space<hbm>>
          tpu.wait_dma2 semaphore(%run_scoped3A : memref<!tpu.dma_semaphore, #tpu.memory_space<semaphore_mem>>) src(%arg12 : memref<4096xf32, #tpu.memory_space<vmem>>) dst(%dma_wait3A_135 : memref<4096xf32, #tpu.memory_space<hbm>>)
          tpu.yield
        }) : () -> ()
        "tpu.region"() ({
          %run_scoped3A = tpu.sem_alloc : memref<!tpu.dma_semaphore, #tpu.memory_space<semaphore_mem>>
          %dma_start3A_124 = arith.constant 8192 : i32
          %dma_start3A_125 = tpu.memref_slice %arg4[%dma_start3A_124] : memref<16384xi32, #tpu.memory_space<hbm>> -> memref<4096xi32, #tpu.memory_space<hbm>>
          %dma_start3A_126 = arith.constant 8192 : i32
          %dma_start3A_127 = tpu.memref_slice %arg4[%dma_start3A_126] : memref<16384xi32, #tpu.memory_space<hbm>> -> memref<4096xi32, #tpu.memory_space<hbm>>
          tpu.enqueue_dma source(%dma_start3A_127 : memref<4096xi32, #tpu.memory_space<hbm>>) target(%arg11 : memref<4096xi32, #tpu.memory_space<vmem>>) target_semaphore(%run_scoped3A : memref<!tpu.dma_semaphore, #tpu.memory_space<semaphore_mem>>)
          %dma_wait3A_128 = arith.constant 8192 : i32
          %dma_wait3A_129 = tpu.memref_slice %arg4[%dma_wait3A_128] : memref<16384xi32, #tpu.memory_space<hbm>> -> memref<4096xi32, #tpu.memory_space<hbm>>
          %dma_wait3A_130 = arith.constant 8192 : i32
          %dma_wait3A_131 = tpu.memref_slice %arg4[%dma_wait3A_130] : memref<16384xi32, #tpu.memory_space<hbm>> -> memref<4096xi32, #tpu.memory_space<hbm>>
          tpu.wait_dma2 semaphore(%run_scoped3A : memref<!tpu.dma_semaphore, #tpu.memory_space<semaphore_mem>>) src(%dma_wait3A_131 : memref<4096xi32, #tpu.memory_space<hbm>>) dst(%arg11 : memref<4096xi32, #tpu.memory_space<vmem>>)
          tpu.yield
        }) : () -> ()
        %parallel_loop3A_118 = arith.constant 0 : i32
        %parallel_loop3A_119 = arith.constant 256 : i32
        %parallel_loop3A_120 = arith.constant 1 : i32
        scf.for %parallel_loop3A_124 = %parallel_loop3A_118 to %parallel_loop3A_119 step %parallel_loop3A_120  : i32 {
          %parallel_loop3A_125 = arith.constant 16 : i32
          %parallel_loop3A_126 = arith.muli %parallel_loop3A_124, %parallel_loop3A_125 : i32
          %parallel_loop3A_127 = arith.constant 16 : i32
          %parallel_loop3A_128 = arith.muli %parallel_loop3A_124, %parallel_loop3A_127 : i32
          %parallel_loop3A_129 = arith.constant 8192 : i32
          %parallel_loop3A_130 = arith.addi %parallel_loop3A_129, %parallel_loop3A_128 : i32
          %parallel_loop3A_131 = arith.index_cast %parallel_loop3A_130 : i32 to index
          %parallel_loop3A_132 = tpu.vector_load %arg10[%parallel_loop3A_131] {strides = array<i32>} : memref<16384xi32, #tpu.memory_space<vmem>>, vector<16xi32>,
          %parallel_loop3A_133 = tpu.vector_load_idx %arg9[%parallel_loop3A_132] : memref<100000xf32, #tpu.memory_space<vmem>>[vector<16xi32>], vector<16xf32>,
          %parallel_loop3A_134 = arith.index_cast %parallel_loop3A_126 : i32 to index
          %parallel_loop3A_135 = tpu.vector_load %arg11[%parallel_loop3A_134] {strides = array<i32>} : memref<4096xi32, #tpu.memory_space<vmem>>, vector<16xi32>,
          %parallel_loop3A_136 = tpu.vector_load_idx %arg9[%parallel_loop3A_135] : memref<100000xf32, #tpu.memory_space<vmem>>[vector<16xi32>], vector<16xf32>,
          %parallel_loop3A_137 = arith.subf %parallel_loop3A_133, %parallel_loop3A_136 : vector<16xf32>
          %parallel_loop3A_138 = arith.index_cast %parallel_loop3A_126 : i32 to index
          %parallel_loop3A_139 = tpu.vector_load %arg12[%parallel_loop3A_138] {strides = array<i32>} : memref<4096xf32, #tpu.memory_space<vmem>>, vector<16xf32>,
          tpu.vector_store %arg12[%parallel_loop3A_138], %parallel_loop3A_137 {strides = array<i32>} : memref<4096xf32, #tpu.memory_space<vmem>>, vector<16xf32>,
        } {sc.loop_unroll_factor = 8 : i64, sc.parallel_access}
        "tpu.region"() ({
          %run_scoped3A = tpu.sem_alloc : memref<!tpu.dma_semaphore, #tpu.memory_space<semaphore_mem>>
          %dma_start3A_124 = arith.constant 8192 : i32
          %dma_start3A_125 = tpu.memref_slice %arg8[%add3A_102, %dma_start3A_124] : memref<64x16384xf32, #tpu.memory_space<hbm>> -> memref<1x4096xf32, #tpu.memory_space<hbm>>
          %dma_start3A_126 = tpu.memref_squeeze %dma_start3A_125 : memref<1x4096xf32, #tpu.memory_space<hbm>> -> memref<4096xf32, #tpu.memory_space<hbm>>
          %dma_start3A_127 = arith.constant 8192 : i32
          %dma_start3A_128 = tpu.memref_slice %arg8[%add3A_102, %dma_start3A_127] : memref<64x16384xf32, #tpu.memory_space<hbm>> -> memref<1x4096xf32, #tpu.memory_space<hbm>>
          %dma_start3A_129 = tpu.memref_squeeze %dma_start3A_128 : memref<1x4096xf32, #tpu.memory_space<hbm>> -> memref<4096xf32, #tpu.memory_space<hbm>>
          tpu.enqueue_dma source(%arg12 : memref<4096xf32, #tpu.memory_space<vmem>>) target(%dma_start3A_129 : memref<4096xf32, #tpu.memory_space<hbm>>) target_semaphore(%run_scoped3A : memref<!tpu.dma_semaphore, #tpu.memory_space<semaphore_mem>>)
          %dma_wait3A_130 = arith.constant 8192 : i32
          %dma_wait3A_131 = tpu.memref_slice %arg8[%add3A_102, %dma_wait3A_130] : memref<64x16384xf32, #tpu.memory_space<hbm>> -> memref<1x4096xf32, #tpu.memory_space<hbm>>
          %dma_wait3A_132 = tpu.memref_squeeze %dma_wait3A_131 : memref<1x4096xf32, #tpu.memory_space<hbm>> -> memref<4096xf32, #tpu.memory_space<hbm>>
          %dma_wait3A_133 = arith.constant 8192 : i32
          %dma_wait3A_134 = tpu.memref_slice %arg8[%add3A_102, %dma_wait3A_133] : memref<64x16384xf32, #tpu.memory_space<hbm>> -> memref<1x4096xf32, #tpu.memory_space<hbm>>
          %dma_wait3A_135 = tpu.memref_squeeze %dma_wait3A_134 : memref<1x4096xf32, #tpu.memory_space<hbm>> -> memref<4096xf32, #tpu.memory_space<hbm>>
          tpu.wait_dma2 semaphore(%run_scoped3A : memref<!tpu.dma_semaphore, #tpu.memory_space<semaphore_mem>>) src(%arg12 : memref<4096xf32, #tpu.memory_space<vmem>>) dst(%dma_wait3A_135 : memref<4096xf32, #tpu.memory_space<hbm>>)
          tpu.yield
        }) : () -> ()
        "tpu.region"() ({
          %run_scoped3A = tpu.sem_alloc : memref<!tpu.dma_semaphore, #tpu.memory_space<semaphore_mem>>
          %dma_start3A_124 = arith.constant 12288 : i32
          %dma_start3A_125 = tpu.memref_slice %arg4[%dma_start3A_124] : memref<16384xi32, #tpu.memory_space<hbm>> -> memref<4096xi32, #tpu.memory_space<hbm>>
          %dma_start3A_126 = arith.constant 12288 : i32
          %dma_start3A_127 = tpu.memref_slice %arg4[%dma_start3A_126] : memref<16384xi32, #tpu.memory_space<hbm>> -> memref<4096xi32, #tpu.memory_space<hbm>>
          tpu.enqueue_dma source(%dma_start3A_127 : memref<4096xi32, #tpu.memory_space<hbm>>) target(%arg11 : memref<4096xi32, #tpu.memory_space<vmem>>) target_semaphore(%run_scoped3A : memref<!tpu.dma_semaphore, #tpu.memory_space<semaphore_mem>>)
          %dma_wait3A_128 = arith.constant 12288 : i32
          %dma_wait3A_129 = tpu.memref_slice %arg4[%dma_wait3A_128] : memref<16384xi32, #tpu.memory_space<hbm>> -> memref<4096xi32, #tpu.memory_space<hbm>>
          %dma_wait3A_130 = arith.constant 12288 : i32
          %dma_wait3A_131 = tpu.memref_slice %arg4[%dma_wait3A_130] : memref<16384xi32, #tpu.memory_space<hbm>> -> memref<4096xi32, #tpu.memory_space<hbm>>
          tpu.wait_dma2 semaphore(%run_scoped3A : memref<!tpu.dma_semaphore, #tpu.memory_space<semaphore_mem>>) src(%dma_wait3A_131 : memref<4096xi32, #tpu.memory_space<hbm>>) dst(%arg11 : memref<4096xi32, #tpu.memory_space<vmem>>)
          tpu.yield
        }) : () -> ()
        %parallel_loop3A_121 = arith.constant 0 : i32
        %parallel_loop3A_122 = arith.constant 256 : i32
        %parallel_loop3A_123 = arith.constant 1 : i32
        scf.for %parallel_loop3A_124 = %parallel_loop3A_121 to %parallel_loop3A_122 step %parallel_loop3A_123  : i32 {
          %parallel_loop3A_125 = arith.constant 16 : i32
          %parallel_loop3A_126 = arith.muli %parallel_loop3A_124, %parallel_loop3A_125 : i32
          %parallel_loop3A_127 = arith.constant 16 : i32
          %parallel_loop3A_128 = arith.muli %parallel_loop3A_124, %parallel_loop3A_127 : i32
          %parallel_loop3A_129 = arith.constant 12288 : i32
          %parallel_loop3A_130 = arith.addi %parallel_loop3A_129, %parallel_loop3A_128 : i32
          %parallel_loop3A_131 = arith.index_cast %parallel_loop3A_130 : i32 to index
          %parallel_loop3A_132 = tpu.vector_load %arg10[%parallel_loop3A_131] {strides = array<i32>} : memref<16384xi32, #tpu.memory_space<vmem>>, vector<16xi32>,
          %parallel_loop3A_133 = tpu.vector_load_idx %arg9[%parallel_loop3A_132] : memref<100000xf32, #tpu.memory_space<vmem>>[vector<16xi32>], vector<16xf32>,
          %parallel_loop3A_134 = arith.index_cast %parallel_loop3A_126 : i32 to index
          %parallel_loop3A_135 = tpu.vector_load %arg11[%parallel_loop3A_134] {strides = array<i32>} : memref<4096xi32, #tpu.memory_space<vmem>>, vector<16xi32>,
          %parallel_loop3A_136 = tpu.vector_load_idx %arg9[%parallel_loop3A_135] : memref<100000xf32, #tpu.memory_space<vmem>>[vector<16xi32>], vector<16xf32>,
          %parallel_loop3A_137 = arith.subf %parallel_loop3A_133, %parallel_loop3A_136 : vector<16xf32>
          %parallel_loop3A_138 = arith.index_cast %parallel_loop3A_126 : i32 to index
          %parallel_loop3A_139 = tpu.vector_load %arg12[%parallel_loop3A_138] {strides = array<i32>} : memref<4096xf32, #tpu.memory_space<vmem>>, vector<16xf32>,
          tpu.vector_store %arg12[%parallel_loop3A_138], %parallel_loop3A_137 {strides = array<i32>} : memref<4096xf32, #tpu.memory_space<vmem>>, vector<16xf32>,
        } {sc.loop_unroll_factor = 8 : i64, sc.parallel_access}
        "tpu.region"() ({
          %run_scoped3A = tpu.sem_alloc : memref<!tpu.dma_semaphore, #tpu.memory_space<semaphore_mem>>
          %dma_start3A_124 = arith.constant 12288 : i32
          %dma_start3A_125 = tpu.memref_slice %arg8[%add3A_102, %dma_start3A_124] : memref<64x16384xf32, #tpu.memory_space<hbm>> -> memref<1x4096xf32, #tpu.memory_space<hbm>>
          %dma_start3A_126 = tpu.memref_squeeze %dma_start3A_125 : memref<1x4096xf32, #tpu.memory_space<hbm>> -> memref<4096xf32, #tpu.memory_space<hbm>>
          %dma_start3A_127 = arith.constant 12288 : i32
          %dma_start3A_128 = tpu.memref_slice %arg8[%add3A_102, %dma_start3A_127] : memref<64x16384xf32, #tpu.memory_space<hbm>> -> memref<1x4096xf32, #tpu.memory_space<hbm>>
          %dma_start3A_129 = tpu.memref_squeeze %dma_start3A_128 : memref<1x4096xf32, #tpu.memory_space<hbm>> -> memref<4096xf32, #tpu.memory_space<hbm>>
          tpu.enqueue_dma source(%arg12 : memref<4096xf32, #tpu.memory_space<vmem>>) target(%dma_start3A_129 : memref<4096xf32, #tpu.memory_space<hbm>>) target_semaphore(%run_scoped3A : memref<!tpu.dma_semaphore, #tpu.memory_space<semaphore_mem>>)
          %dma_wait3A_130 = arith.constant 12288 : i32
          %dma_wait3A_131 = tpu.memref_slice %arg8[%add3A_102, %dma_wait3A_130] : memref<64x16384xf32, #tpu.memory_space<hbm>> -> memref<1x4096xf32, #tpu.memory_space<hbm>>
          %dma_wait3A_132 = tpu.memref_squeeze %dma_wait3A_131 : memref<1x4096xf32, #tpu.memory_space<hbm>> -> memref<4096xf32, #tpu.memory_space<hbm>>
          %dma_wait3A_133 = arith.constant 12288 : i32
          %dma_wait3A_134 = tpu.memref_slice %arg8[%add3A_102, %dma_wait3A_133] : memref<64x16384xf32, #tpu.memory_space<hbm>> -> memref<1x4096xf32, #tpu.memory_space<hbm>>
          %dma_wait3A_135 = tpu.memref_squeeze %dma_wait3A_134 : memref<1x4096xf32, #tpu.memory_space<hbm>> -> memref<4096xf32, #tpu.memory_space<hbm>>
          tpu.wait_dma2 semaphore(%run_scoped3A : memref<!tpu.dma_semaphore, #tpu.memory_space<semaphore_mem>>) src(%arg12 : memref<4096xf32, #tpu.memory_space<vmem>>) dst(%dma_wait3A_135 : memref<4096xf32, #tpu.memory_space<hbm>>)
          tpu.yield
        }) : () -> ()
      }
      %scan3A_38 = arith.constant 2 : i32
      tpu.enqueue_dma source(%arg2 : memref<16384xi32, #tpu.memory_space<hbm>>) target(%arg10 : memref<16384xi32, #tpu.memory_space<vmem>>) target_semaphore(%arg14 : memref<!tpu.dma_semaphore, #tpu.memory_space<semaphore_mem>>)
      tpu.wait_dma2 semaphore(%arg14 : memref<!tpu.dma_semaphore, #tpu.memory_space<semaphore_mem>>) src(%arg2 : memref<16384xi32, #tpu.memory_space<hbm>>) dst(%arg10 : memref<16384xi32, #tpu.memory_space<vmem>>)
      %scan3A_39 = arith.constant 0 : i32
      %scan3A_40 = arith.constant 0 : i32
      %scan3A_41 = arith.constant 2 : i32
      %scan3A_42 = arith.addi %scan3A_40, %scan3A_41 : i32
      %scan3A_43 = arith.constant 1 : i32
      scf.for %scan3A_45 = %scan3A_40 to %scan3A_42 step %scan3A_43  : i32 {
        %mul3A_46 = arith.constant 2 : i32
        %mul3A_47 = arith.muli %add3A, %mul3A_46 : i32
        %jit3A_48 = arith.constant 2 : i32
        %div3A = arith.divsi %add3A, %jit3A_48 : i32
        %sign3A = arith.constant 0 : i32
        %sign3A_49 = arith.cmpi sgt, %add3A, %sign3A : i32
        %sign3A_50 = arith.extui %sign3A_49 : i1 to i32
        %sign3A_51 = arith.constant 0 : i32
        %sign3A_52 = arith.cmpi slt, %add3A, %sign3A_51 : i32
        %sign3A_53 = arith.extui %sign3A_52 : i1 to i32
        %sign3A_54 = arith.subi %sign3A_50, %sign3A_53 : i32
        %sign3A_55 = arith.constant 0 : i32
        %sign3A_56 = arith.cmpi sgt, %jit3A_48, %sign3A_55 : i32
        %sign3A_57 = arith.extui %sign3A_56 : i1 to i32
        %sign3A_58 = arith.constant 0 : i32
        %sign3A_59 = arith.cmpi slt, %jit3A_48, %sign3A_58 : i32
        %sign3A_60 = arith.extui %sign3A_59 : i1 to i32
        %sign3A_61 = arith.subi %sign3A_57, %sign3A_60 : i32
        %ne3A_62 = arith.cmpi ne, %sign3A_54, %sign3A_61 : i32
        %rem3A_63 = arith.remsi %add3A, %jit3A_48 : i32
        %ne3A_64 = arith.constant 0 : i32
        %ne3A_65 = arith.cmpi ne, %rem3A_63, %ne3A_64 : i32
        %and3A_66 = arith.andi %ne3A_62, %ne3A_65 : i1
        %sub3A = arith.constant 1 : i32
        %sub3A_67 = arith.subi %div3A, %sub3A : i32
        %select_n3A_68 = arith.select %and3A_66, %sub3A_67, %div3A : i32
        %jit3A_69 = arith.constant 2 : i32
        %eq3A_70 = arith.constant 0 : i32
        %eq3A_71 = arith.cmpi eq, %jit3A_69, %eq3A_70 : i32
        %jit3A_72 = arith.constant 1 : i32
        %select_n3A_73 = arith.select %eq3A_71, %jit3A_72, %jit3A_69 : i32
        %rem3A_74 = arith.remsi %select_n3A_68, %select_n3A_73 : i32
        %ne3A_75 = arith.constant 0 : i32
        %ne3A_76 = arith.cmpi ne, %rem3A_74, %ne3A_75 : i32
        %lt3A_77 = arith.constant 0 : i32
        %lt3A_78 = arith.cmpi slt, %rem3A_74, %lt3A_77 : i32
        %lt3A_79 = arith.constant 0 : i32
        %lt3A_80 = arith.cmpi slt, %select_n3A_73, %lt3A_79 : i32
        %ne3A_81 = arith.xori %lt3A_78, %lt3A_80 : i1
        %and3A_82 = arith.andi %ne3A_81, %ne3A_76 : i1
        %add3A_83 = arith.addi %rem3A_74, %select_n3A_73 : i32
        %select_n3A_84 = arith.select %and3A_82, %add3A_83, %rem3A_74 : i32
        %add3A_85 = arith.addi %scan3A_45, %select_n3A_84 : i32
        %jit3A_86 = arith.constant 2 : i32
        %eq3A_87 = arith.constant 0 : i32
        %eq3A_88 = arith.cmpi eq, %jit3A_86, %eq3A_87 : i32
        %jit3A_89 = arith.constant 1 : i32
        %select_n3A_90 = arith.select %eq3A_88, %jit3A_89, %jit3A_86 : i32
        %rem3A_91 = arith.remsi %add3A_85, %select_n3A_90 : i32
        %ne3A_92 = arith.constant 0 : i32
        %ne3A_93 = arith.cmpi ne, %rem3A_91, %ne3A_92 : i32
        %lt3A_94 = arith.constant 0 : i32
        %lt3A_95 = arith.cmpi slt, %rem3A_91, %lt3A_94 : i32
        %lt3A_96 = arith.constant 0 : i32
        %lt3A_97 = arith.cmpi slt, %select_n3A_90, %lt3A_96 : i32
        %ne3A_98 = arith.xori %lt3A_95, %lt3A_97 : i1
        %and3A_99 = arith.andi %ne3A_98, %ne3A_93 : i1
        %add3A_100 = arith.addi %rem3A_91, %select_n3A_90 : i32
        %select_n3A_101 = arith.select %and3A_99, %add3A_100, %rem3A_91 : i32
        %add3A_102 = arith.addi %mul3A_47, %select_n3A_101 : i32
        %dma_start3A = arith.constant 0 : i32
        %dma_start3A_103 = tpu.memref_slice %arg5[%add3A_102, %dma_start3A] : memref<64x100000xf32, #tpu.memory_space<hbm>> -> memref<1x100000xf32, #tpu.memory_space<hbm>>
        %dma_start3A_104 = tpu.memref_squeeze %dma_start3A_103 : memref<1x100000xf32, #tpu.memory_space<hbm>> -> memref<100000xf32, #tpu.memory_space<hbm>>
        %dma_start3A_105 = arith.constant 0 : i32
        %dma_start3A_106 = tpu.memref_slice %arg5[%add3A_102, %dma_start3A_105] : memref<64x100000xf32, #tpu.memory_space<hbm>> -> memref<1x100000xf32, #tpu.memory_space<hbm>>
        %dma_start3A_107 = tpu.memref_squeeze %dma_start3A_106 : memref<1x100000xf32, #tpu.memory_space<hbm>> -> memref<100000xf32, #tpu.memory_space<hbm>>
        tpu.enqueue_dma source(%dma_start3A_107 : memref<100000xf32, #tpu.memory_space<hbm>>) target(%arg9 : memref<100000xf32, #tpu.memory_space<vmem>>) target_semaphore(%arg13 : memref<!tpu.dma_semaphore, #tpu.memory_space<semaphore_mem>>)
        %dma_wait3A = arith.constant 0 : i32
        %dma_wait3A_108 = tpu.memref_slice %arg5[%add3A_102, %dma_wait3A] : memref<64x100000xf32, #tpu.memory_space<hbm>> -> memref<1x100000xf32, #tpu.memory_space<hbm>>
        %dma_wait3A_109 = tpu.memref_squeeze %dma_wait3A_108 : memref<1x100000xf32, #tpu.memory_space<hbm>> -> memref<100000xf32, #tpu.memory_space<hbm>>
        %dma_wait3A_110 = arith.constant 0 : i32
        %dma_wait3A_111 = tpu.memref_slice %arg5[%add3A_102, %dma_wait3A_110] : memref<64x100000xf32, #tpu.memory_space<hbm>> -> memref<1x100000xf32, #tpu.memory_space<hbm>>
        %dma_wait3A_112 = tpu.memref_squeeze %dma_wait3A_111 : memref<1x100000xf32, #tpu.memory_space<hbm>> -> memref<100000xf32, #tpu.memory_space<hbm>>
        tpu.wait_dma2 semaphore(%arg13 : memref<!tpu.dma_semaphore, #tpu.memory_space<semaphore_mem>>) src(%dma_wait3A_112 : memref<100000xf32, #tpu.memory_space<hbm>>) dst(%arg9 : memref<100000xf32, #tpu.memory_space<vmem>>)
        %parallel_loop3A = arith.constant 0 : i32
        %parallel_loop3A_113 = arith.constant 256 : i32
        %parallel_loop3A_114 = arith.constant 1 : i32
        scf.for %parallel_loop3A_124 = %parallel_loop3A to %parallel_loop3A_113 step %parallel_loop3A_114  : i32 {
          %parallel_loop3A_125 = arith.constant 16 : i32
          %parallel_loop3A_126 = arith.muli %parallel_loop3A_124, %parallel_loop3A_125 : i32
          %parallel_loop3A_127 = arith.constant 16 : i32
          %parallel_loop3A_128 = arith.muli %parallel_loop3A_124, %parallel_loop3A_127 : i32
          %parallel_loop3A_129 = arith.constant 0 : i32
          %parallel_loop3A_130 = arith.addi %parallel_loop3A_129, %parallel_loop3A_128 : i32
          %parallel_loop3A_131 = arith.index_cast %parallel_loop3A_130 : i32 to index
          %parallel_loop3A_132 = tpu.vector_load %arg10[%parallel_loop3A_131] {strides = array<i32>} : memref<16384xi32, #tpu.memory_space<vmem>>, vector<16xi32>,
          %parallel_loop3A_133 = tpu.vector_load_idx %arg9[%parallel_loop3A_132] : memref<100000xf32, #tpu.memory_space<vmem>>[vector<16xi32>], vector<16xf32>,
          %parallel_loop3A_134 = arith.index_cast %parallel_loop3A_126 : i32 to index
          %parallel_loop3A_135 = tpu.vector_load %arg12[%parallel_loop3A_134] {strides = array<i32>} : memref<4096xf32, #tpu.memory_space<vmem>>, vector<16xf32>,
          tpu.vector_store %arg12[%parallel_loop3A_134], %parallel_loop3A_133 {strides = array<i32>} : memref<4096xf32, #tpu.memory_space<vmem>>, vector<16xf32>,
        } {sc.loop_unroll_factor = 8 : i64, sc.parallel_access}
        "tpu.region"() ({
          %run_scoped3A = tpu.sem_alloc : memref<!tpu.dma_semaphore, #tpu.memory_space<semaphore_mem>>
          %dma_start3A_124 = arith.constant 0 : i32
          %dma_start3A_125 = tpu.memref_slice %arg7[%add3A_102, %dma_start3A_124] : memref<64x16384xf32, #tpu.memory_space<hbm>> -> memref<1x4096xf32, #tpu.memory_space<hbm>>
          %dma_start3A_126 = tpu.memref_squeeze %dma_start3A_125 : memref<1x4096xf32, #tpu.memory_space<hbm>> -> memref<4096xf32, #tpu.memory_space<hbm>>
          %dma_start3A_127 = arith.constant 0 : i32
          %dma_start3A_128 = tpu.memref_slice %arg7[%add3A_102, %dma_start3A_127] : memref<64x16384xf32, #tpu.memory_space<hbm>> -> memref<1x4096xf32, #tpu.memory_space<hbm>>
          %dma_start3A_129 = tpu.memref_squeeze %dma_start3A_128 : memref<1x4096xf32, #tpu.memory_space<hbm>> -> memref<4096xf32, #tpu.memory_space<hbm>>
          tpu.enqueue_dma source(%arg12 : memref<4096xf32, #tpu.memory_space<vmem>>) target(%dma_start3A_129 : memref<4096xf32, #tpu.memory_space<hbm>>) target_semaphore(%run_scoped3A : memref<!tpu.dma_semaphore, #tpu.memory_space<semaphore_mem>>)
          %dma_wait3A_130 = arith.constant 0 : i32
          %dma_wait3A_131 = tpu.memref_slice %arg7[%add3A_102, %dma_wait3A_130] : memref<64x16384xf32, #tpu.memory_space<hbm>> -> memref<1x4096xf32, #tpu.memory_space<hbm>>
          %dma_wait3A_132 = tpu.memref_squeeze %dma_wait3A_131 : memref<1x4096xf32, #tpu.memory_space<hbm>> -> memref<4096xf32, #tpu.memory_space<hbm>>
          %dma_wait3A_133 = arith.constant 0 : i32
          %dma_wait3A_134 = tpu.memref_slice %arg7[%add3A_102, %dma_wait3A_133] : memref<64x16384xf32, #tpu.memory_space<hbm>> -> memref<1x4096xf32, #tpu.memory_space<hbm>>
          %dma_wait3A_135 = tpu.memref_squeeze %dma_wait3A_134 : memref<1x4096xf32, #tpu.memory_space<hbm>> -> memref<4096xf32, #tpu.memory_space<hbm>>
          tpu.wait_dma2 semaphore(%run_scoped3A : memref<!tpu.dma_semaphore, #tpu.memory_space<semaphore_mem>>) src(%arg12 : memref<4096xf32, #tpu.memory_space<vmem>>) dst(%dma_wait3A_135 : memref<4096xf32, #tpu.memory_space<hbm>>)
          tpu.yield
        }) : () -> ()
        %parallel_loop3A_115 = arith.constant 0 : i32
        %parallel_loop3A_116 = arith.constant 256 : i32
        %parallel_loop3A_117 = arith.constant 1 : i32
        scf.for %parallel_loop3A_124 = %parallel_loop3A_115 to %parallel_loop3A_116 step %parallel_loop3A_117  : i32 {
          %parallel_loop3A_125 = arith.constant 16 : i32
          %parallel_loop3A_126 = arith.muli %parallel_loop3A_124, %parallel_loop3A_125 : i32
          %parallel_loop3A_127 = arith.constant 16 : i32
          %parallel_loop3A_128 = arith.muli %parallel_loop3A_124, %parallel_loop3A_127 : i32
          %parallel_loop3A_129 = arith.constant 4096 : i32
          %parallel_loop3A_130 = arith.addi %parallel_loop3A_129, %parallel_loop3A_128 : i32
          %parallel_loop3A_131 = arith.index_cast %parallel_loop3A_130 : i32 to index
          %parallel_loop3A_132 = tpu.vector_load %arg10[%parallel_loop3A_131] {strides = array<i32>} : memref<16384xi32, #tpu.memory_space<vmem>>, vector<16xi32>,
          %parallel_loop3A_133 = tpu.vector_load_idx %arg9[%parallel_loop3A_132] : memref<100000xf32, #tpu.memory_space<vmem>>[vector<16xi32>], vector<16xf32>,
          %parallel_loop3A_134 = arith.index_cast %parallel_loop3A_126 : i32 to index
          %parallel_loop3A_135 = tpu.vector_load %arg12[%parallel_loop3A_134] {strides = array<i32>} : memref<4096xf32, #tpu.memory_space<vmem>>, vector<16xf32>,
          tpu.vector_store %arg12[%parallel_loop3A_134], %parallel_loop3A_133 {strides = array<i32>} : memref<4096xf32, #tpu.memory_space<vmem>>, vector<16xf32>,
        } {sc.loop_unroll_factor = 8 : i64, sc.parallel_access}
        "tpu.region"() ({
          %run_scoped3A = tpu.sem_alloc : memref<!tpu.dma_semaphore, #tpu.memory_space<semaphore_mem>>
          %dma_start3A_124 = arith.constant 4096 : i32
          %dma_start3A_125 = tpu.memref_slice %arg7[%add3A_102, %dma_start3A_124] : memref<64x16384xf32, #tpu.memory_space<hbm>> -> memref<1x4096xf32, #tpu.memory_space<hbm>>
          %dma_start3A_126 = tpu.memref_squeeze %dma_start3A_125 : memref<1x4096xf32, #tpu.memory_space<hbm>> -> memref<4096xf32, #tpu.memory_space<hbm>>
          %dma_start3A_127 = arith.constant 4096 : i32
          %dma_start3A_128 = tpu.memref_slice %arg7[%add3A_102, %dma_start3A_127] : memref<64x16384xf32, #tpu.memory_space<hbm>> -> memref<1x4096xf32, #tpu.memory_space<hbm>>
          %dma_start3A_129 = tpu.memref_squeeze %dma_start3A_128 : memref<1x4096xf32, #tpu.memory_space<hbm>> -> memref<4096xf32, #tpu.memory_space<hbm>>
          tpu.enqueue_dma source(%arg12 : memref<4096xf32, #tpu.memory_space<vmem>>) target(%dma_start3A_129 : memref<4096xf32, #tpu.memory_space<hbm>>) target_semaphore(%run_scoped3A : memref<!tpu.dma_semaphore, #tpu.memory_space<semaphore_mem>>)
          %dma_wait3A_130 = arith.constant 4096 : i32
          %dma_wait3A_131 = tpu.memref_slice %arg7[%add3A_102, %dma_wait3A_130] : memref<64x16384xf32, #tpu.memory_space<hbm>> -> memref<1x4096xf32, #tpu.memory_space<hbm>>
          %dma_wait3A_132 = tpu.memref_squeeze %dma_wait3A_131 : memref<1x4096xf32, #tpu.memory_space<hbm>> -> memref<4096xf32, #tpu.memory_space<hbm>>
          %dma_wait3A_133 = arith.constant 4096 : i32
          %dma_wait3A_134 = tpu.memref_slice %arg7[%add3A_102, %dma_wait3A_133] : memref<64x16384xf32, #tpu.memory_space<hbm>> -> memref<1x4096xf32, #tpu.memory_space<hbm>>
          %dma_wait3A_135 = tpu.memref_squeeze %dma_wait3A_134 : memref<1x4096xf32, #tpu.memory_space<hbm>> -> memref<4096xf32, #tpu.memory_space<hbm>>
          tpu.wait_dma2 semaphore(%run_scoped3A : memref<!tpu.dma_semaphore, #tpu.memory_space<semaphore_mem>>) src(%arg12 : memref<4096xf32, #tpu.memory_space<vmem>>) dst(%dma_wait3A_135 : memref<4096xf32, #tpu.memory_space<hbm>>)
          tpu.yield
        }) : () -> ()
        %parallel_loop3A_118 = arith.constant 0 : i32
        %parallel_loop3A_119 = arith.constant 256 : i32
        %parallel_loop3A_120 = arith.constant 1 : i32
        scf.for %parallel_loop3A_124 = %parallel_loop3A_118 to %parallel_loop3A_119 step %parallel_loop3A_120  : i32 {
          %parallel_loop3A_125 = arith.constant 16 : i32
          %parallel_loop3A_126 = arith.muli %parallel_loop3A_124, %parallel_loop3A_125 : i32
          %parallel_loop3A_127 = arith.constant 16 : i32
          %parallel_loop3A_128 = arith.muli %parallel_loop3A_124, %parallel_loop3A_127 : i32
          %parallel_loop3A_129 = arith.constant 8192 : i32
          %parallel_loop3A_130 = arith.addi %parallel_loop3A_129, %parallel_loop3A_128 : i32
          %parallel_loop3A_131 = arith.index_cast %parallel_loop3A_130 : i32 to index
          %parallel_loop3A_132 = tpu.vector_load %arg10[%parallel_loop3A_131] {strides = array<i32>} : memref<16384xi32, #tpu.memory_space<vmem>>, vector<16xi32>,
          %parallel_loop3A_133 = tpu.vector_load_idx %arg9[%parallel_loop3A_132] : memref<100000xf32, #tpu.memory_space<vmem>>[vector<16xi32>], vector<16xf32>,
          %parallel_loop3A_134 = arith.index_cast %parallel_loop3A_126 : i32 to index
          %parallel_loop3A_135 = tpu.vector_load %arg12[%parallel_loop3A_134] {strides = array<i32>} : memref<4096xf32, #tpu.memory_space<vmem>>, vector<16xf32>,
          tpu.vector_store %arg12[%parallel_loop3A_134], %parallel_loop3A_133 {strides = array<i32>} : memref<4096xf32, #tpu.memory_space<vmem>>, vector<16xf32>,
        } {sc.loop_unroll_factor = 8 : i64, sc.parallel_access}
        "tpu.region"() ({
          %run_scoped3A = tpu.sem_alloc : memref<!tpu.dma_semaphore, #tpu.memory_space<semaphore_mem>>
          %dma_start3A_124 = arith.constant 8192 : i32
          %dma_start3A_125 = tpu.memref_slice %arg7[%add3A_102, %dma_start3A_124] : memref<64x16384xf32, #tpu.memory_space<hbm>> -> memref<1x4096xf32, #tpu.memory_space<hbm>>
          %dma_start3A_126 = tpu.memref_squeeze %dma_start3A_125 : memref<1x4096xf32, #tpu.memory_space<hbm>> -> memref<4096xf32, #tpu.memory_space<hbm>>
          %dma_start3A_127 = arith.constant 8192 : i32
          %dma_start3A_128 = tpu.memref_slice %arg7[%add3A_102, %dma_start3A_127] : memref<64x16384xf32, #tpu.memory_space<hbm>> -> memref<1x4096xf32, #tpu.memory_space<hbm>>
          %dma_start3A_129 = tpu.memref_squeeze %dma_start3A_128 : memref<1x4096xf32, #tpu.memory_space<hbm>> -> memref<4096xf32, #tpu.memory_space<hbm>>
          tpu.enqueue_dma source(%arg12 : memref<4096xf32, #tpu.memory_space<vmem>>) target(%dma_start3A_129 : memref<4096xf32, #tpu.memory_space<hbm>>) target_semaphore(%run_scoped3A : memref<!tpu.dma_semaphore, #tpu.memory_space<semaphore_mem>>)
          %dma_wait3A_130 = arith.constant 8192 : i32
          %dma_wait3A_131 = tpu.memref_slice %arg7[%add3A_102, %dma_wait3A_130] : memref<64x16384xf32, #tpu.memory_space<hbm>> -> memref<1x4096xf32, #tpu.memory_space<hbm>>
          %dma_wait3A_132 = tpu.memref_squeeze %dma_wait3A_131 : memref<1x4096xf32, #tpu.memory_space<hbm>> -> memref<4096xf32, #tpu.memory_space<hbm>>
          %dma_wait3A_133 = arith.constant 8192 : i32
          %dma_wait3A_134 = tpu.memref_slice %arg7[%add3A_102, %dma_wait3A_133] : memref<64x16384xf32, #tpu.memory_space<hbm>> -> memref<1x4096xf32, #tpu.memory_space<hbm>>
          %dma_wait3A_135 = tpu.memref_squeeze %dma_wait3A_134 : memref<1x4096xf32, #tpu.memory_space<hbm>> -> memref<4096xf32, #tpu.memory_space<hbm>>
          tpu.wait_dma2 semaphore(%run_scoped3A : memref<!tpu.dma_semaphore, #tpu.memory_space<semaphore_mem>>) src(%arg12 : memref<4096xf32, #tpu.memory_space<vmem>>) dst(%dma_wait3A_135 : memref<4096xf32, #tpu.memory_space<hbm>>)
          tpu.yield
        }) : () -> ()
        %parallel_loop3A_121 = arith.constant 0 : i32
        %parallel_loop3A_122 = arith.constant 256 : i32
        %parallel_loop3A_123 = arith.constant 1 : i32
        scf.for %parallel_loop3A_124 = %parallel_loop3A_121 to %parallel_loop3A_122 step %parallel_loop3A_123  : i32 {
          %parallel_loop3A_125 = arith.constant 16 : i32
          %parallel_loop3A_126 = arith.muli %parallel_loop3A_124, %parallel_loop3A_125 : i32
          %parallel_loop3A_127 = arith.constant 16 : i32
          %parallel_loop3A_128 = arith.muli %parallel_loop3A_124, %parallel_loop3A_127 : i32
          %parallel_loop3A_129 = arith.constant 12288 : i32
          %parallel_loop3A_130 = arith.addi %parallel_loop3A_129, %parallel_loop3A_128 : i32
          %parallel_loop3A_131 = arith.index_cast %parallel_loop3A_130 : i32 to index
          %parallel_loop3A_132 = tpu.vector_load %arg10[%parallel_loop3A_131] {strides = array<i32>} : memref<16384xi32, #tpu.memory_space<vmem>>, vector<16xi32>,
          %parallel_loop3A_133 = tpu.vector_load_idx %arg9[%parallel_loop3A_132] : memref<100000xf32, #tpu.memory_space<vmem>>[vector<16xi32>], vector<16xf32>,
          %parallel_loop3A_134 = arith.index_cast %parallel_loop3A_126 : i32 to index
          %parallel_loop3A_135 = tpu.vector_load %arg12[%parallel_loop3A_134] {strides = array<i32>} : memref<4096xf32, #tpu.memory_space<vmem>>, vector<16xf32>,
          tpu.vector_store %arg12[%parallel_loop3A_134], %parallel_loop3A_133 {strides = array<i32>} : memref<4096xf32, #tpu.memory_space<vmem>>, vector<16xf32>,
        } {sc.loop_unroll_factor = 8 : i64, sc.parallel_access}
        "tpu.region"() ({
          %run_scoped3A = tpu.sem_alloc : memref<!tpu.dma_semaphore, #tpu.memory_space<semaphore_mem>>
          %dma_start3A_124 = arith.constant 12288 : i32
          %dma_start3A_125 = tpu.memref_slice %arg7[%add3A_102, %dma_start3A_124] : memref<64x16384xf32, #tpu.memory_space<hbm>> -> memref<1x4096xf32, #tpu.memory_space<hbm>>
          %dma_start3A_126 = tpu.memref_squeeze %dma_start3A_125 : memref<1x4096xf32, #tpu.memory_space<hbm>> -> memref<4096xf32, #tpu.memory_space<hbm>>
          %dma_start3A_127 = arith.constant 12288 : i32
          %dma_start3A_128 = tpu.memref_slice %arg7[%add3A_102, %dma_start3A_127] : memref<64x16384xf32, #tpu.memory_space<hbm>> -> memref<1x4096xf32, #tpu.memory_space<hbm>>
          %dma_start3A_129 = tpu.memref_squeeze %dma_start3A_128 : memref<1x4096xf32, #tpu.memory_space<hbm>> -> memref<4096xf32, #tpu.memory_space<hbm>>
          tpu.enqueue_dma source(%arg12 : memref<4096xf32, #tpu.memory_space<vmem>>) target(%dma_start3A_129 : memref<4096xf32, #tpu.memory_space<hbm>>) target_semaphore(%run_scoped3A : memref<!tpu.dma_semaphore, #tpu.memory_space<semaphore_mem>>)
          %dma_wait3A_130 = arith.constant 12288 : i32
          %dma_wait3A_131 = tpu.memref_slice %arg7[%add3A_102, %dma_wait3A_130] : memref<64x16384xf32, #tpu.memory_space<hbm>> -> memref<1x4096xf32, #tpu.memory_space<hbm>>
          %dma_wait3A_132 = tpu.memref_squeeze %dma_wait3A_131 : memref<1x4096xf32, #tpu.memory_space<hbm>> -> memref<4096xf32, #tpu.memory_space<hbm>>
          %dma_wait3A_133 = arith.constant 12288 : i32
          %dma_wait3A_134 = tpu.memref_slice %arg7[%add3A_102, %dma_wait3A_133] : memref<64x16384xf32, #tpu.memory_space<hbm>> -> memref<1x4096xf32, #tpu.memory_space<hbm>>
          %dma_wait3A_135 = tpu.memref_squeeze %dma_wait3A_134 : memref<1x4096xf32, #tpu.memory_space<hbm>> -> memref<4096xf32, #tpu.memory_space<hbm>>
          tpu.wait_dma2 semaphore(%run_scoped3A : memref<!tpu.dma_semaphore, #tpu.memory_space<semaphore_mem>>) src(%arg12 : memref<4096xf32, #tpu.memory_space<vmem>>) dst(%dma_wait3A_135 : memref<4096xf32, #tpu.memory_space<hbm>>)
          tpu.yield
        }) : () -> ()
      }
      %scan3A_44 = arith.constant 2 : i32
    } else {
    }
    return
  }
}

module attributes {stable_mosaic.version = 14 : i64} {
  func.func @body(%arg0: memref<64x16384xf32, #tpu.memory_space<vmem>>, %arg1: memref<64x16384xf32, #tpu.memory_space<vmem>>, %arg2: memref<1x1xf32, #tpu.memory_space<smem>>) attributes {dimension_semantics = [], scalar_prefetch = 0 : i64, scratch_operands = 0 : i64, tpu.core_type = #tpu.core_type<tc>} {
    %get3A = arith.constant 0 : index
    %get3A_0 = arith.constant 0 : index
    %get3A_1 = vector.load %arg0[%get3A, %get3A_0] : memref<64x16384xf32, #tpu.memory_space<vmem>>, vector<64x16384xf32>
    %get3A_2 = arith.constant 0 : index
    %get3A_3 = arith.constant 0 : index
    %get3A_4 = vector.load %arg1[%get3A_2, %get3A_3] : memref<64x16384xf32, #tpu.memory_space<vmem>>, vector<64x16384xf32>
    %mul3A = arith.mulf %get3A_1, %get3A_4 : vector<64x16384xf32>
    %reduce_sum3A = arith.constant dense<0.000000e+00> : vector<16384xf32>
    %reduce_sum3A_5 = vector.multi_reduction <add>, %mul3A, %reduce_sum3A [0] : vector<64x16384xf32> to vector<16384xf32>
    %broadcast_in_dim3A = vector.shape_cast %reduce_sum3A_5 : vector<16384xf32> to vector<1x16384xf32>
    %neg3A = arith.constant 0.000000e+00 : f32
    %neg3A_6 = vector.broadcast %neg3A : f32 to vector<1x16384xf32>
    %neg3A_7 = arith.subf %neg3A_6, %broadcast_in_dim3A : vector<1x16384xf32>
    %max3A = arith.constant 0.000000e+00 : f32
    %max3A_8 = vector.broadcast %max3A : f32 to vector<1x16384xf32>
    %max3A_9 = arith.maximumf %neg3A_7, %max3A_8 : vector<1x16384xf32>
    %abs3A = math.absf %neg3A_7 : vector<1x16384xf32>
    %neg3A_10 = arith.constant 0.000000e+00 : f32
    %neg3A_11 = vector.broadcast %neg3A_10 : f32 to vector<1x16384xf32>
    %neg3A_12 = arith.subf %neg3A_11, %abs3A : vector<1x16384xf32>
    %exp3A = math.exp %neg3A_12 : vector<1x16384xf32>
    %add3A = arith.constant 1.000000e+00 : f32
    %add3A_13 = vector.broadcast %add3A : f32 to vector<1x16384xf32>
    %add3A_14 = arith.addf %add3A_13, %exp3A : vector<1x16384xf32>
    %log3A = math.log %add3A_14 : vector<1x16384xf32>
    %add3A_15 = arith.addf %max3A_9, %log3A : vector<1x16384xf32>
    %reduce_sum3A_16 = vector.shape_cast %add3A_15 : vector<1x16384xf32> to vector<1x1x16384xf32>
    %reduce_sum3A_17 = arith.constant dense<0.000000e+00> : vector<1xf32>
    %reduce_sum3A_18 = vector.multi_reduction <add>, %reduce_sum3A_16, %reduce_sum3A_17 [1, 2] : vector<1x1x16384xf32> to vector<1xf32>
    %reduce_sum3A_19 = vector.shape_cast %reduce_sum3A_18 : vector<1xf32> to vector<1x1x1xf32>
    %reduce_sum3A_20 = vector.extract %reduce_sum3A_19[0, 0, 0] : f32 from vector<1x1x1xf32>
    %div3A = arith.constant 1.638400e+04 : f32
    %div3A_21 = arith.divf %reduce_sum3A_20, %div3A : f32
    %swap3A = arith.constant 0 : index
    %swap3A_22 = arith.constant 0 : index
    %swap3A_23 = memref.load %arg2[%swap3A, %swap3A_22] : memref<1x1xf32, #tpu.memory_space<smem>>
    memref.store %div3A_21, %arg2[%swap3A, %swap3A_22] : memref<1x1xf32, #tpu.memory_space<smem>>
    return
  }
}

</mosaic_0001>

<sc_bundles>
// kernel: kernel.4.cloned.1.call-start
scs
__scs_entry_jumppad:
0x0: {  	(pc) =	sbr.rel $0x88, $3  }
0x1: {  	(tag) =	ssettag $0x0;
	lr =	simm.s32 $0x1  }
0x2: {  	[smem:$0x3F9C] =	sst lr;
	_ =	strace $0xD0000000  }
0x3: {  	_ = 	snop  }
0x4: {  	_ = 	snop  }
0x5: {  	_ = 	snop  }
0x6: {  	_ = 	snop  }
0x7: {  	_ = 	snop  }
__scs_overlays_trampoline_lowered:
0x8: {  	[smem:$0x3FAB] =	sst s0  }
0x9: {  	[smem:$0x3FAC] =	sst s1  }
0xa: {  	[smem:$0x3FAD] =	sst s2  }
0xb: {  	[smem:$0x3FAE] =	sst s3  }
0xc: {  	[smem:$0x3FAF] =	sst s4  }
0xd: {  	[smem:$0x3FB0] =	sst s5  }
0xe: {  	[smem:$0x3FB1] =	sst s6  }
0xf: {  	[smem:$0x3FB2] =	sst s7  }
0x10: {  	[smem:$0x3FB3] =	sst s8  }
0x11: {  	[smem:$0x3FB4] =	sst s9;
	s0 =	simm.s32 @!p0 $0x0  }
0x12: {  	s1 =	sld [smem:$0x3F9A];
	s0 =	simm.s32 @p0 $0x1  }
0x13: {  	[smem:$0x3FB5] =	sst s0;
	s0 =	simm.s32 @!p1 $0x0  }
0x14: {  	s2 =	sld [smem:$0x3F99];
	s0 =	simm.s32 @p1 $0x1  }
0x15: {  	[smem:$0x3FB6] =	sst s0;
	s0 =	simm.s32 @!p2 $0x0  }
0x16: {  	s3 =	sld [smem:$0x3FDB];
	s0 =	simm.s32 @p2 $0x1  }
0x17: {  	s4 =	simm.s32 $0x1BF5;
	[smem:$0x3FB8] =	sst s0  }
0x18: {  	s0 =	sld [smem:$0x3F9B];
	_ =	swait.ge [sflag:s4], $0x0  }
0x19: {  	s7 =	sld [smem:$0x3F9C]  }
0x1a: {  	s8 =	sadd.s32 $0xFFFFE003, lr  }
0x1b: {  	s9 =	sadd.s32 $0xFFFFFEF7, lr;
	s5 =	simm.s32 $0xFFFFFFFF;
	p2 =	slt.u32 s8, $0xFFFFF086  }
0x1c: {  	p1 =	slt.u32 s9, $0xF7A;
	s5 =	simm.s32 @!p2 $0x0  }
0x1d: {  	s5 =	simm.s32 @p1 $0x1;
	p0 =	seq.s32 s7, s2  }
0x1e: {  	s7 =	smul.u32 @!p0 $0xF7A, s2;
	p2 =	seq.s32 @!p0 s5, $0x0  }
0x1f: {  	s9 =	smul.u32 $0xF7A, s1;
	s8 =	simm.s32 @!p0 $0x1BF5;
	p2 =	por !p2, p0  }
0x20: {  	[sflag:s8] =	ssyncset.s32 @!p0 $0xFFFFF086;
	s6 =	sadd.s32 @!p0 s3, s7;
	s7 =	simm.s32 @!p0 $0x108  }
0x21: {  	s3 =	sadd.s32 s3, s9;
	s6 =	sadd.s32 @!p0 $0x88, s6;
	s7 =	simm.s32 @p2 $0x1082  }
0x22: {  	[simem:s7], [sflag:s8] =	dma.local @!p0 [hbm:s6], $0xF7A  }
0x23: {  	s9 =	sor.u32 $0xD0000000, s2;
	s6 =	simm.s32 $0x108;
	_ =	swait.ge @!p0 [sflag:s8], $0x0  }
0x24: {  	s3 =	sadd.s32 $0x88, s3;
	s6 =	simm.s32 @!p1 $0x1082;
	[sflag:s4] =	ssyncset.s32 $0xFFFFF086  }
0x25: {  	[simem:s6], [sflag:s4] =	dma.local [hbm:s3], $0xF7A  }
0x26: {  	[smem:$0x3F9C] =	sst s1;
	(tag) =	ssettag s2;
	_ =	strace s9  }
0x27: {  	s1 =	sld [smem:$0x3FAC]  }
0x28: {  	s2 =	sld [smem:$0x3FAD]  }
0x29: {  	s4 =	sld [smem:$0x3FAF]  }
0x2a: {  	p0 =	seq.s32 s5, $0x0;
	s5 =	sld [smem:$0x3FB0]  }
0x2b: {  	s6 =	sld [smem:$0x3FB1]  }
0x2c: {  	s7 =	sld [smem:$0x3FB2]  }
0x2d: {  	s3 =	simm.s32 $0x108;
	s8 =	sld [smem:$0x3FB3]  }
0x2e: {  	s3 =	simm.s32 @!p0 $0x1082;
	s9 =	sld [smem:$0x3FB4]  }
0x2f: {  	lr =	sadd.s32 s0, s3;
	s0 =	sld [smem:$0x3FAB]  }
0x30: {  	s3 =	sld [smem:$0x3FAE]  }
0x31: {  	[smem:$0x3FB7] =	sst s10  }
0x32: {  	s10 =	sld [smem:$0x3FB5];
	_ =	sdelay $0x3  }
0x33: {  	p0 =	seq.s32 s10, $0x1;
	s10 =	sld [smem:$0x3FB7];
	_ =	sdelay $0x3  }
0x34: {  	[smem:$0x3FB7] =	sst s10  }
0x35: {  	s10 =	sld [smem:$0x3FB6];
	_ =	sdelay $0x3  }
0x36: {  	p1 =	seq.s32 s10, $0x1;
	s10 =	sld [smem:$0x3FB7];
	_ =	sdelay $0x3  }
0x37: {  	[smem:$0x3FB7] =	sst s10  }
0x38: {  	s10 =	sld [smem:$0x3FB8]  }
0x39: {  	_ = 	snop;
	(pc) =	sbr.ind lr, $3  }
0x3a: {  	_ = 	snop  }
0x3b: {  	_ = 	snop  }
0x3c: {  	p2 =	seq.s32 s10, $0x1;
	s10 =	sld [smem:$0x3FB7]  }
0x3d: {  	_ =	shalt  }
0x3e: {  	_ =	shalt  }
0x3f: {  	_ =	shalt  }
0x40: {  	_ =	shalt  }
0x41: {  	_ =	shalt  }
0x42: {  	_ =	shalt  }
0x43: {  	_ =	shalt  }
0x44: {  	_ =	shalt  }
0x45: {  	_ =	shalt  }
0x46: {  	_ =	shalt  }
0x47: {  	_ =	shalt  }
0x48: {  	_ =	shalt  }
0x49: {  	_ =	shalt  }
0x4a: {  	_ =	shalt  }
0x4b: {  	_ =	shalt  }
0x4c: {  	_ =	shalt  }
0x4d: {  	_ =	shalt  }
0x4e: {  	_ =	shalt  }
0x4f: {  	_ =	shalt  }
0x50: {  	_ =	shalt  }
0x51: {  	_ =	shalt  }
0x52: {  	_ =	shalt  }
0x53: {  	_ =	shalt  }
0x54: {  	_ =	shalt  }
0x55: {  	_ =	shalt  }
0x56: {  	_ =	shalt  }
0x57: {  	_ =	shalt  }
0x58: {  	_ =	shalt  }
0x59: {  	_ =	shalt  }
0x5a: {  	_ =	shalt  }
0x5b: {  	_ =	shalt  }
0x5c: {  	_ =	shalt  }
0x5d: {  	_ =	shalt  }
0x5e: {  	_ =	shalt  }
0x5f: {  	_ =	shalt  }
0x60: {  	_ =	shalt  }
0x61: {  	_ =	shalt  }
0x62: {  	_ =	shalt  }
0x63: {  	_ =	shalt  }
0x64: {  	_ =	shalt  }
0x65: {  	_ =	shalt  }
0x66: {  	_ =	shalt  }
0x67: {  	_ =	shalt  }
0x68: {  	_ =	shalt  }
0x69: {  	_ =	shalt  }
0x6a: {  	_ =	shalt  }
0x6b: {  	_ =	shalt  }
0x6c: {  	_ =	shalt  }
0x6d: {  	_ =	shalt  }
0x6e: {  	_ =	shalt  }
0x6f: {  	_ =	shalt  }
0x70: {  	_ =	shalt  }
0x71: {  	_ =	shalt  }
0x72: {  	_ =	shalt  }
0x73: {  	_ =	shalt  }
0x74: {  	_ =	shalt  }
0x75: {  	_ =	shalt  }
0x76: {  	_ =	shalt  }
0x77: {  	_ =	shalt  }
0x78: {  	_ =	shalt  }
0x79: {  	_ =	shalt  }
0x7a: {  	_ =	shalt  }
0x7b: {  	_ =	shalt  }
0x7c: {  	_ =	shalt  }
0x7d: {  	_ =	shalt  }
0x7e: {  	_ =	shalt  }
0x7f: {  	_ =	shalt  }
0x80: {  	_ =	shalt  }
0x81: {  	_ =	shalt  }
0x82: {  	_ =	shalt  }
0x83: {  	_ =	shalt  }
0x84: {  	_ =	shalt  }
0x85: {  	_ =	shalt  }
0x86: {  	_ =	shalt  }
0x87: {  	_ =	shalt  }
.Lfunc_end0:
.L_simem_size_0:
called_computation_lowered:
.L_overlay_start_0:
0x88: {  	s2 =	sld [smem:$0x3FD9]  }
0x89: {  	s3 =	sld [smem:$0x3FFE];
	_ =	sdelay $0x1  }
0x8a: {  	s1 =	srdreg.scid  }
0x8b: {  	s0 =	sand.u32 $0x1, s1  }
0x8c: {  	s17 =	sshll.u32 s0, $0xA;
	s2 =	sadd.s32 s3, s2  }
0x8d: {  	s2 =	sadd.s32 s2, s17  }
0x8e: {  	[smem:$0x3FC3] =	sst s2  }
0x8f: {  	_ = 	snop  }
0x90: {  	s2 =	sld [smem:$0x3FC9]  }
0x91: {  	s18 =	sld [smem:$0x3FC8]  }
0x92: {  	s4 =	sld [smem:$0x3FC7]  }
0x93: {  	s5 =	sld [smem:$0x3FC6]  }
0x94: {  	s6 =	sld [smem:$0x3FC5];
	(tm) =	ssettm $0x1  }
0x95: {  	s7 =	sld [smem:$0x3FFB];
	_ =	sdelay $0x3  }
0x96: {  	_ =	strace s7  }
0x97: {  	s7 =	sld [smem:$0x3FFC];
	_ =	sdelay $0x3  }
0x98: {  	_ =	strace s7  }
0x99: {  	s7 =	sld [smem:$0x3FFD];
	_ =	sdelay $0x3  }
0x9a: {  	_ =	strace s7  }
0x9b: {  	_ =	strace $0x8FFFFFFF  }
0x9c: {  	s19 =	sld [smem:$0x3FDB];
	_ =	sdelay $0x1  }
0x9d: {  	s8 =	simm.s32 $_scs_section_size  }
0x9e: {  	s9 =	simm.s32 $_size__tile_overlayer_lowered;
	s10 =	simm.s32 $_tile_overlayer_lowered  }
0x9f: {  	s22 =	simm.s32 $0x1BFF;
	s21 =	sshll.u32 s10, $0x1;
	s7 =	sadd.s32 s8, s19  }
0xa0: {  	s11 =	simm.s32 $0x0;
	s20 =	sshll.u32 s9, $0x1;
	s9 =	sadd.s32 s21, s7  }
0xa1: {  	[timem:s11], [sflag:s22] =	dma.local [hbm:s9], s20  }
0xa2: {  	_ =	swait.ge [sflag:s22], s20  }
0xa3: {  	s8 =	ssub.s32 $0x0, s20;
	[sflag:s22] =	ssyncset.done $0x0  }
0xa4: {  	[sflag:s22] =	ssyncadd.s32 s8;
	_ =	sdelay $0x1  }
0xa5: {  	s23 =	simm.s32 $0x1B8B  }
0xa6: {  	_ =	swait.ge [sflag:s23], $0x1  }
0xa7: {  	[sflag:s23] =	ssyncset.done $0x0  }
0xa8: {  	s25 =	simm.s32 $0x1B8E;
	s24 =	sld [smem:$0x3FFE];
	[sflag:s23] =	ssyncadd.s32 $0xFFFFFFFF  }
0xa9: {  	s26 =	simm.s32 $execute0_lowered;
	[smem:$0x3FD2] =	sst s25  }
0xaa: {  	s9 =	sshll.u32 s26, $0x1;
	_ =	strace $0x80000046;
	[dreg:$0x1] =	wrdreg $0xFFFFFFFF  }
0xab: {  	s28 =	simm.s32 $_size_execute0_lowered;
	s7 =	sadd.s32 s7, s9;
	[dreg:$0x0] =	wrdreg $0x0  }
0xac: {  	s9 =	sshll.u32 s28, $0x1;
	[dreg:$0x2] =	wrdreg s7  }
0xad: {  	[dreg:$0x3] =	wrdreg s9  }
0xae: {  	[dreg:$0x4] =	wrdreg $0xC0  }
0xaf: {  	_ =	task [dreg:s11], $0x5FFFF  }
0xb0: {  	[dreg:$0x1] =	wrdreg $0xFFFFFFFF  }
0xb1: {  	[dreg:$0x0] =	wrdreg $0x60  }
0xb2: {  	[dreg:$0x2] =	wrdreg s2  }
0xb3: {  	[dreg:$0x3] =	wrdreg s18  }
0xb4: {  	[dreg:$0x4] =	wrdreg s4  }
0xb5: {  	[dreg:$0x5] =	wrdreg s5  }
0xb6: {  	[dreg:$0x6] =	wrdreg s6  }
0xb7: {  	[dreg:$0x7] =	wrdreg s24  }
0xb8: {  	[dreg:$0x8] =	wrdreg $0x9  }
0xb9: {  	_ =	task.clear_ibuf [dreg:s11], $0x9FFFF;
	_ =	strace $0x90000046  }
0xba: {  	s29 =	simm.s32 $0x9;
	_ =	strace $0x80000048  }
0xbb: {  	_ =	swait.ge [sflag:s29], $0x1  }
0xbc: {  	[sflag:s29] =	ssyncadd.s32 $0xFFFFFFFF  }
0xbd: {  	_ =	strace $0x90000048  }
0xbe: {  	_ =	sfence  }
0xbf: {  	s30 =	sld [smem:$0x0];
	_ =	sdelay $0x2  }
0xc0: {  	s31 =	sshll.u32 s1, $0xD;
	s1 =	sshrl.u32 s1, $0x2  }
0xc1: {  	s3 =	sand.u32 $0x4000, s31;
	s1 =	sadd.s32 s1, s30  }
0xc2: {  	s0 =	sor.u32 s3, s0;
	s1 =	sshll.u32 s1, $0x11  }
0xc3: {  	s0 =	sor.u32 s1, s0  }
0xc4: {  	s0 =	sadd.s32 $0x8F2B, s0  }
0xc5: {  	[sflag:s0] =	ssyncadd.remote.s32 $0x1  }
0xc6: {  	_ =	sfence.sel $0xFFFF  }
0xc7: {  	[dreg:$0x0] =	wrdreg $0xFFFFFFFF;
	(pc) =	sbr.abs _section_cstart, $3  }
0xc8: {  	[dreg:$0x1] =	wrdreg $0xFFFFFFFF  }
0xc9: {  	_ =	task.clear_ibuf [dreg:s11], $0x2FFFF;
	_ =	strace $0x9FFFFFFF  }
0xca: {  	(tm) =	ssettm $0x7FFFFFFF  }
0xcb: {  	_ =	shalt  }
tec
execute0_lowered:
.L_overlay_start_1:
0x0: {  	(tag) =	ssettag $0x1  }
0x1: {  	s3 =	rddreg [dreg:$0x2]  }
0x2: {  	s29 =	rddreg [dreg:$0x3]  }
0x3: {  	s5 =	rddreg [dreg:$0x4]  }
0x4: {  	s0 =	rddreg [dreg:$0x5];
	s6 =	simm.s32 $0x0;
	s1 =	srdreg.scid  }
0x5: {  	s11 =	stileid.u32;
	s23 =	simm.s32 $0x1;
	s30 =	simm.s32 $0x80  }
0x6: {  	s31 =	simm.s32 $0x400;
	[smem:$0x7FF] =	sst s6;
	s1 =	sand.u32 $0x1, s1  }
0x7: {  	s8 =	sadd.s32 $0xC00, s0;
	s9 =	sadd.s32 $0x20C00, s0;
	s7 =	sshll.u32 s11, $0x1  }
0x8: {  	s25 =	sshll.u32 s11, $0x2;
	s10 =	sand.u32 $0x1, s11;
	s13 =	sshrl.u32 s11, $0x1  }
0x9: {  	s14 =	sadd.s32 $0x1C00, s0;
	s15 =	sadd.s32 $0x2C00, s0;
	s16 =	sadd.s32 $0x3C00, s0  }
0xa: {  	s17 =	sadd.s32 $0x200, s3;
	s18 =	sadd.s32 $0x21C00, s0;
	s19 =	sadd.s32 $0x400, s3  }
0xb: {  	s20 =	sadd.s32 $0x22C00, s0;
	s21 =	sadd.s32 $0x600, s3;
	s22 =	sadd.s32 $0x23C00, s0  }
0xc: {  	s0 =	simm.s32 $0x1C700;
	_ =	strace $0x80000047;
	s2 =	ssub.s32 $0x2, s1  }
0xd: {  	s24 =	sor.u32 s1, s7;
	p0 =	seq.s32 s1, $0x1;
	s11 =	sand.u32 $0x4, s25  }
0xe: {  	s12 =	smul.u32 $0xC3800, s13;
	s13 =	sshll.u32 s13, $0x11;
	p2 =	seq.s32 s10, $0x1  }
0xf: {  	s7 =	simm.s32 $0x3;
	s4 =	sshrl.u32 s2, $0x1;
	p1 =	seq.s32 s24, $0x0  }
.Ltmp0:
0x10: {  	s26 =	sshll.u32 s24, $0x1;
	p3 =	por !p2, !p2;
	(pc) =	sbr.rel .LBB2_1-.Ltmp0, $4  }
0x11: {  	s2 =	ssub.s32 s2, s4;
	p1 =	por !p1, !p0;
	s24 =	sand.u32 $0x6, s26  }
0x12: {  	s26 =	simm.s32 $0x1;
	s4 =	simm.s32 $0x0;
	p1 =	por !p1, !p1  }
0x13: {  	s28 =	smax.u32 s2, $0x1;
	p3 =	por @!p1 p2, p2;
	p1 =	seq.s32 s1, $0x0  }
0x14: {  	[dreg:$0x7] =	wrdreg s28;
	s1 =	simm.s32 $0x1D700;
	s23 =	simm.s32 @!p3 $0x0  }
.LBB2_43:
0x15: {  	s4 =	rddreg [dreg:$0x8]  }
0x16: {  	s2 =	rddreg [dreg:$0x7];
	s4 =	sadd.s32 $0x1, s4  }
0x17: {  	p2 =	sne.s32 s4, s2  }
.Ltmp1:
0x18: {  	_ = 	snop;
	(pc) =	sbr.rel @!p2 .LBB2_44-.Ltmp1, $1  }
0x19: {  	_ =	sdelay $0x3  }
.LBB2_1:
.Ltmp2:
0x1a: {  	(pc) =	sbr.rel @p0 .LBB2_23-.Ltmp2, $2  }
0x1b: {  	_ =	sdelay $0x2  }
0x1c: {  	[dreg:$0x8] =	wrdreg s4  }
0x1d: {  	s2 =	simm.s32 $0x0  }
0x1e: {  	s4 =	rddreg [dreg:$0x0];
	s25 =	simm.s32 $0x18700;
	s28 =	simm.s32 $0x2  }
0x1f: {  	[tilespmem:s25], [sflag:$0x2] =	stream.linear.gather [hbm4b:s4+s2], $0x4000, $0x38;
	[tilespmem:$0x1E700] =	vst v63  }
0x20: {  	_ =	swait.ge [sflag:s28], $0x4000  }
0x21: {  	[sflag:s28] =	ssyncset.done $0x0  }
0x22: {  	p3 =	por $0x1, $0x1;
	[sflag:s28] =	ssyncadd.s32 $0xFFFFC000  }
.LBB2_3:
0x23: {  	s2 =	sxor.u32 s10, s2  }
0x24: {  	s2 =	sor.u32 s11, s2  }
0x25: {  	s2 =	sshll.u32 s2, $0x7  }
0x26: {  	s4 =	sor.u32 s12, s2  }
0x27: {  	s4 =	sshrl.u32 s4, $0x3  }
0x28: {  	s4 =	sadd.s32 s29, s4  }
0x29: {  	[tilespmem:s6], [sflag:$0x1] =	stream.strided.gather [hbm4b:s4+s30], $0x18700, s31, s30, $0x38;
	[tilespmem:$0x1E700] =	vst v63  }
0x2a: {  	_ =	swait.ge [sflag:s26], $0x18700  }
0x2b: {  	[sflag:s26] =	ssyncset.done $0x0  }
0x2c: {  	s25 =	simm.s32 $0x18740;
	[sflag:s26] =	ssyncadd.s32 $0xFFFE7900  }
0x2d: {  	v0 =	vld [tilespmem:s25+$0x30]  }
0x2e: {  	v1 =	vld [tilespmem:s25+$0xFFFFFFD0]  }
0x2f: {  	v2 =	vld [tilespmem:s25+$0xFFFFFFE0]  }
0x30: {  	v3 =	vld [tilespmem:s25+$0xFFFFFFF0]  }
0x31: {  	v4 =	vld [tilespmem:s25+$0x0]  }
0x32: {  	v6 =	vld [tilespmem:s25+$0x10]  }
0x33: {  	v7 =	vld [tilespmem:s25+$0x20]  }
0x34: {  	v8 =	vld [tilespmem:s25+$0xFFFFFFC0]  }
0x35: {  	v9 =	vld.idx.msk [tilespmem:v0+s6+$0x0], $0xffff  }
0x36: {  	v10 =	vld.idx.msk [tilespmem:v1+s6+$0x0], $0xffff  }
0x37: {  	v5 =	vld.idx.msk [tilespmem:v2+s6+$0x0], $0xffff  }
0x38: {  	v3 =	vld.idx.msk [tilespmem:v3+s6+$0x0], $0xffff  }
0x39: {  	v1 =	vld.idx.msk [tilespmem:v4+s6+$0x0], $0xffff  }
0x3a: {  	s4 =	simm.s32 $0x1D740;
	v2 =	vld.idx.msk [tilespmem:v6+s6+$0x0], $0xffff  }
0x3b: {  	v0 =	vld.idx.msk [tilespmem:v7+s6+$0x0], $0xffff;
	[tilespmem:s4+$0x30] =	vst v9  }
0x3c: {  	p2 =	por p3, p3;
	s28 =	simm.s32 $0x187C0;
	s25 =	simm.s32 $0x0;
	v4 =	vld.idx.msk [tilespmem:v8+s6+$0x0], $0xffff;
	[tilespmem:s4+$0xFFFFFFD0] =	vst v10  }
.LBB2_4:
0x3d: {  	v6 =	vld [tilespmem:s28+$0x30];
	s25 =	sadd.s32 $0x8, s25;
	[tilespmem:s4+$0xFFFFFFE0] =	vst v5  }
0x3e: {  	v5 =	vld [tilespmem:s28+$0xFFFFFFD0];
	p3 =	slt.u32 s25, $0xF8;
	[tilespmem:s4+$0xFFFFFFF0] =	vst v3  }
0x3f: {  	v3 =	vld [tilespmem:s28+$0xFFFFFFE0];
	[tilespmem:s4+$0x0] =	vst v1  }
0x40: {  	v1 =	vld [tilespmem:s28+$0xFFFFFFF0];
	[tilespmem:s4+$0x10] =	vst v2  }
0x41: {  	v2 =	vld [tilespmem:s28+$0x0];
	[tilespmem:s4+$0x20] =	vst v0  }
0x42: {  	v0 =	vld [tilespmem:s28+$0x10];
	[tilespmem:s4+$0xFFFFFFC0] =	vst v4  }
0x43: {  	v4 =	vld [tilespmem:s28+$0x20]  }
0x44: {  	v7 =	vld [tilespmem:s28+$0xFFFFFFC0]  }
0x45: {  	v6 =	vld.idx.msk [tilespmem:v6+s6+$0x0], $0xffff  }
0x46: {  	v8 =	vld.idx.msk [tilespmem:v5+s6+$0x0], $0xffff  }
0x47: {  	v5 =	vld.idx.msk [tilespmem:v3+s6+$0x0], $0xffff  }
.Ltmp3:
0x48: {  	v3 =	vld.idx.msk [tilespmem:v1+s6+$0x0], $0xffff;
	(pc) =	sbr.rel @p3 .LBB2_4-.Ltmp3, $4  }
0x49: {  	v1 =	vld.idx.msk [tilespmem:v2+s6+$0x0], $0xffff  }
0x4a: {  	s4 =	sadd.s32 $0x80, s4;
	v2 =	vld.idx.msk [tilespmem:v0+s6+$0x0], $0xffff  }
0x4b: {  	v0 =	vld.idx.msk [tilespmem:v4+s6+$0x0], $0xffff;
	[tilespmem:s4+$0x30] =	vst v6  }
0x4c: {  	s28 =	sadd.s32 $0x80, s28;
	v4 =	vld.idx.msk [tilespmem:v7+s6+$0x0], $0xffff;
	[tilespmem:s4+$0xFFFFFFD0] =	vst v8  }
0x4d: {  	[tilespmem:s4+$0xFFFFFFE0] =	vst v5  }
0x4e: {  	[tilespmem:s4+$0xFFFFFFF0] =	vst v3  }
0x4f: {  	[tilespmem:s4+$0x0] =	vst v1  }
0x50: {  	s2 =	sor.u32 s13, s2;
	[tilespmem:s4+$0x10] =	vst v2  }
0x51: {  	s25 =	sshrl.u32 s2, $0x3;
	[tilespmem:s4+$0x20] =	vst v0  }
0x52: {  	s2 =	sadd.s32 s8, s25;
	[tilespmem:s4+$0xFFFFFFC0] =	vst v4  }
0x53: {  	[hbm4b:s2+s30] =	stream.strided.scatter [tilespmem:s1], [sflag:$0x3], $0x1000, s31, s30, $0x38;
	[tilespmem:$0x1E700] =	vst v63  }
0x54: {  	_ =	swait.ge [sflag:s7], $0x1000  }
0x55: {  	[sflag:s7] =	ssyncset.done $0x0  }
0x56: {  	s4 =	simm.s32 $0x19770;
	[sflag:s7] =	ssyncadd.s32 $0xFFFFF000  }
0x57: {  	v0 =	vld [tilespmem:s4+$0x0]  }
0x58: {  	v1 =	vld [tilespmem:s4+$0xFFFFFFA0]  }
0x59: {  	v2 =	vld [tilespmem:s4+$0xFFFFFFB0]  }
0x5a: {  	v3 =	vld [tilespmem:s4+$0xFFFFFFC0]  }
0x5b: {  	v4 =	vld [tilespmem:s4+$0xFFFFFFD0]  }
0x5c: {  	v6 =	vld [tilespmem:s4+$0xFFFFFFE0]  }
0x5d: {  	v7 =	vld [tilespmem:s4+$0xFFFFFFF0]  }
0x5e: {  	v8 =	vld [tilespmem:s4+$0xFFFFFF90]  }
0x5f: {  	v9 =	vld.idx.msk [tilespmem:v0+s6+$0x0], $0xffff  }
0x60: {  	v10 =	vld.idx.msk [tilespmem:v1+s6+$0x0], $0xffff  }
0x61: {  	v5 =	vld.idx.msk [tilespmem:v2+s6+$0x0], $0xffff  }
0x62: {  	v3 =	vld.idx.msk [tilespmem:v3+s6+$0x0], $0xffff  }
0x63: {  	v0 =	vld.idx.msk [tilespmem:v4+s6+$0x0], $0xffff  }
0x64: {  	s2 =	simm.s32 $0x1D740;
	v1 =	vld.idx.msk [tilespmem:v6+s6+$0x0], $0xffff  }
0x65: {  	v2 =	vld.idx.msk [tilespmem:v7+s6+$0x0], $0xffff;
	[tilespmem:s2+$0x30] =	vst v9  }
0x66: {  	s28 =	simm.s32 $0x197F0;
	s4 =	simm.s32 $0x0;
	v4 =	vld.idx.msk [tilespmem:v8+s6+$0x0], $0xffff;
	[tilespmem:s2+$0xFFFFFFD0] =	vst v10  }
.LBB2_6:
0x67: {  	v6 =	vld [tilespmem:s28+$0x0];
	s4 =	sadd.s32 $0x8, s4;
	[tilespmem:s2+$0xFFFFFFE0] =	vst v5  }
0x68: {  	v5 =	vld [tilespmem:s28+$0xFFFFFFA0];
	p3 =	slt.u32 s4, $0xF8;
	[tilespmem:s2+$0xFFFFFFF0] =	vst v3  }
0x69: {  	v3 =	vld [tilespmem:s28+$0xFFFFFFB0];
	[tilespmem:s2+$0x0] =	vst v0  }
0x6a: {  	v0 =	vld [tilespmem:s28+$0xFFFFFFC0];
	[tilespmem:s2+$0x10] =	vst v1  }
0x6b: {  	v1 =	vld [tilespmem:s28+$0xFFFFFFD0];
	[tilespmem:s2+$0x20] =	vst v2  }
0x6c: {  	v2 =	vld [tilespmem:s28+$0xFFFFFFE0];
	[tilespmem:s2+$0xFFFFFFC0] =	vst v4  }
0x6d: {  	v4 =	vld [tilespmem:s28+$0xFFFFFFF0]  }
0x6e: {  	v7 =	vld [tilespmem:s28+$0xFFFFFF90]  }
0x6f: {  	v6 =	vld.idx.msk [tilespmem:v6+s6+$0x0], $0xffff  }
0x70: {  	v8 =	vld.idx.msk [tilespmem:v5+s6+$0x0], $0xffff  }
0x71: {  	v5 =	vld.idx.msk [tilespmem:v3+s6+$0x0], $0xffff  }
.Ltmp4:
0x72: {  	v3 =	vld.idx.msk [tilespmem:v0+s6+$0x0], $0xffff;
	(pc) =	sbr.rel @p3 .LBB2_6-.Ltmp4, $4  }
0x73: {  	v0 =	vld.idx.msk [tilespmem:v1+s6+$0x0], $0xffff  }
0x74: {  	s2 =	sadd.s32 $0x80, s2;
	v1 =	vld.idx.msk [tilespmem:v2+s6+$0x0], $0xffff  }
0x75: {  	v2 =	vld.idx.msk [tilespmem:v4+s6+$0x0], $0xffff;
	[tilespmem:s2+$0x30] =	vst v6  }
0x76: {  	s28 =	sadd.s32 $0x80, s28;
	v4 =	vld.idx.msk [tilespmem:v7+s6+$0x0], $0xffff;
	[tilespmem:s2+$0xFFFFFFD0] =	vst v8  }
0x77: {  	[tilespmem:s2+$0xFFFFFFE0] =	vst v5  }
0x78: {  	[tilespmem:s2+$0xFFFFFFF0] =	vst v3  }
0x79: {  	[tilespmem:s2+$0x0] =	vst v0  }
0x7a: {  	[tilespmem:s2+$0x10] =	vst v1  }
0x7b: {  	[tilespmem:s2+$0x20] =	vst v2  }
0x7c: {  	s4 =	sadd.s32 s25, s14;
	[tilespmem:s2+$0xFFFFFFC0] =	vst v4  }
0x7d: {  	[hbm4b:s4+s30] =	stream.strided.scatter [tilespmem:s1], [sflag:$0x3], $0x1000, s31, s30, $0x38;
	[tilespmem:$0x1E700] =	vst v63  }
0x7e: {  	_ =	swait.ge [sflag:s7], $0x1000  }
0x7f: {  	[sflag:s7] =	ssyncset.done $0x0  }
0x80: {  	s4 =	simm.s32 $0x1A770;
	[sflag:s7] =	ssyncadd.s32 $0xFFFFF000  }
0x81: {  	v0 =	vld [tilespmem:s4+$0x0]  }
0x82: {  	v1 =	vld [tilespmem:s4+$0xFFFFFFA0]  }
0x83: {  	v2 =	vld [tilespmem:s4+$0xFFFFFFB0]  }
0x84: {  	v3 =	vld [tilespmem:s4+$0xFFFFFFC0]  }
0x85: {  	v4 =	vld [tilespmem:s4+$0xFFFFFFD0]  }
0x86: {  	v6 =	vld [tilespmem:s4+$0xFFFFFFE0]  }
0x87: {  	v7 =	vld [tilespmem:s4+$0xFFFFFFF0]  }
0x88: {  	v8 =	vld [tilespmem:s4+$0xFFFFFF90]  }
0x89: {  	v9 =	vld.idx.msk [tilespmem:v0+s6+$0x0], $0xffff  }
0x8a: {  	v10 =	vld.idx.msk [tilespmem:v1+s6+$0x0], $0xffff  }
0x8b: {  	v5 =	vld.idx.msk [tilespmem:v2+s6+$0x0], $0xffff  }
0x8c: {  	v3 =	vld.idx.msk [tilespmem:v3+s6+$0x0], $0xffff  }
0x8d: {  	v0 =	vld.idx.msk [tilespmem:v4+s6+$0x0], $0xffff  }
0x8e: {  	s2 =	simm.s32 $0x1D740;
	v1 =	vld.idx.msk [tilespmem:v6+s6+$0x0], $0xffff  }
0x8f: {  	v2 =	vld.idx.msk [tilespmem:v7+s6+$0x0], $0xffff;
	[tilespmem:s2+$0x30] =	vst v9  }
0x90: {  	s28 =	simm.s32 $0x1A7F0;
	s4 =	simm.s32 $0x0;
	v4 =	vld.idx.msk [tilespmem:v8+s6+$0x0], $0xffff;
	[tilespmem:s2+$0xFFFFFFD0] =	vst v10  }
.LBB2_8:
0x91: {  	v6 =	vld [tilespmem:s28+$0x0];
	s4 =	sadd.s32 $0x8, s4;
	[tilespmem:s2+$0xFFFFFFE0] =	vst v5  }
0x92: {  	v5 =	vld [tilespmem:s28+$0xFFFFFFA0];
	p3 =	slt.u32 s4, $0xF8;
	[tilespmem:s2+$0xFFFFFFF0] =	vst v3  }
0x93: {  	v3 =	vld [tilespmem:s28+$0xFFFFFFB0];
	[tilespmem:s2+$0x0] =	vst v0  }
0x94: {  	v0 =	vld [tilespmem:s28+$0xFFFFFFC0];
	[tilespmem:s2+$0x10] =	vst v1  }
0x95: {  	v1 =	vld [tilespmem:s28+$0xFFFFFFD0];
	[tilespmem:s2+$0x20] =	vst v2  }
0x96: {  	v2 =	vld [tilespmem:s28+$0xFFFFFFE0];
	[tilespmem:s2+$0xFFFFFFC0] =	vst v4  }
0x97: {  	v4 =	vld [tilespmem:s28+$0xFFFFFFF0]  }
0x98: {  	v7 =	vld [tilespmem:s28+$0xFFFFFF90]  }
0x99: {  	v6 =	vld.idx.msk [tilespmem:v6+s6+$0x0], $0xffff  }
0x9a: {  	v8 =	vld.idx.msk [tilespmem:v5+s6+$0x0], $0xffff  }
0x9b: {  	v5 =	vld.idx.msk [tilespmem:v3+s6+$0x0], $0xffff  }
.Ltmp5:
0x9c: {  	v3 =	vld.idx.msk [tilespmem:v0+s6+$0x0], $0xffff;
	(pc) =	sbr.rel @p3 .LBB2_8-.Ltmp5, $4  }
0x9d: {  	v0 =	vld.idx.msk [tilespmem:v1+s6+$0x0], $0xffff  }
0x9e: {  	s2 =	sadd.s32 $0x80, s2;
	v1 =	vld.idx.msk [tilespmem:v2+s6+$0x0], $0xffff  }
0x9f: {  	v2 =	vld.idx.msk [tilespmem:v4+s6+$0x0], $0xffff;
	[tilespmem:s2+$0x30] =	vst v6  }
0xa0: {  	s28 =	sadd.s32 $0x80, s28;
	v4 =	vld.idx.msk [tilespmem:v7+s6+$0x0], $0xffff;
	[tilespmem:s2+$0xFFFFFFD0] =	vst v8  }
0xa1: {  	[tilespmem:s2+$0xFFFFFFE0] =	vst v5  }
0xa2: {  	[tilespmem:s2+$0xFFFFFFF0] =	vst v3  }
0xa3: {  	[tilespmem:s2+$0x0] =	vst v0  }
0xa4: {  	[tilespmem:s2+$0x10] =	vst v1  }
0xa5: {  	[tilespmem:s2+$0x20] =	vst v2  }
0xa6: {  	s4 =	sadd.s32 s25, s15;
	[tilespmem:s2+$0xFFFFFFC0] =	vst v4  }
0xa7: {  	[hbm4b:s4+s30] =	stream.strided.scatter [tilespmem:s1], [sflag:$0x3], $0x1000, s31, s30, $0x38;
	[tilespmem:$0x1E700] =	vst v63  }
0xa8: {  	_ =	swait.ge [sflag:s7], $0x1000  }
0xa9: {  	[sflag:s7] =	ssyncset.done $0x0  }
0xaa: {  	s4 =	simm.s32 $0x1B770;
	[sflag:s7] =	ssyncadd.s32 $0xFFFFF000  }
0xab: {  	v0 =	vld [tilespmem:s4+$0x0]  }
0xac: {  	v1 =	vld [tilespmem:s4+$0xFFFFFFA0]  }
0xad: {  	v2 =	vld [tilespmem:s4+$0xFFFFFFB0]  }
0xae: {  	v3 =	vld [tilespmem:s4+$0xFFFFFFC0]  }
0xaf: {  	v4 =	vld [tilespmem:s4+$0xFFFFFFD0]  }
0xb0: {  	v6 =	vld [tilespmem:s4+$0xFFFFFFE0]  }
0xb1: {  	v7 =	vld [tilespmem:s4+$0xFFFFFFF0]  }
0xb2: {  	v8 =	vld [tilespmem:s4+$0xFFFFFF90]  }
0xb3: {  	v9 =	vld.idx.msk [tilespmem:v0+s6+$0x0], $0xffff  }
0xb4: {  	v10 =	vld.idx.msk [tilespmem:v1+s6+$0x0], $0xffff  }
0xb5: {  	v5 =	vld.idx.msk [tilespmem:v2+s6+$0x0], $0xffff  }
0xb6: {  	v3 =	vld.idx.msk [tilespmem:v3+s6+$0x0], $0xffff  }
0xb7: {  	v0 =	vld.idx.msk [tilespmem:v4+s6+$0x0], $0xffff  }
0xb8: {  	s2 =	simm.s32 $0x1D740;
	v1 =	vld.idx.msk [tilespmem:v6+s6+$0x0], $0xffff  }
0xb9: {  	v2 =	vld.idx.msk [tilespmem:v7+s6+$0x0], $0xffff;
	[tilespmem:s2+$0x30] =	vst v9  }
0xba: {  	s28 =	simm.s32 $0x1B7F0;
	s4 =	simm.s32 $0x0;
	v4 =	vld.idx.msk [tilespmem:v8+s6+$0x0], $0xffff;
	[tilespmem:s2+$0xFFFFFFD0] =	vst v10  }
.LBB2_10:
0xbb: {  	v6 =	vld [tilespmem:s28+$0x0];
	s4 =	sadd.s32 $0x8, s4;
	[tilespmem:s2+$0xFFFFFFE0] =	vst v5  }
0xbc: {  	v5 =	vld [tilespmem:s28+$0xFFFFFFA0];
	p3 =	slt.u32 s4, $0xF8;
	[tilespmem:s2+$0xFFFFFFF0] =	vst v3  }
0xbd: {  	v3 =	vld [tilespmem:s28+$0xFFFFFFB0];
	[tilespmem:s2+$0x0] =	vst v0  }
0xbe: {  	v0 =	vld [tilespmem:s28+$0xFFFFFFC0];
	[tilespmem:s2+$0x10] =	vst v1  }
0xbf: {  	v1 =	vld [tilespmem:s28+$0xFFFFFFD0];
	[tilespmem:s2+$0x20] =	vst v2  }
0xc0: {  	v2 =	vld [tilespmem:s28+$0xFFFFFFE0];
	[tilespmem:s2+$0xFFFFFFC0] =	vst v4  }
0xc1: {  	v4 =	vld [tilespmem:s28+$0xFFFFFFF0]  }
0xc2: {  	v7 =	vld [tilespmem:s28+$0xFFFFFF90]  }
0xc3: {  	v6 =	vld.idx.msk [tilespmem:v6+s6+$0x0], $0xffff  }
0xc4: {  	v8 =	vld.idx.msk [tilespmem:v5+s6+$0x0], $0xffff  }
0xc5: {  	v5 =	vld.idx.msk [tilespmem:v3+s6+$0x0], $0xffff  }
.Ltmp6:
0xc6: {  	v3 =	vld.idx.msk [tilespmem:v0+s6+$0x0], $0xffff;
	(pc) =	sbr.rel @p3 .LBB2_10-.Ltmp6, $4  }
0xc7: {  	v0 =	vld.idx.msk [tilespmem:v1+s6+$0x0], $0xffff  }
0xc8: {  	s2 =	sadd.s32 $0x80, s2;
	v1 =	vld.idx.msk [tilespmem:v2+s6+$0x0], $0xffff  }
0xc9: {  	v2 =	vld.idx.msk [tilespmem:v4+s6+$0x0], $0xffff;
	[tilespmem:s2+$0x30] =	vst v6  }
0xca: {  	s28 =	sadd.s32 $0x80, s28;
	v4 =	vld.idx.msk [tilespmem:v7+s6+$0x0], $0xffff;
	[tilespmem:s2+$0xFFFFFFD0] =	vst v8  }
0xcb: {  	[tilespmem:s2+$0xFFFFFFE0] =	vst v5  }
0xcc: {  	[tilespmem:s2+$0xFFFFFFF0] =	vst v3  }
0xcd: {  	[tilespmem:s2+$0x0] =	vst v0  }
0xce: {  	[tilespmem:s2+$0x10] =	vst v1  }
0xcf: {  	[tilespmem:s2+$0x20] =	vst v2  }
.Ltmp7:
0xd0: {  	s28 =	sadd.s32 s25, s16;
	[tilespmem:s2+$0xFFFFFFC0] =	vst v4;
	(pc) =	sbr.rel @p2 .LBB2_3-.Ltmp7, $4  }
0xd1: {  	[hbm4b:s28+s30] =	stream.strided.scatter [tilespmem:s1], [sflag:$0x3], $0x1000, s31, s30, $0x38;
	[tilespmem:$0x1E700] =	vst v63  }
0xd2: {  	_ =	swait.ge [sflag:s7], $0x1000  }
0xd3: {  	[sflag:s7] =	ssyncset.done $0x0  }
0xd4: {  	p3 =	por $0x0, $0x0;
	s2 =	simm.s32 $0x1;
	[sflag:s7] =	ssyncadd.s32 $0xFFFFF000  }
0xd5: {  	s2 =	simm.s32 $0x0  }
0xd6: {  	s4 =	rddreg [dreg:$0x1];
	s25 =	simm.s32 $0x18700;
	s29 =	simm.s32 $0x2  }
0xd7: {  	[tilespmem:s25], [sflag:$0x2] =	stream.linear.gather [hbm4b:s4+s2], $0x4000, $0x38;
	[tilespmem:$0x1E700] =	vst v63  }
0xd8: {  	_ =	swait.ge [sflag:s29], $0x4000  }
0xd9: {  	[sflag:s29] =	ssyncset.done $0x0  }
0xda: {  	p3 =	por $0x1, $0x1;
	[sflag:s29] =	ssyncadd.s32 $0xFFFFC000  }
.LBB2_13:
0xdb: {  	s2 =	sxor.u32 s10, s2  }
0xdc: {  	s2 =	sor.u32 s11, s2  }
0xdd: {  	s25 =	sshll.u32 s2, $0x7  }
0xde: {  	s2 =	sor.u32 s12, s25  }
0xdf: {  	s2 =	sshrl.u32 s2, $0x3  }
0xe0: {  	s2 =	sadd.s32 s5, s2  }
0xe1: {  	[tilespmem:s6], [sflag:$0x1] =	stream.strided.gather [hbm4b:s2+s30], $0x18700, s31, s30, $0x38;
	[tilespmem:$0x1E700] =	vst v63  }
0xe2: {  	_ =	swait.ge [sflag:s26], $0x18700  }
0xe3: {  	[sflag:s26] =	ssyncset.done $0x0  }
0xe4: {  	[sflag:s26] =	ssyncadd.s32 $0xFFFE7900  }
0xe5: {  	[tilespmem:s0], [sflag:$0x3] =	stream.linear.gather [hbm4b:s3+s6], $0x1000, $0x38;
	[tilespmem:$0x1E700] =	vst v63  }
0xe6: {  	_ =	swait.ge [sflag:s7], $0x1000  }
0xe7: {  	[sflag:s7] =	ssyncset.done $0x0  }
0xe8: {  	s4 =	simm.s32 $0x18740;
	[sflag:s7] =	ssyncadd.s32 $0xFFFFF000  }
0xe9: {  	s28 =	simm.s32 $0x1C740;
	v0 =	vld [tilespmem:s4+$0x30]  }
0xea: {  	v1 =	vld [tilespmem:s28+$0x30]  }
0xeb: {  	v2 =	vld [tilespmem:s28+$0xFFFFFFC0]  }
0xec: {  	v3 =	vld [tilespmem:s4+$0xFFFFFFD0]  }
0xed: {  	v4 =	vld [tilespmem:s28+$0xFFFFFFD0]  }
0xee: {  	v5 =	vld [tilespmem:s4+$0xFFFFFFE0]  }
0xef: {  	v6 =	vld [tilespmem:s28+$0xFFFFFFE0]  }
0xf0: {  	v7 =	vld [tilespmem:s4+$0xFFFFFFF0]  }
0xf1: {  	v9 =	vld [tilespmem:s4+$0x0]  }
0xf2: {  	v10 =	vld [tilespmem:s28+$0x0]  }
0xf3: {  	v11 =	vld [tilespmem:s4+$0x10]  }
0xf4: {  	v12 =	vld [tilespmem:s28+$0x10]  }
0xf5: {  	v13 =	vld [tilespmem:s4+$0x20]  }
0xf6: {  	v14 =	vld [tilespmem:s28+$0x20]  }
0xf7: {  	v15 =	vld [tilespmem:s4+$0xFFFFFFC0]  }
0xf8: {  	v8 =	vld.idx.msk [tilespmem:v0+s6+$0x0], $0xffff  }
0xf9: {  	v1 =	vld.idx.msk [tilespmem:v1+s6+$0x0], $0xffff  }
0xfa: {  	v0 =	vld [tilespmem:s28+$0xFFFFFFF0]  }
0xfb: {  	v16 =	vld.idx.msk [tilespmem:v2+s6+$0x0], $0xffff  }
0xfc: {  	v3 =	vld.idx.msk [tilespmem:v3+s6+$0x0], $0xffff  }
0xfd: {  	v4 =	vld.idx.msk [tilespmem:v4+s6+$0x0], $0xffff  }
0xfe: {  	v5 =	vld.idx.msk [tilespmem:v5+s6+$0x0], $0xffff  }
0xff: {  	v6 =	vld.idx.msk [tilespmem:v6+s6+$0x0], $0xffff  }
0x100: {  	v7 =	vld.idx.msk [tilespmem:v7+s6+$0x0], $0xffff  }
0x101: {  	v15 =	vld.idx.msk [tilespmem:v15+s6+$0x0], $0xffff  }
0x102: {  	v17 =	vld.idx.msk [tilespmem:v0+s6+$0x0], $0xffff  }
0x103: {  	v2 =	vld.idx.msk [tilespmem:v10+s6+$0x0], $0xffff  }
0x104: {  	v8 =	vsub.f32 v8, v1;
	v1 =	vld.idx.msk [tilespmem:v11+s6+$0x0], $0xffff  }
0x105: {  	s29 =	simm.s32 $0x1D740;
	v3 =	vsub.f32 v3, v4;
	v0 =	vld.idx.msk [tilespmem:v9+s6+$0x0], $0xffff  }
0x106: {  	v5 =	vsub.f32 v5, v6;
	v4 =	vld.idx.msk [tilespmem:v12+s6+$0x0], $0xffff;
	[tilespmem:s29+$0x30] =	vst v8  }
0x107: {  	[tilespmem:s29+$0xFFFFFFD0] =	vst v3;
	v3 =	vld.idx.msk [tilespmem:v13+s6+$0x0], $0xffff;
	v7 =	vsub.f32 v7, v17  }
0x108: {  	p2 =	por p3, p3;
	s2 =	simm.s32 $0x0;
	s4 =	simm.s32 $0x187C0;
	v6 =	vsub.f32 v15, v16;
	[tilespmem:s29+$0xFFFFFFE0] =	vst v5;
	v5 =	vld.idx.msk [tilespmem:v14+s6+$0x0], $0xffff  }
.LBB2_14:
0x109: {  	v8 =	vld [tilespmem:s4+$0x30];
	[tilespmem:s29+$0xFFFFFFF0] =	vst v7;
	s28 =	sadd.s32 $0x80, s28  }
0x10a: {  	s2 =	sadd.s32 $0x8, s2;
	v0 =	vsub.f32 v0, v2;
	v7 =	vld [tilespmem:s28+$0x30];
	[tilespmem:s29+$0xFFFFFFC0] =	vst v6  }
0x10b: {  	p3 =	slt.u32 s2, $0xF8;
	v2 =	vld [tilespmem:s28+$0xFFFFFFC0]  }
0x10c: {  	v6 =	vld [tilespmem:s4+$0xFFFFFFD0];
	[tilespmem:s29+$0x0] =	vst v0;
	v0 =	vsub.f32 v1, v4  }
0x10d: {  	v1 =	vld [tilespmem:s28+$0xFFFFFFD0]  }
0x10e: {  	v4 =	vld [tilespmem:s4+$0xFFFFFFE0];
	[tilespmem:s29+$0x10] =	vst v0;
	v0 =	vsub.f32 v3, v5  }
0x10f: {  	v3 =	vld [tilespmem:s28+$0xFFFFFFE0]  }
0x110: {  	v5 =	vld [tilespmem:s4+$0xFFFFFFF0];
	[tilespmem:s29+$0x20] =	vst v0  }
0x111: {  	v0 =	vld.idx.msk [tilespmem:v8+s6+$0x0], $0xffff  }
0x112: {  	v7 =	vld.idx.msk [tilespmem:v7+s6+$0x0], $0xffff  }
0x113: {  	v8 =	vld [tilespmem:s28+$0xFFFFFFF0]  }
0x114: {  	v9 =	vld [tilespmem:s4+$0x0]  }
0x115: {  	v10 =	vld [tilespmem:s28+$0x0]  }
0x116: {  	v11 =	vld [tilespmem:s4+$0x10]  }
0x117: {  	v12 =	vld [tilespmem:s28+$0x10]  }
0x118: {  	v0 =	vsub.f32 v0, v7;
	v13 =	vld [tilespmem:s4+$0x20]  }
0x119: {  	s29 =	sadd.s32 $0x80, s29;
	v14 =	vld [tilespmem:s28+$0x20]  }
0x11a: {  	v7 =	vld [tilespmem:s4+$0xFFFFFFC0];
	[tilespmem:s29+$0x30] =	vst v0  }
0x11b: {  	v15 =	vld.idx.msk [tilespmem:v2+s6+$0x0], $0xffff  }
0x11c: {  	v0 =	vld.idx.msk [tilespmem:v6+s6+$0x0], $0xffff  }
0x11d: {  	v1 =	vld.idx.msk [tilespmem:v1+s6+$0x0], $0xffff  }
0x11e: {  	v4 =	vld.idx.msk [tilespmem:v4+s6+$0x0], $0xffff  }
0x11f: {  	v3 =	vld.idx.msk [tilespmem:v3+s6+$0x0], $0xffff  }
0x120: {  	v5 =	vld.idx.msk [tilespmem:v5+s6+$0x0], $0xffff  }
0x121: {  	v6 =	vld.idx.msk [tilespmem:v8+s6+$0x0], $0xffff  }
0x122: {  	v8 =	vld.idx.msk [tilespmem:v7+s6+$0x0], $0xffff  }
0x123: {  	v1 =	vsub.f32 v0, v1;
	v0 =	vld.idx.msk [tilespmem:v9+s6+$0x0], $0xffff  }
.Ltmp8:
0x124: {  	v2 =	vld.idx.msk [tilespmem:v10+s6+$0x0], $0xffff;
	(pc) =	sbr.rel @p3 .LBB2_14-.Ltmp8, $4  }
0x125: {  	v3 =	vsub.f32 v4, v3;
	[tilespmem:s29+$0xFFFFFFD0] =	vst v1;
	v1 =	vld.idx.msk [tilespmem:v11+s6+$0x0], $0xffff  }
0x126: {  	v4 =	vld.idx.msk [tilespmem:v12+s6+$0x0], $0xffff  }
0x127: {  	v7 =	vsub.f32 v5, v6;
	[tilespmem:s29+$0xFFFFFFE0] =	vst v3;
	v3 =	vld.idx.msk [tilespmem:v13+s6+$0x0], $0xffff  }
0x128: {  	s4 =	sadd.s32 $0x80, s4;
	v6 =	vsub.f32 v8, v15;
	v5 =	vld.idx.msk [tilespmem:v14+s6+$0x0], $0xffff  }
0x129: {  	_ =	sdelay $0x1  }
0x12a: {  	[tilespmem:s29+$0xFFFFFFF0] =	vst v7;
	v0 =	vsub.f32 v0, v2  }
0x12b: {  	[tilespmem:s29+$0xFFFFFFC0] =	vst v6;
	v1 =	vsub.f32 v1, v4  }
0x12c: {  	s2 =	sor.u32 s13, s25;
	[tilespmem:s29+$0x0] =	vst v0;
	v0 =	vsub.f32 v3, v5  }
0x12d: {  	s25 =	sshrl.u32 s2, $0x3;
	[tilespmem:s29+$0x10] =	vst v1  }
0x12e: {  	s2 =	sadd.s32 s9, s25;
	[tilespmem:s29+$0x20] =	vst v0  }
0x12f: {  	[hbm4b:s2+s30] =	stream.strided.scatter [tilespmem:s1], [sflag:$0x3], $0x1000, s31, s30, $0x38;
	[tilespmem:$0x1E700] =	vst v63  }
0x130: {  	_ =	swait.ge [sflag:s7], $0x1000  }
0x131: {  	[sflag:s7] =	ssyncset.done $0x0  }
0x132: {  	[sflag:s7] =	ssyncadd.s32 $0xFFFFF000  }
0x133: {  	[tilespmem:s0], [sflag:$0x3] =	stream.linear.gather [hbm4b:s17+s6], $0x1000, $0x38;
	[tilespmem:$0x1E700] =	vst v63  }
0x134: {  	_ =	swait.ge [sflag:s7], $0x1000  }
0x135: {  	[sflag:s7] =	ssyncset.done $0x0  }
0x136: {  	s4 =	simm.s32 $0x19770;
	[sflag:s7] =	ssyncadd.s32 $0xFFFFF000  }
0x137: {  	s28 =	simm.s32 $0x1C740;
	v0 =	vld [tilespmem:s4+$0x0]  }
0x138: {  	v1 =	vld [tilespmem:s28+$0x30]  }
0x139: {  	v2 =	vld [tilespmem:s28+$0xFFFFFFC0]  }
0x13a: {  	v3 =	vld [tilespmem:s4+$0xFFFFFFA0]  }
0x13b: {  	v4 =	vld [tilespmem:s28+$0xFFFFFFD0]  }
0x13c: {  	v5 =	vld [tilespmem:s4+$0xFFFFFFB0]  }
0x13d: {  	v6 =	vld [tilespmem:s28+$0xFFFFFFE0]  }
0x13e: {  	v7 =	vld [tilespmem:s4+$0xFFFFFFC0]  }
0x13f: {  	v9 =	vld [tilespmem:s4+$0xFFFFFFD0]  }
0x140: {  	v10 =	vld [tilespmem:s28+$0x0]  }
0x141: {  	v11 =	vld [tilespmem:s4+$0xFFFFFFE0]  }
0x142: {  	v12 =	vld [tilespmem:s28+$0x10]  }
0x143: {  	v13 =	vld [tilespmem:s4+$0xFFFFFFF0]  }
0x144: {  	v14 =	vld [tilespmem:s28+$0x20]  }
0x145: {  	v15 =	vld [tilespmem:s4+$0xFFFFFF90]  }
0x146: {  	v8 =	vld.idx.msk [tilespmem:v0+s6+$0x0], $0xffff  }
0x147: {  	v1 =	vld.idx.msk [tilespmem:v1+s6+$0x0], $0xffff  }
0x148: {  	v0 =	vld [tilespmem:s28+$0xFFFFFFF0]  }
0x149: {  	v16 =	vld.idx.msk [tilespmem:v2+s6+$0x0], $0xffff  }
0x14a: {  	v3 =	vld.idx.msk [tilespmem:v3+s6+$0x0], $0xffff  }
0x14b: {  	v4 =	vld.idx.msk [tilespmem:v4+s6+$0x0], $0xffff  }
0x14c: {  	v5 =	vld.idx.msk [tilespmem:v5+s6+$0x0], $0xffff  }
0x14d: {  	v6 =	vld.idx.msk [tilespmem:v6+s6+$0x0], $0xffff  }
0x14e: {  	v7 =	vld.idx.msk [tilespmem:v7+s6+$0x0], $0xffff  }
0x14f: {  	v15 =	vld.idx.msk [tilespmem:v15+s6+$0x0], $0xffff  }
0x150: {  	v17 =	vld.idx.msk [tilespmem:v0+s6+$0x0], $0xffff  }
0x151: {  	v2 =	vld.idx.msk [tilespmem:v10+s6+$0x0], $0xffff  }
0x152: {  	v8 =	vsub.f32 v8, v1;
	v1 =	vld.idx.msk [tilespmem:v11+s6+$0x0], $0xffff  }
0x153: {  	s29 =	simm.s32 $0x1D740;
	v3 =	vsub.f32 v3, v4;
	v0 =	vld.idx.msk [tilespmem:v9+s6+$0x0], $0xffff  }
0x154: {  	v5 =	vsub.f32 v5, v6;
	v4 =	vld.idx.msk [tilespmem:v12+s6+$0x0], $0xffff;
	[tilespmem:s29+$0x30] =	vst v8  }
0x155: {  	[tilespmem:s29+$0xFFFFFFD0] =	vst v3;
	v3 =	vld.idx.msk [tilespmem:v13+s6+$0x0], $0xffff;
	v7 =	vsub.f32 v7, v17  }
0x156: {  	s2 =	simm.s32 $0x0;
	s4 =	simm.s32 $0x197F0;
	v6 =	vsub.f32 v15, v16;
	[tilespmem:s29+$0xFFFFFFE0] =	vst v5;
	v5 =	vld.idx.msk [tilespmem:v14+s6+$0x0], $0xffff  }
.LBB2_16:
0x157: {  	v8 =	vld [tilespmem:s4+$0x0];
	[tilespmem:s29+$0xFFFFFFF0] =	vst v7;
	s28 =	sadd.s32 $0x80, s28  }
0x158: {  	s2 =	sadd.s32 $0x8, s2;
	v0 =	vsub.f32 v0, v2;
	v7 =	vld [tilespmem:s28+$0x30];
	[tilespmem:s29+$0xFFFFFFC0] =	vst v6  }
0x159: {  	p3 =	slt.u32 s2, $0xF8;
	v2 =	vld [tilespmem:s28+$0xFFFFFFC0]  }
0x15a: {  	v6 =	vld [tilespmem:s4+$0xFFFFFFA0];
	[tilespmem:s29+$0x0] =	vst v0;
	v0 =	vsub.f32 v1, v4  }
0x15b: {  	v1 =	vld [tilespmem:s28+$0xFFFFFFD0]  }
0x15c: {  	v4 =	vld [tilespmem:s4+$0xFFFFFFB0];
	[tilespmem:s29+$0x10] =	vst v0;
	v0 =	vsub.f32 v3, v5  }
0x15d: {  	v3 =	vld [tilespmem:s28+$0xFFFFFFE0]  }
0x15e: {  	v5 =	vld [tilespmem:s4+$0xFFFFFFC0];
	[tilespmem:s29+$0x20] =	vst v0  }
0x15f: {  	v0 =	vld.idx.msk [tilespmem:v8+s6+$0x0], $0xffff  }
0x160: {  	v7 =	vld.idx.msk [tilespmem:v7+s6+$0x0], $0xffff  }
0x161: {  	v8 =	vld [tilespmem:s28+$0xFFFFFFF0]  }
0x162: {  	v9 =	vld [tilespmem:s4+$0xFFFFFFD0]  }
0x163: {  	v10 =	vld [tilespmem:s28+$0x0]  }
0x164: {  	v11 =	vld [tilespmem:s4+$0xFFFFFFE0]  }
0x165: {  	v12 =	vld [tilespmem:s28+$0x10]  }
0x166: {  	v0 =	vsub.f32 v0, v7;
	v13 =	vld [tilespmem:s4+$0xFFFFFFF0]  }
0x167: {  	s29 =	sadd.s32 $0x80, s29;
	v14 =	vld [tilespmem:s28+$0x20]  }
0x168: {  	v7 =	vld [tilespmem:s4+$0xFFFFFF90];
	[tilespmem:s29+$0x30] =	vst v0  }
0x169: {  	v15 =	vld.idx.msk [tilespmem:v2+s6+$0x0], $0xffff  }
0x16a: {  	v0 =	vld.idx.msk [tilespmem:v6+s6+$0x0], $0xffff  }
0x16b: {  	v1 =	vld.idx.msk [tilespmem:v1+s6+$0x0], $0xffff  }
0x16c: {  	v4 =	vld.idx.msk [tilespmem:v4+s6+$0x0], $0xffff  }
0x16d: {  	v3 =	vld.idx.msk [tilespmem:v3+s6+$0x0], $0xffff  }
0x16e: {  	v5 =	vld.idx.msk [tilespmem:v5+s6+$0x0], $0xffff  }
0x16f: {  	v6 =	vld.idx.msk [tilespmem:v8+s6+$0x0], $0xffff  }
0x170: {  	v8 =	vld.idx.msk [tilespmem:v7+s6+$0x0], $0xffff  }
0x171: {  	v1 =	vsub.f32 v0, v1;
	v0 =	vld.idx.msk [tilespmem:v9+s6+$0x0], $0xffff  }
.Ltmp9:
0x172: {  	v2 =	vld.idx.msk [tilespmem:v10+s6+$0x0], $0xffff;
	(pc) =	sbr.rel @p3 .LBB2_16-.Ltmp9, $4  }
0x173: {  	v3 =	vsub.f32 v4, v3;
	[tilespmem:s29+$0xFFFFFFD0] =	vst v1;
	v1 =	vld.idx.msk [tilespmem:v11+s6+$0x0], $0xffff  }
0x174: {  	v4 =	vld.idx.msk [tilespmem:v12+s6+$0x0], $0xffff  }
0x175: {  	v7 =	vsub.f32 v5, v6;
	[tilespmem:s29+$0xFFFFFFE0] =	vst v3;
	v3 =	vld.idx.msk [tilespmem:v13+s6+$0x0], $0xffff  }
0x176: {  	s4 =	sadd.s32 $0x80, s4;
	v6 =	vsub.f32 v8, v15;
	v5 =	vld.idx.msk [tilespmem:v14+s6+$0x0], $0xffff  }
0x177: {  	_ =	sdelay $0x1  }
0x178: {  	[tilespmem:s29+$0xFFFFFFF0] =	vst v7;
	v0 =	vsub.f32 v0, v2  }
0x179: {  	[tilespmem:s29+$0xFFFFFFC0] =	vst v6;
	v1 =	vsub.f32 v1, v4  }
0x17a: {  	[tilespmem:s29+$0x0] =	vst v0;
	v0 =	vsub.f32 v3, v5  }
0x17b: {  	[tilespmem:s29+$0x10] =	vst v1  }
0x17c: {  	s2 =	sadd.s32 s25, s18;
	[tilespmem:s29+$0x20] =	vst v0  }
0x17d: {  	[hbm4b:s2+s30] =	stream.strided.scatter [tilespmem:s1], [sflag:$0x3], $0x1000, s31, s30, $0x38;
	[tilespmem:$0x1E700] =	vst v63  }
0x17e: {  	_ =	swait.ge [sflag:s7], $0x1000  }
0x17f: {  	[sflag:s7] =	ssyncset.done $0x0  }
0x180: {  	[sflag:s7] =	ssyncadd.s32 $0xFFFFF000  }
0x181: {  	[tilespmem:s0], [sflag:$0x3] =	stream.linear.gather [hbm4b:s19+s6], $0x1000, $0x38;
	[tilespmem:$0x1E700] =	vst v63  }
0x182: {  	_ =	swait.ge [sflag:s7], $0x1000  }
0x183: {  	[sflag:s7] =	ssyncset.done $0x0  }
0x184: {  	s4 =	simm.s32 $0x1A770;
	[sflag:s7] =	ssyncadd.s32 $0xFFFFF000  }
0x185: {  	s28 =	simm.s32 $0x1C740;
	v0 =	vld [tilespmem:s4+$0x0]  }
0x186: {  	v1 =	vld [tilespmem:s28+$0x30]  }
0x187: {  	v2 =	vld [tilespmem:s28+$0xFFFFFFC0]  }
0x188: {  	v3 =	vld [tilespmem:s4+$0xFFFFFFA0]  }
0x189: {  	v4 =	vld [tilespmem:s28+$0xFFFFFFD0]  }
0x18a: {  	v5 =	vld [tilespmem:s4+$0xFFFFFFB0]  }
0x18b: {  	v6 =	vld [tilespmem:s28+$0xFFFFFFE0]  }
0x18c: {  	v7 =	vld [tilespmem:s4+$0xFFFFFFC0]  }
0x18d: {  	v9 =	vld [tilespmem:s4+$0xFFFFFFD0]  }
0x18e: {  	v10 =	vld [tilespmem:s28+$0x0]  }
0x18f: {  	v11 =	vld [tilespmem:s4+$0xFFFFFFE0]  }
0x190: {  	v12 =	vld [tilespmem:s28+$0x10]  }
0x191: {  	v13 =	vld [tilespmem:s4+$0xFFFFFFF0]  }
0x192: {  	v14 =	vld [tilespmem:s28+$0x20]  }
0x193: {  	v15 =	vld [tilespmem:s4+$0xFFFFFF90]  }
0x194: {  	v8 =	vld.idx.msk [tilespmem:v0+s6+$0x0], $0xffff  }
0x195: {  	v1 =	vld.idx.msk [tilespmem:v1+s6+$0x0], $0xffff  }
0x196: {  	v0 =	vld [tilespmem:s28+$0xFFFFFFF0]  }
0x197: {  	v16 =	vld.idx.msk [tilespmem:v2+s6+$0x0], $0xffff  }
0x198: {  	v3 =	vld.idx.msk [tilespmem:v3+s6+$0x0], $0xffff  }
0x199: {  	v4 =	vld.idx.msk [tilespmem:v4+s6+$0x0], $0xffff  }
0x19a: {  	v5 =	vld.idx.msk [tilespmem:v5+s6+$0x0], $0xffff  }
0x19b: {  	v6 =	vld.idx.msk [tilespmem:v6+s6+$0x0], $0xffff  }
0x19c: {  	v7 =	vld.idx.msk [tilespmem:v7+s6+$0x0], $0xffff  }
0x19d: {  	v15 =	vld.idx.msk [tilespmem:v15+s6+$0x0], $0xffff  }
0x19e: {  	v17 =	vld.idx.msk [tilespmem:v0+s6+$0x0], $0xffff  }
0x19f: {  	v2 =	vld.idx.msk [tilespmem:v10+s6+$0x0], $0xffff  }
0x1a0: {  	v8 =	vsub.f32 v8, v1;
	v1 =	vld.idx.msk [tilespmem:v11+s6+$0x0], $0xffff  }
0x1a1: {  	s29 =	simm.s32 $0x1D740;
	v3 =	vsub.f32 v3, v4;
	v0 =	vld.idx.msk [tilespmem:v9+s6+$0x0], $0xffff  }
0x1a2: {  	v5 =	vsub.f32 v5, v6;
	v4 =	vld.idx.msk [tilespmem:v12+s6+$0x0], $0xffff;
	[tilespmem:s29+$0x30] =	vst v8  }
0x1a3: {  	[tilespmem:s29+$0xFFFFFFD0] =	vst v3;
	v3 =	vld.idx.msk [tilespmem:v13+s6+$0x0], $0xffff;
	v7 =	vsub.f32 v7, v17  }
0x1a4: {  	s2 =	simm.s32 $0x0;
	s4 =	simm.s32 $0x1A7F0;
	v6 =	vsub.f32 v15, v16;
	[tilespmem:s29+$0xFFFFFFE0] =	vst v5;
	v5 =	vld.idx.msk [tilespmem:v14+s6+$0x0], $0xffff  }
.LBB2_18:
0x1a5: {  	v8 =	vld [tilespmem:s4+$0x0];
	[tilespmem:s29+$0xFFFFFFF0] =	vst v7;
	s28 =	sadd.s32 $0x80, s28  }
0x1a6: {  	s2 =	sadd.s32 $0x8, s2;
	v0 =	vsub.f32 v0, v2;
	v7 =	vld [tilespmem:s28+$0x30];
	[tilespmem:s29+$0xFFFFFFC0] =	vst v6  }
0x1a7: {  	p3 =	slt.u32 s2, $0xF8;
	v2 =	vld [tilespmem:s28+$0xFFFFFFC0]  }
0x1a8: {  	v6 =	vld [tilespmem:s4+$0xFFFFFFA0];
	[tilespmem:s29+$0x0] =	vst v0;
	v0 =	vsub.f32 v1, v4  }
0x1a9: {  	v1 =	vld [tilespmem:s28+$0xFFFFFFD0]  }
0x1aa: {  	v4 =	vld [tilespmem:s4+$0xFFFFFFB0];
	[tilespmem:s29+$0x10] =	vst v0;
	v0 =	vsub.f32 v3, v5  }
0x1ab: {  	v3 =	vld [tilespmem:s28+$0xFFFFFFE0]  }
0x1ac: {  	v5 =	vld [tilespmem:s4+$0xFFFFFFC0];
	[tilespmem:s29+$0x20] =	vst v0  }
0x1ad: {  	v0 =	vld.idx.msk [tilespmem:v8+s6+$0x0], $0xffff  }
0x1ae: {  	v7 =	vld.idx.msk [tilespmem:v7+s6+$0x0], $0xffff  }
0x1af: {  	v8 =	vld [tilespmem:s28+$0xFFFFFFF0]  }
0x1b0: {  	v9 =	vld [tilespmem:s4+$0xFFFFFFD0]  }
0x1b1: {  	v10 =	vld [tilespmem:s28+$0x0]  }
0x1b2: {  	v11 =	vld [tilespmem:s4+$0xFFFFFFE0]  }
0x1b3: {  	v12 =	vld [tilespmem:s28+$0x10]  }
0x1b4: {  	v0 =	vsub.f32 v0, v7;
	v13 =	vld [tilespmem:s4+$0xFFFFFFF0]  }
0x1b5: {  	s29 =	sadd.s32 $0x80, s29;
	v14 =	vld [tilespmem:s28+$0x20]  }
0x1b6: {  	v7 =	vld [tilespmem:s4+$0xFFFFFF90];
	[tilespmem:s29+$0x30] =	vst v0  }
0x1b7: {  	v15 =	vld.idx.msk [tilespmem:v2+s6+$0x0], $0xffff  }
0x1b8: {  	v0 =	vld.idx.msk [tilespmem:v6+s6+$0x0], $0xffff  }
0x1b9: {  	v1 =	vld.idx.msk [tilespmem:v1+s6+$0x0], $0xffff  }
0x1ba: {  	v4 =	vld.idx.msk [tilespmem:v4+s6+$0x0], $0xffff  }
0x1bb: {  	v3 =	vld.idx.msk [tilespmem:v3+s6+$0x0], $0xffff  }
0x1bc: {  	v5 =	vld.idx.msk [tilespmem:v5+s6+$0x0], $0xffff  }
0x1bd: {  	v6 =	vld.idx.msk [tilespmem:v8+s6+$0x0], $0xffff  }
0x1be: {  	v8 =	vld.idx.msk [tilespmem:v7+s6+$0x0], $0xffff  }
0x1bf: {  	v1 =	vsub.f32 v0, v1;
	v0 =	vld.idx.msk [tilespmem:v9+s6+$0x0], $0xffff  }
.Ltmp10:
0x1c0: {  	v2 =	vld.idx.msk [tilespmem:v10+s6+$0x0], $0xffff;
	(pc) =	sbr.rel @p3 .LBB2_18-.Ltmp10, $4  }
0x1c1: {  	v3 =	vsub.f32 v4, v3;
	[tilespmem:s29+$0xFFFFFFD0] =	vst v1;
	v1 =	vld.idx.msk [tilespmem:v11+s6+$0x0], $0xffff  }
0x1c2: {  	v4 =	vld.idx.msk [tilespmem:v12+s6+$0x0], $0xffff  }
0x1c3: {  	v7 =	vsub.f32 v5, v6;
	[tilespmem:s29+$0xFFFFFFE0] =	vst v3;
	v3 =	vld.idx.msk [tilespmem:v13+s6+$0x0], $0xffff  }
0x1c4: {  	s4 =	sadd.s32 $0x80, s4;
	v6 =	vsub.f32 v8, v15;
	v5 =	vld.idx.msk [tilespmem:v14+s6+$0x0], $0xffff  }
0x1c5: {  	_ =	sdelay $0x1  }
0x1c6: {  	[tilespmem:s29+$0xFFFFFFF0] =	vst v7;
	v0 =	vsub.f32 v0, v2  }
0x1c7: {  	[tilespmem:s29+$0xFFFFFFC0] =	vst v6;
	v1 =	vsub.f32 v1, v4  }
0x1c8: {  	[tilespmem:s29+$0x0] =	vst v0;
	v0 =	vsub.f32 v3, v5  }
0x1c9: {  	[tilespmem:s29+$0x10] =	vst v1  }
0x1ca: {  	s2 =	sadd.s32 s25, s20;
	[tilespmem:s29+$0x20] =	vst v0  }
0x1cb: {  	[hbm4b:s2+s30] =	stream.strided.scatter [tilespmem:s1], [sflag:$0x3], $0x1000, s31, s30, $0x38;
	[tilespmem:$0x1E700] =	vst v63  }
0x1cc: {  	_ =	swait.ge [sflag:s7], $0x1000  }
0x1cd: {  	[sflag:s7] =	ssyncset.done $0x0  }
0x1ce: {  	[sflag:s7] =	ssyncadd.s32 $0xFFFFF000  }
0x1cf: {  	[tilespmem:s0], [sflag:$0x3] =	stream.linear.gather [hbm4b:s21+s6], $0x1000, $0x38;
	[tilespmem:$0x1E700] =	vst v63  }
0x1d0: {  	_ =	swait.ge [sflag:s7], $0x1000  }
0x1d1: {  	[sflag:s7] =	ssyncset.done $0x0  }
0x1d2: {  	s4 =	simm.s32 $0x1B770;
	[sflag:s7] =	ssyncadd.s32 $0xFFFFF000  }
0x1d3: {  	s28 =	simm.s32 $0x1C740;
	v0 =	vld [tilespmem:s4+$0x0]  }
0x1d4: {  	v1 =	vld [tilespmem:s28+$0x30]  }
0x1d5: {  	v2 =	vld [tilespmem:s28+$0xFFFFFFC0]  }
0x1d6: {  	v3 =	vld [tilespmem:s4+$0xFFFFFFA0]  }
0x1d7: {  	v4 =	vld [tilespmem:s28+$0xFFFFFFD0]  }
0x1d8: {  	v5 =	vld [tilespmem:s4+$0xFFFFFFB0]  }
0x1d9: {  	v6 =	vld [tilespmem:s28+$0xFFFFFFE0]  }
0x1da: {  	v7 =	vld [tilespmem:s4+$0xFFFFFFC0]  }
0x1db: {  	v9 =	vld [tilespmem:s4+$0xFFFFFFD0]  }
0x1dc: {  	v10 =	vld [tilespmem:s28+$0x0]  }
0x1dd: {  	v11 =	vld [tilespmem:s4+$0xFFFFFFE0]  }
0x1de: {  	v12 =	vld [tilespmem:s28+$0x10]  }
0x1df: {  	v13 =	vld [tilespmem:s4+$0xFFFFFFF0]  }
0x1e0: {  	v14 =	vld [tilespmem:s28+$0x20]  }
0x1e1: {  	v15 =	vld [tilespmem:s4+$0xFFFFFF90]  }
0x1e2: {  	v8 =	vld.idx.msk [tilespmem:v0+s6+$0x0], $0xffff  }
0x1e3: {  	v1 =	vld.idx.msk [tilespmem:v1+s6+$0x0], $0xffff  }
0x1e4: {  	v0 =	vld [tilespmem:s28+$0xFFFFFFF0]  }
0x1e5: {  	v16 =	vld.idx.msk [tilespmem:v2+s6+$0x0], $0xffff  }
0x1e6: {  	v3 =	vld.idx.msk [tilespmem:v3+s6+$0x0], $0xffff  }
0x1e7: {  	v4 =	vld.idx.msk [tilespmem:v4+s6+$0x0], $0xffff  }
0x1e8: {  	v5 =	vld.idx.msk [tilespmem:v5+s6+$0x0], $0xffff  }
0x1e9: {  	v6 =	vld.idx.msk [tilespmem:v6+s6+$0x0], $0xffff  }
0x1ea: {  	v7 =	vld.idx.msk [tilespmem:v7+s6+$0x0], $0xffff  }
0x1eb: {  	v15 =	vld.idx.msk [tilespmem:v15+s6+$0x0], $0xffff  }
0x1ec: {  	v17 =	vld.idx.msk [tilespmem:v0+s6+$0x0], $0xffff  }
0x1ed: {  	v2 =	vld.idx.msk [tilespmem:v10+s6+$0x0], $0xffff  }
0x1ee: {  	v8 =	vsub.f32 v8, v1;
	v1 =	vld.idx.msk [tilespmem:v11+s6+$0x0], $0xffff  }
0x1ef: {  	s29 =	simm.s32 $0x1D740;
	v3 =	vsub.f32 v3, v4;
	v0 =	vld.idx.msk [tilespmem:v9+s6+$0x0], $0xffff  }
0x1f0: {  	v5 =	vsub.f32 v5, v6;
	v4 =	vld.idx.msk [tilespmem:v12+s6+$0x0], $0xffff;
	[tilespmem:s29+$0x30] =	vst v8  }
0x1f1: {  	[tilespmem:s29+$0xFFFFFFD0] =	vst v3;
	v3 =	vld.idx.msk [tilespmem:v13+s6+$0x0], $0xffff;
	v7 =	vsub.f32 v7, v17  }
0x1f2: {  	s2 =	simm.s32 $0x0;
	s4 =	simm.s32 $0x1B7F0;
	v6 =	vsub.f32 v15, v16;
	[tilespmem:s29+$0xFFFFFFE0] =	vst v5;
	v5 =	vld.idx.msk [tilespmem:v14+s6+$0x0], $0xffff  }
.LBB2_20:
0x1f3: {  	v8 =	vld [tilespmem:s4+$0x0];
	[tilespmem:s29+$0xFFFFFFF0] =	vst v7;
	s28 =	sadd.s32 $0x80, s28  }
0x1f4: {  	s2 =	sadd.s32 $0x8, s2;
	v0 =	vsub.f32 v0, v2;
	v7 =	vld [tilespmem:s28+$0x30];
	[tilespmem:s29+$0xFFFFFFC0] =	vst v6  }
0x1f5: {  	p3 =	slt.u32 s2, $0xF8;
	v2 =	vld [tilespmem:s28+$0xFFFFFFC0]  }
0x1f6: {  	v6 =	vld [tilespmem:s4+$0xFFFFFFA0];
	[tilespmem:s29+$0x0] =	vst v0;
	v0 =	vsub.f32 v1, v4  }
0x1f7: {  	v1 =	vld [tilespmem:s28+$0xFFFFFFD0]  }
0x1f8: {  	v4 =	vld [tilespmem:s4+$0xFFFFFFB0];
	[tilespmem:s29+$0x10] =	vst v0;
	v0 =	vsub.f32 v3, v5  }
0x1f9: {  	v3 =	vld [tilespmem:s28+$0xFFFFFFE0]  }
0x1fa: {  	v5 =	vld [tilespmem:s4+$0xFFFFFFC0];
	[tilespmem:s29+$0x20] =	vst v0  }
0x1fb: {  	v0 =	vld.idx.msk [tilespmem:v8+s6+$0x0], $0xffff  }
0x1fc: {  	v7 =	vld.idx.msk [tilespmem:v7+s6+$0x0], $0xffff  }
0x1fd: {  	v8 =	vld [tilespmem:s28+$0xFFFFFFF0]  }
0x1fe: {  	v9 =	vld [tilespmem:s4+$0xFFFFFFD0]  }
0x1ff: {  	v10 =	vld [tilespmem:s28+$0x0]  }
0x200: {  	v11 =	vld [tilespmem:s4+$0xFFFFFFE0]  }
0x201: {  	v12 =	vld [tilespmem:s28+$0x10]  }
0x202: {  	v0 =	vsub.f32 v0, v7;
	v13 =	vld [tilespmem:s4+$0xFFFFFFF0]  }
0x203: {  	s29 =	sadd.s32 $0x80, s29;
	v14 =	vld [tilespmem:s28+$0x20]  }
0x204: {  	v7 =	vld [tilespmem:s4+$0xFFFFFF90];
	[tilespmem:s29+$0x30] =	vst v0  }
0x205: {  	v15 =	vld.idx.msk [tilespmem:v2+s6+$0x0], $0xffff  }
0x206: {  	v0 =	vld.idx.msk [tilespmem:v6+s6+$0x0], $0xffff  }
0x207: {  	v1 =	vld.idx.msk [tilespmem:v1+s6+$0x0], $0xffff  }
0x208: {  	v4 =	vld.idx.msk [tilespmem:v4+s6+$0x0], $0xffff  }
0x209: {  	v3 =	vld.idx.msk [tilespmem:v3+s6+$0x0], $0xffff  }
0x20a: {  	v5 =	vld.idx.msk [tilespmem:v5+s6+$0x0], $0xffff  }
0x20b: {  	v6 =	vld.idx.msk [tilespmem:v8+s6+$0x0], $0xffff  }
0x20c: {  	v8 =	vld.idx.msk [tilespmem:v7+s6+$0x0], $0xffff  }
0x20d: {  	v1 =	vsub.f32 v0, v1;
	v0 =	vld.idx.msk [tilespmem:v9+s6+$0x0], $0xffff  }
.Ltmp11:
0x20e: {  	v2 =	vld.idx.msk [tilespmem:v10+s6+$0x0], $0xffff;
	(pc) =	sbr.rel @p3 .LBB2_20-.Ltmp11, $4  }
0x20f: {  	v3 =	vsub.f32 v4, v3;
	[tilespmem:s29+$0xFFFFFFD0] =	vst v1;
	v1 =	vld.idx.msk [tilespmem:v11+s6+$0x0], $0xffff  }
0x210: {  	v4 =	vld.idx.msk [tilespmem:v12+s6+$0x0], $0xffff  }
0x211: {  	v7 =	vsub.f32 v5, v6;
	[tilespmem:s29+$0xFFFFFFE0] =	vst v3;
	v3 =	vld.idx.msk [tilespmem:v13+s6+$0x0], $0xffff  }
0x212: {  	s4 =	sadd.s32 $0x80, s4;
	v6 =	vsub.f32 v8, v15;
	v5 =	vld.idx.msk [tilespmem:v14+s6+$0x0], $0xffff  }
0x213: {  	_ =	sdelay $0x1  }
0x214: {  	[tilespmem:s29+$0xFFFFFFF0] =	vst v7;
	v0 =	vsub.f32 v0, v2  }
0x215: {  	[tilespmem:s29+$0xFFFFFFC0] =	vst v6;
	v1 =	vsub.f32 v1, v4  }
0x216: {  	[tilespmem:s29+$0x0] =	vst v0;
	v63 =	vsub.f32 v3, v5  }
0x217: {  	[tilespmem:s29+$0x10] =	vst v1  }
.Ltmp12:
0x218: {  	s2 =	sadd.s32 s25, s22;
	[tilespmem:s29+$0x20] =	vst v63;
	(pc) =	sbr.rel @p2 .LBB2_13-.Ltmp12, $4  }
0x219: {  	[hbm4b:s2+s30] =	stream.strided.scatter [tilespmem:s1], [sflag:$0x3], $0x1000, s31, s30, $0x38;
	[tilespmem:$0x1E700] =	vst v63  }
0x21a: {  	_ =	swait.ge [sflag:s7], $0x1000  }
0x21b: {  	[sflag:s7] =	ssyncset.done $0x0  }
0x21c: {  	p3 =	por $0x0, $0x0;
	s2 =	simm.s32 $0x1;
	[sflag:s7] =	ssyncadd.s32 $0xFFFFF000  }
.Ltmp13:
0x21d: {  	(pc) =	sbr.rel @p1 .LBB2_43-.Ltmp13, $2  }
0x21e: {  	_ =	sdelay $0x2  }
0x21f: {  	s29 =	rddreg [dreg:$0x3]  }
.LBB2_23:
0x220: {  	s2 =	simm.s32 $0x0  }
0x221: {  	s4 =	rddreg [dreg:$0x1];
	s25 =	simm.s32 $0x18700;
	s29 =	simm.s32 $0x2  }
0x222: {  	[tilespmem:s25], [sflag:$0x2] =	stream.linear.gather [hbm4b:s4+s2], $0x4000, $0x38;
	[tilespmem:$0x1E700] =	vst v63  }
0x223: {  	_ =	swait.ge [sflag:s29], $0x4000  }
0x224: {  	[sflag:s29] =	ssyncset.done $0x0  }
0x225: {  	p3 =	por $0x1, $0x1;
	[sflag:s29] =	ssyncadd.s32 $0xFFFFC000  }
.LBB2_24:
0x226: {  	s2 =	sxor.u32 s23, s2  }
0x227: {  	s2 =	sor.u32 s24, s2  }
0x228: {  	s25 =	sshll.u32 s2, $0x7  }
0x229: {  	s2 =	sor.u32 s12, s25  }
0x22a: {  	s2 =	sshrl.u32 s2, $0x3  }
0x22b: {  	s2 =	sadd.s32 s5, s2  }
0x22c: {  	[tilespmem:s6], [sflag:$0x1] =	stream.strided.gather [hbm4b:s2+s30], $0x18700, s31, s30, $0x38;
	[tilespmem:$0x1E700] =	vst v63  }
0x22d: {  	_ =	swait.ge [sflag:s26], $0x18700  }
0x22e: {  	[sflag:s26] =	ssyncset.done $0x0  }
0x22f: {  	[sflag:s26] =	ssyncadd.s32 $0xFFFE7900  }
0x230: {  	[tilespmem:s0], [sflag:$0x3] =	stream.linear.gather [hbm4b:s3+s6], $0x1000, $0x38;
	[tilespmem:$0x1E700] =	vst v63  }
0x231: {  	_ =	swait.ge [sflag:s7], $0x1000  }
0x232: {  	[sflag:s7] =	ssyncset.done $0x0  }
0x233: {  	s4 =	simm.s32 $0x18740;
	[sflag:s7] =	ssyncadd.s32 $0xFFFFF000  }
0x234: {  	s28 =	simm.s32 $0x1C740;
	v0 =	vld [tilespmem:s4+$0x30]  }
0x235: {  	v1 =	vld [tilespmem:s28+$0x30]  }
0x236: {  	v2 =	vld [tilespmem:s28+$0xFFFFFFC0]  }
0x237: {  	v3 =	vld [tilespmem:s4+$0xFFFFFFD0]  }
0x238: {  	v4 =	vld [tilespmem:s28+$0xFFFFFFD0]  }
0x239: {  	v5 =	vld [tilespmem:s4+$0xFFFFFFE0]  }
0x23a: {  	v6 =	vld [tilespmem:s28+$0xFFFFFFE0]  }
0x23b: {  	v7 =	vld [tilespmem:s4+$0xFFFFFFF0]  }
0x23c: {  	v9 =	vld [tilespmem:s4+$0x0]  }
0x23d: {  	v10 =	vld [tilespmem:s28+$0x0]  }
0x23e: {  	v11 =	vld [tilespmem:s4+$0x10]  }
0x23f: {  	v12 =	vld [tilespmem:s28+$0x10]  }
0x240: {  	v13 =	vld [tilespmem:s4+$0x20]  }
0x241: {  	v14 =	vld [tilespmem:s28+$0x20]  }
0x242: {  	v15 =	vld [tilespmem:s4+$0xFFFFFFC0]  }
0x243: {  	v8 =	vld.idx.msk [tilespmem:v0+s6+$0x0], $0xffff  }
0x244: {  	v1 =	vld.idx.msk [tilespmem:v1+s6+$0x0], $0xffff  }
0x245: {  	v0 =	vld [tilespmem:s28+$0xFFFFFFF0]  }
0x246: {  	v16 =	vld.idx.msk [tilespmem:v2+s6+$0x0], $0xffff  }
0x247: {  	v3 =	vld.idx.msk [tilespmem:v3+s6+$0x0], $0xffff  }
0x248: {  	v4 =	vld.idx.msk [tilespmem:v4+s6+$0x0], $0xffff  }
0x249: {  	v5 =	vld.idx.msk [tilespmem:v5+s6+$0x0], $0xffff  }
0x24a: {  	v6 =	vld.idx.msk [tilespmem:v6+s6+$0x0], $0xffff  }
0x24b: {  	v7 =	vld.idx.msk [tilespmem:v7+s6+$0x0], $0xffff  }
0x24c: {  	v15 =	vld.idx.msk [tilespmem:v15+s6+$0x0], $0xffff  }
0x24d: {  	v17 =	vld.idx.msk [tilespmem:v0+s6+$0x0], $0xffff  }
0x24e: {  	v2 =	vld.idx.msk [tilespmem:v10+s6+$0x0], $0xffff  }
0x24f: {  	v8 =	vsub.f32 v8, v1;
	v1 =	vld.idx.msk [tilespmem:v11+s6+$0x0], $0xffff  }
0x250: {  	s29 =	simm.s32 $0x1D740;
	v3 =	vsub.f32 v3, v4;
	v0 =	vld.idx.msk [tilespmem:v9+s6+$0x0], $0xffff  }
0x251: {  	v5 =	vsub.f32 v5, v6;
	v4 =	vld.idx.msk [tilespmem:v12+s6+$0x0], $0xffff;
	[tilespmem:s29+$0x30] =	vst v8  }
0x252: {  	[tilespmem:s29+$0xFFFFFFD0] =	vst v3;
	v3 =	vld.idx.msk [tilespmem:v13+s6+$0x0], $0xffff;
	v7 =	vsub.f32 v7, v17  }
0x253: {  	p2 =	por p3, p3;
	s2 =	simm.s32 $0x0;
	s4 =	simm.s32 $0x187C0;
	v6 =	vsub.f32 v15, v16;
	[tilespmem:s29+$0xFFFFFFE0] =	vst v5;
	v5 =	vld.idx.msk [tilespmem:v14+s6+$0x0], $0xffff  }
.LBB2_25:
0x254: {  	v8 =	vld [tilespmem:s4+$0x30];
	[tilespmem:s29+$0xFFFFFFF0] =	vst v7;
	s28 =	sadd.s32 $0x80, s28  }
0x255: {  	s2 =	sadd.s32 $0x8, s2;
	v0 =	vsub.f32 v0, v2;
	v7 =	vld [tilespmem:s28+$0x30];
	[tilespmem:s29+$0xFFFFFFC0] =	vst v6  }
0x256: {  	p3 =	slt.u32 s2, $0xF8;
	v2 =	vld [tilespmem:s28+$0xFFFFFFC0]  }
0x257: {  	v6 =	vld [tilespmem:s4+$0xFFFFFFD0];
	[tilespmem:s29+$0x0] =	vst v0;
	v0 =	vsub.f32 v1, v4  }
0x258: {  	v1 =	vld [tilespmem:s28+$0xFFFFFFD0]  }
0x259: {  	v4 =	vld [tilespmem:s4+$0xFFFFFFE0];
	[tilespmem:s29+$0x10] =	vst v0;
	v0 =	vsub.f32 v3, v5  }
0x25a: {  	v3 =	vld [tilespmem:s28+$0xFFFFFFE0]  }
0x25b: {  	v5 =	vld [tilespmem:s4+$0xFFFFFFF0];
	[tilespmem:s29+$0x20] =	vst v0  }
0x25c: {  	v0 =	vld.idx.msk [tilespmem:v8+s6+$0x0], $0xffff  }
0x25d: {  	v7 =	vld.idx.msk [tilespmem:v7+s6+$0x0], $0xffff  }
0x25e: {  	v8 =	vld [tilespmem:s28+$0xFFFFFFF0]  }
0x25f: {  	v9 =	vld [tilespmem:s4+$0x0]  }
0x260: {  	v10 =	vld [tilespmem:s28+$0x0]  }
0x261: {  	v11 =	vld [tilespmem:s4+$0x10]  }
0x262: {  	v12 =	vld [tilespmem:s28+$0x10]  }
0x263: {  	v0 =	vsub.f32 v0, v7;
	v13 =	vld [tilespmem:s4+$0x20]  }
0x264: {  	s29 =	sadd.s32 $0x80, s29;
	v14 =	vld [tilespmem:s28+$0x20]  }
0x265: {  	v7 =	vld [tilespmem:s4+$0xFFFFFFC0];
	[tilespmem:s29+$0x30] =	vst v0  }
0x266: {  	v15 =	vld.idx.msk [tilespmem:v2+s6+$0x0], $0xffff  }
0x267: {  	v0 =	vld.idx.msk [tilespmem:v6+s6+$0x0], $0xffff  }
0x268: {  	v1 =	vld.idx.msk [tilespmem:v1+s6+$0x0], $0xffff  }
0x269: {  	v4 =	vld.idx.msk [tilespmem:v4+s6+$0x0], $0xffff  }
0x26a: {  	v3 =	vld.idx.msk [tilespmem:v3+s6+$0x0], $0xffff  }
0x26b: {  	v5 =	vld.idx.msk [tilespmem:v5+s6+$0x0], $0xffff  }
0x26c: {  	v6 =	vld.idx.msk [tilespmem:v8+s6+$0x0], $0xffff  }
0x26d: {  	v8 =	vld.idx.msk [tilespmem:v7+s6+$0x0], $0xffff  }
0x26e: {  	v1 =	vsub.f32 v0, v1;
	v0 =	vld.idx.msk [tilespmem:v9+s6+$0x0], $0xffff  }
.Ltmp14:
0x26f: {  	v2 =	vld.idx.msk [tilespmem:v10+s6+$0x0], $0xffff;
	(pc) =	sbr.rel @p3 .LBB2_25-.Ltmp14, $4  }
0x270: {  	v3 =	vsub.f32 v4, v3;
	[tilespmem:s29+$0xFFFFFFD0] =	vst v1;
	v1 =	vld.idx.msk [tilespmem:v11+s6+$0x0], $0xffff  }
0x271: {  	v4 =	vld.idx.msk [tilespmem:v12+s6+$0x0], $0xffff  }
0x272: {  	v7 =	vsub.f32 v5, v6;
	[tilespmem:s29+$0xFFFFFFE0] =	vst v3;
	v3 =	vld.idx.msk [tilespmem:v13+s6+$0x0], $0xffff  }
0x273: {  	s4 =	sadd.s32 $0x80, s4;
	v6 =	vsub.f32 v8, v15;
	v5 =	vld.idx.msk [tilespmem:v14+s6+$0x0], $0xffff  }
0x274: {  	_ =	sdelay $0x1  }
0x275: {  	[tilespmem:s29+$0xFFFFFFF0] =	vst v7;
	v0 =	vsub.f32 v0, v2  }
0x276: {  	[tilespmem:s29+$0xFFFFFFC0] =	vst v6;
	v1 =	vsub.f32 v1, v4  }
0x277: {  	s2 =	sor.u32 s13, s25;
	[tilespmem:s29+$0x0] =	vst v0;
	v0 =	vsub.f32 v3, v5  }
0x278: {  	s25 =	sshrl.u32 s2, $0x3;
	[tilespmem:s29+$0x10] =	vst v1  }
0x279: {  	s2 =	sadd.s32 s9, s25;
	[tilespmem:s29+$0x20] =	vst v0  }
0x27a: {  	[hbm4b:s2+s30] =	stream.strided.scatter [tilespmem:s1], [sflag:$0x3], $0x1000, s31, s30, $0x38;
	[tilespmem:$0x1E700] =	vst v63  }
0x27b: {  	_ =	swait.ge [sflag:s7], $0x1000  }
0x27c: {  	[sflag:s7] =	ssyncset.done $0x0  }
0x27d: {  	[sflag:s7] =	ssyncadd.s32 $0xFFFFF000  }
0x27e: {  	[tilespmem:s0], [sflag:$0x3] =	stream.linear.gather [hbm4b:s17+s6], $0x1000, $0x38;
	[tilespmem:$0x1E700] =	vst v63  }
0x27f: {  	_ =	swait.ge [sflag:s7], $0x1000  }
0x280: {  	[sflag:s7] =	ssyncset.done $0x0  }
0x281: {  	s4 =	simm.s32 $0x19770;
	[sflag:s7] =	ssyncadd.s32 $0xFFFFF000  }
0x282: {  	s28 =	simm.s32 $0x1C740;
	v0 =	vld [tilespmem:s4+$0x0]  }
0x283: {  	v1 =	vld [tilespmem:s28+$0x30]  }
0x284: {  	v2 =	vld [tilespmem:s28+$0xFFFFFFC0]  }
0x285: {  	v3 =	vld [tilespmem:s4+$0xFFFFFFA0]  }
0x286: {  	v4 =	vld [tilespmem:s28+$0xFFFFFFD0]  }
0x287: {  	v5 =	vld [tilespmem:s4+$0xFFFFFFB0]  }
0x288: {  	v6 =	vld [tilespmem:s28+$0xFFFFFFE0]  }
0x289: {  	v7 =	vld [tilespmem:s4+$0xFFFFFFC0]  }
0x28a: {  	v9 =	vld [tilespmem:s4+$0xFFFFFFD0]  }
0x28b: {  	v10 =	vld [tilespmem:s28+$0x0]  }
0x28c: {  	v11 =	vld [tilespmem:s4+$0xFFFFFFE0]  }
0x28d: {  	v12 =	vld [tilespmem:s28+$0x10]  }
0x28e: {  	v13 =	vld [tilespmem:s4+$0xFFFFFFF0]  }
0x28f: {  	v14 =	vld [tilespmem:s28+$0x20]  }
0x290: {  	v15 =	vld [tilespmem:s4+$0xFFFFFF90]  }
0x291: {  	v8 =	vld.idx.msk [tilespmem:v0+s6+$0x0], $0xffff  }
0x292: {  	v1 =	vld.idx.msk [tilespmem:v1+s6+$0x0], $0xffff  }
0x293: {  	v0 =	vld [tilespmem:s28+$0xFFFFFFF0]  }
0x294: {  	v16 =	vld.idx.msk [tilespmem:v2+s6+$0x0], $0xffff  }
0x295: {  	v3 =	vld.idx.msk [tilespmem:v3+s6+$0x0], $0xffff  }
0x296: {  	v4 =	vld.idx.msk [tilespmem:v4+s6+$0x0], $0xffff  }
0x297: {  	v5 =	vld.idx.msk [tilespmem:v5+s6+$0x0], $0xffff  }
0x298: {  	v6 =	vld.idx.msk [tilespmem:v6+s6+$0x0], $0xffff  }
0x299: {  	v7 =	vld.idx.msk [tilespmem:v7+s6+$0x0], $0xffff  }
0x29a: {  	v15 =	vld.idx.msk [tilespmem:v15+s6+$0x0], $0xffff  }
0x29b: {  	v17 =	vld.idx.msk [tilespmem:v0+s6+$0x0], $0xffff  }
0x29c: {  	v2 =	vld.idx.msk [tilespmem:v10+s6+$0x0], $0xffff  }
0x29d: {  	v8 =	vsub.f32 v8, v1;
	v1 =	vld.idx.msk [tilespmem:v11+s6+$0x0], $0xffff  }
0x29e: {  	s29 =	simm.s32 $0x1D740;
	v3 =	vsub.f32 v3, v4;
	v0 =	vld.idx.msk [tilespmem:v9+s6+$0x0], $0xffff  }
0x29f: {  	v5 =	vsub.f32 v5, v6;
	v4 =	vld.idx.msk [tilespmem:v12+s6+$0x0], $0xffff;
	[tilespmem:s29+$0x30] =	vst v8  }
0x2a0: {  	[tilespmem:s29+$0xFFFFFFD0] =	vst v3;
	v3 =	vld.idx.msk [tilespmem:v13+s6+$0x0], $0xffff;
	v7 =	vsub.f32 v7, v17  }
0x2a1: {  	s2 =	simm.s32 $0x0;
	s4 =	simm.s32 $0x197F0;
	v6 =	vsub.f32 v15, v16;
	[tilespmem:s29+$0xFFFFFFE0] =	vst v5;
	v5 =	vld.idx.msk [tilespmem:v14+s6+$0x0], $0xffff  }
.LBB2_27:
0x2a2: {  	v8 =	vld [tilespmem:s4+$0x0];
	[tilespmem:s29+$0xFFFFFFF0] =	vst v7;
	s28 =	sadd.s32 $0x80, s28  }
0x2a3: {  	s2 =	sadd.s32 $0x8, s2;
	v0 =	vsub.f32 v0, v2;
	v7 =	vld [tilespmem:s28+$0x30];
	[tilespmem:s29+$0xFFFFFFC0] =	vst v6  }
0x2a4: {  	p3 =	slt.u32 s2, $0xF8;
	v2 =	vld [tilespmem:s28+$0xFFFFFFC0]  }
0x2a5: {  	v6 =	vld [tilespmem:s4+$0xFFFFFFA0];
	[tilespmem:s29+$0x0] =	vst v0;
	v0 =	vsub.f32 v1, v4  }
0x2a6: {  	v1 =	vld [tilespmem:s28+$0xFFFFFFD0]  }
0x2a7: {  	v4 =	vld [tilespmem:s4+$0xFFFFFFB0];
	[tilespmem:s29+$0x10] =	vst v0;
	v0 =	vsub.f32 v3, v5  }
0x2a8: {  	v3 =	vld [tilespmem:s28+$0xFFFFFFE0]  }
0x2a9: {  	v5 =	vld [tilespmem:s4+$0xFFFFFFC0];
	[tilespmem:s29+$0x20] =	vst v0  }
0x2aa: {  	v0 =	vld.idx.msk [tilespmem:v8+s6+$0x0], $0xffff  }
0x2ab: {  	v7 =	vld.idx.msk [tilespmem:v7+s6+$0x0], $0xffff  }
0x2ac: {  	v8 =	vld [tilespmem:s28+$0xFFFFFFF0]  }
0x2ad: {  	v9 =	vld [tilespmem:s4+$0xFFFFFFD0]  }
0x2ae: {  	v10 =	vld [tilespmem:s28+$0x0]  }
0x2af: {  	v11 =	vld [tilespmem:s4+$0xFFFFFFE0]  }
0x2b0: {  	v12 =	vld [tilespmem:s28+$0x10]  }
0x2b1: {  	v0 =	vsub.f32 v0, v7;
	v13 =	vld [tilespmem:s4+$0xFFFFFFF0]  }
0x2b2: {  	s29 =	sadd.s32 $0x80, s29;
	v14 =	vld [tilespmem:s28+$0x20]  }
0x2b3: {  	v7 =	vld [tilespmem:s4+$0xFFFFFF90];
	[tilespmem:s29+$0x30] =	vst v0  }
0x2b4: {  	v15 =	vld.idx.msk [tilespmem:v2+s6+$0x0], $0xffff  }
0x2b5: {  	v0 =	vld.idx.msk [tilespmem:v6+s6+$0x0], $0xffff  }
0x2b6: {  	v1 =	vld.idx.msk [tilespmem:v1+s6+$0x0], $0xffff  }
0x2b7: {  	v4 =	vld.idx.msk [tilespmem:v4+s6+$0x0], $0xffff  }
0x2b8: {  	v3 =	vld.idx.msk [tilespmem:v3+s6+$0x0], $0xffff  }
0x2b9: {  	v5 =	vld.idx.msk [tilespmem:v5+s6+$0x0], $0xffff  }
0x2ba: {  	v6 =	vld.idx.msk [tilespmem:v8+s6+$0x0], $0xffff  }
0x2bb: {  	v8 =	vld.idx.msk [tilespmem:v7+s6+$0x0], $0xffff  }
0x2bc: {  	v1 =	vsub.f32 v0, v1;
	v0 =	vld.idx.msk [tilespmem:v9+s6+$0x0], $0xffff  }
.Ltmp15:
0x2bd: {  	v2 =	vld.idx.msk [tilespmem:v10+s6+$0x0], $0xffff;
	(pc) =	sbr.rel @p3 .LBB2_27-.Ltmp15, $4  }
0x2be: {  	v3 =	vsub.f32 v4, v3;
	[tilespmem:s29+$0xFFFFFFD0] =	vst v1;
	v1 =	vld.idx.msk [tilespmem:v11+s6+$0x0], $0xffff  }
0x2bf: {  	v4 =	vld.idx.msk [tilespmem:v12+s6+$0x0], $0xffff  }
0x2c0: {  	v7 =	vsub.f32 v5, v6;
	[tilespmem:s29+$0xFFFFFFE0] =	vst v3;
	v3 =	vld.idx.msk [tilespmem:v13+s6+$0x0], $0xffff  }
0x2c1: {  	s4 =	sadd.s32 $0x80, s4;
	v6 =	vsub.f32 v8, v15;
	v5 =	vld.idx.msk [tilespmem:v14+s6+$0x0], $0xffff  }
0x2c2: {  	_ =	sdelay $0x1  }
0x2c3: {  	[tilespmem:s29+$0xFFFFFFF0] =	vst v7;
	v0 =	vsub.f32 v0, v2  }
0x2c4: {  	[tilespmem:s29+$0xFFFFFFC0] =	vst v6;
	v1 =	vsub.f32 v1, v4  }
0x2c5: {  	[tilespmem:s29+$0x0] =	vst v0;
	v0 =	vsub.f32 v3, v5  }
0x2c6: {  	[tilespmem:s29+$0x10] =	vst v1  }
0x2c7: {  	s2 =	sadd.s32 s25, s18;
	[tilespmem:s29+$0x20] =	vst v0  }
0x2c8: {  	[hbm4b:s2+s30] =	stream.strided.scatter [tilespmem:s1], [sflag:$0x3], $0x1000, s31, s30, $0x38;
	[tilespmem:$0x1E700] =	vst v63  }
0x2c9: {  	_ =	swait.ge [sflag:s7], $0x1000  }
0x2ca: {  	[sflag:s7] =	ssyncset.done $0x0  }
0x2cb: {  	[sflag:s7] =	ssyncadd.s32 $0xFFFFF000  }
0x2cc: {  	[tilespmem:s0], [sflag:$0x3] =	stream.linear.gather [hbm4b:s19+s6], $0x1000, $0x38;
	[tilespmem:$0x1E700] =	vst v63  }
0x2cd: {  	_ =	swait.ge [sflag:s7], $0x1000  }
0x2ce: {  	[sflag:s7] =	ssyncset.done $0x0  }
0x2cf: {  	s4 =	simm.s32 $0x1A770;
	[sflag:s7] =	ssyncadd.s32 $0xFFFFF000  }
0x2d0: {  	s28 =	simm.s32 $0x1C740;
	v0 =	vld [tilespmem:s4+$0x0]  }
0x2d1: {  	v1 =	vld [tilespmem:s28+$0x30]  }
0x2d2: {  	v2 =	vld [tilespmem:s28+$0xFFFFFFC0]  }
0x2d3: {  	v3 =	vld [tilespmem:s4+$0xFFFFFFA0]  }
0x2d4: {  	v4 =	vld [tilespmem:s28+$0xFFFFFFD0]  }
0x2d5: {  	v5 =	vld [tilespmem:s4+$0xFFFFFFB0]  }
0x2d6: {  	v6 =	vld [tilespmem:s28+$0xFFFFFFE0]  }
0x2d7: {  	v7 =	vld [tilespmem:s4+$0xFFFFFFC0]  }
0x2d8: {  	v9 =	vld [tilespmem:s4+$0xFFFFFFD0]  }
0x2d9: {  	v10 =	vld [tilespmem:s28+$0x0]  }
0x2da: {  	v11 =	vld [tilespmem:s4+$0xFFFFFFE0]  }
0x2db: {  	v12 =	vld [tilespmem:s28+$0x10]  }
0x2dc: {  	v13 =	vld [tilespmem:s4+$0xFFFFFFF0]  }
0x2dd: {  	v14 =	vld [tilespmem:s28+$0x20]  }
0x2de: {  	v15 =	vld [tilespmem:s4+$0xFFFFFF90]  }
0x2df: {  	v8 =	vld.idx.msk [tilespmem:v0+s6+$0x0], $0xffff  }
0x2e0: {  	v1 =	vld.idx.msk [tilespmem:v1+s6+$0x0], $0xffff  }
0x2e1: {  	v0 =	vld [tilespmem:s28+$0xFFFFFFF0]  }
0x2e2: {  	v16 =	vld.idx.msk [tilespmem:v2+s6+$0x0], $0xffff  }
0x2e3: {  	v3 =	vld.idx.msk [tilespmem:v3+s6+$0x0], $0xffff  }
0x2e4: {  	v4 =	vld.idx.msk [tilespmem:v4+s6+$0x0], $0xffff  }
0x2e5: {  	v5 =	vld.idx.msk [tilespmem:v5+s6+$0x0], $0xffff  }
0x2e6: {  	v6 =	vld.idx.msk [tilespmem:v6+s6+$0x0], $0xffff  }
0x2e7: {  	v7 =	vld.idx.msk [tilespmem:v7+s6+$0x0], $0xffff  }
0x2e8: {  	v15 =	vld.idx.msk [tilespmem:v15+s6+$0x0], $0xffff  }
0x2e9: {  	v17 =	vld.idx.msk [tilespmem:v0+s6+$0x0], $0xffff  }
0x2ea: {  	v2 =	vld.idx.msk [tilespmem:v10+s6+$0x0], $0xffff  }
0x2eb: {  	v8 =	vsub.f32 v8, v1;
	v1 =	vld.idx.msk [tilespmem:v11+s6+$0x0], $0xffff  }
0x2ec: {  	s29 =	simm.s32 $0x1D740;
	v3 =	vsub.f32 v3, v4;
	v0 =	vld.idx.msk [tilespmem:v9+s6+$0x0], $0xffff  }
0x2ed: {  	v5 =	vsub.f32 v5, v6;
	v4 =	vld.idx.msk [tilespmem:v12+s6+$0x0], $0xffff;
	[tilespmem:s29+$0x30] =	vst v8  }
0x2ee: {  	[tilespmem:s29+$0xFFFFFFD0] =	vst v3;
	v3 =	vld.idx.msk [tilespmem:v13+s6+$0x0], $0xffff;
	v7 =	vsub.f32 v7, v17  }
0x2ef: {  	s2 =	simm.s32 $0x0;
	s4 =	simm.s32 $0x1A7F0;
	v6 =	vsub.f32 v15, v16;
	[tilespmem:s29+$0xFFFFFFE0] =	vst v5;
	v5 =	vld.idx.msk [tilespmem:v14+s6+$0x0], $0xffff  }
.LBB2_29:
0x2f0: {  	v8 =	vld [tilespmem:s4+$0x0];
	[tilespmem:s29+$0xFFFFFFF0] =	vst v7;
	s28 =	sadd.s32 $0x80, s28  }
0x2f1: {  	s2 =	sadd.s32 $0x8, s2;
	v0 =	vsub.f32 v0, v2;
	v7 =	vld [tilespmem:s28+$0x30];
	[tilespmem:s29+$0xFFFFFFC0] =	vst v6  }
0x2f2: {  	p3 =	slt.u32 s2, $0xF8;
	v2 =	vld [tilespmem:s28+$0xFFFFFFC0]  }
0x2f3: {  	v6 =	vld [tilespmem:s4+$0xFFFFFFA0];
	[tilespmem:s29+$0x0] =	vst v0;
	v0 =	vsub.f32 v1, v4  }
0x2f4: {  	v1 =	vld [tilespmem:s28+$0xFFFFFFD0]  }
0x2f5: {  	v4 =	vld [tilespmem:s4+$0xFFFFFFB0];
	[tilespmem:s29+$0x10] =	vst v0;
	v0 =	vsub.f32 v3, v5  }
0x2f6: {  	v3 =	vld [tilespmem:s28+$0xFFFFFFE0]  }
0x2f7: {  	v5 =	vld [tilespmem:s4+$0xFFFFFFC0];
	[tilespmem:s29+$0x20] =	vst v0  }
0x2f8: {  	v0 =	vld.idx.msk [tilespmem:v8+s6+$0x0], $0xffff  }
0x2f9: {  	v7 =	vld.idx.msk [tilespmem:v7+s6+$0x0], $0xffff  }
0x2fa: {  	v8 =	vld [tilespmem:s28+$0xFFFFFFF0]  }
0x2fb: {  	v9 =	vld [tilespmem:s4+$0xFFFFFFD0]  }
0x2fc: {  	v10 =	vld [tilespmem:s28+$0x0]  }
0x2fd: {  	v11 =	vld [tilespmem:s4+$0xFFFFFFE0]  }
0x2fe: {  	v12 =	vld [tilespmem:s28+$0x10]  }
0x2ff: {  	v0 =	vsub.f32 v0, v7;
	v13 =	vld [tilespmem:s4+$0xFFFFFFF0]  }
0x300: {  	s29 =	sadd.s32 $0x80, s29;
	v14 =	vld [tilespmem:s28+$0x20]  }
0x301: {  	v7 =	vld [tilespmem:s4+$0xFFFFFF90];
	[tilespmem:s29+$0x30] =	vst v0  }
0x302: {  	v15 =	vld.idx.msk [tilespmem:v2+s6+$0x0], $0xffff  }
0x303: {  	v0 =	vld.idx.msk [tilespmem:v6+s6+$0x0], $0xffff  }
0x304: {  	v1 =	vld.idx.msk [tilespmem:v1+s6+$0x0], $0xffff  }
0x305: {  	v4 =	vld.idx.msk [tilespmem:v4+s6+$0x0], $0xffff  }
0x306: {  	v3 =	vld.idx.msk [tilespmem:v3+s6+$0x0], $0xffff  }
0x307: {  	v5 =	vld.idx.msk [tilespmem:v5+s6+$0x0], $0xffff  }
0x308: {  	v6 =	vld.idx.msk [tilespmem:v8+s6+$0x0], $0xffff  }
0x309: {  	v8 =	vld.idx.msk [tilespmem:v7+s6+$0x0], $0xffff  }
0x30a: {  	v1 =	vsub.f32 v0, v1;
	v0 =	vld.idx.msk [tilespmem:v9+s6+$0x0], $0xffff  }
.Ltmp16:
0x30b: {  	v2 =	vld.idx.msk [tilespmem:v10+s6+$0x0], $0xffff;
	(pc) =	sbr.rel @p3 .LBB2_29-.Ltmp16, $4  }
0x30c: {  	v3 =	vsub.f32 v4, v3;
	[tilespmem:s29+$0xFFFFFFD0] =	vst v1;
	v1 =	vld.idx.msk [tilespmem:v11+s6+$0x0], $0xffff  }
0x30d: {  	v4 =	vld.idx.msk [tilespmem:v12+s6+$0x0], $0xffff  }
0x30e: {  	v7 =	vsub.f32 v5, v6;
	[tilespmem:s29+$0xFFFFFFE0] =	vst v3;
	v3 =	vld.idx.msk [tilespmem:v13+s6+$0x0], $0xffff  }
0x30f: {  	s4 =	sadd.s32 $0x80, s4;
	v6 =	vsub.f32 v8, v15;
	v5 =	vld.idx.msk [tilespmem:v14+s6+$0x0], $0xffff  }
0x310: {  	_ =	sdelay $0x1  }
0x311: {  	[tilespmem:s29+$0xFFFFFFF0] =	vst v7;
	v0 =	vsub.f32 v0, v2  }
0x312: {  	[tilespmem:s29+$0xFFFFFFC0] =	vst v6;
	v1 =	vsub.f32 v1, v4  }
0x313: {  	[tilespmem:s29+$0x0] =	vst v0;
	v0 =	vsub.f32 v3, v5  }
0x314: {  	[tilespmem:s29+$0x10] =	vst v1  }
0x315: {  	s2 =	sadd.s32 s25, s20;
	[tilespmem:s29+$0x20] =	vst v0  }
0x316: {  	[hbm4b:s2+s30] =	stream.strided.scatter [tilespmem:s1], [sflag:$0x3], $0x1000, s31, s30, $0x38;
	[tilespmem:$0x1E700] =	vst v63  }
0x317: {  	_ =	swait.ge [sflag:s7], $0x1000  }
0x318: {  	[sflag:s7] =	ssyncset.done $0x0  }
0x319: {  	[sflag:s7] =	ssyncadd.s32 $0xFFFFF000  }
0x31a: {  	[tilespmem:s0], [sflag:$0x3] =	stream.linear.gather [hbm4b:s21+s6], $0x1000, $0x38;
	[tilespmem:$0x1E700] =	vst v63  }
0x31b: {  	_ =	swait.ge [sflag:s7], $0x1000  }
0x31c: {  	[sflag:s7] =	ssyncset.done $0x0  }
0x31d: {  	s4 =	simm.s32 $0x1B770;
	[sflag:s7] =	ssyncadd.s32 $0xFFFFF000  }
0x31e: {  	s28 =	simm.s32 $0x1C740;
	v0 =	vld [tilespmem:s4+$0x0]  }
0x31f: {  	v1 =	vld [tilespmem:s28+$0x30]  }
0x320: {  	v2 =	vld [tilespmem:s28+$0xFFFFFFC0]  }
0x321: {  	v3 =	vld [tilespmem:s4+$0xFFFFFFA0]  }
0x322: {  	v4 =	vld [tilespmem:s28+$0xFFFFFFD0]  }
0x323: {  	v5 =	vld [tilespmem:s4+$0xFFFFFFB0]  }
0x324: {  	v6 =	vld [tilespmem:s28+$0xFFFFFFE0]  }
0x325: {  	v7 =	vld [tilespmem:s4+$0xFFFFFFC0]  }
0x326: {  	v9 =	vld [tilespmem:s4+$0xFFFFFFD0]  }
0x327: {  	v10 =	vld [tilespmem:s28+$0x0]  }
0x328: {  	v11 =	vld [tilespmem:s4+$0xFFFFFFE0]  }
0x329: {  	v12 =	vld [tilespmem:s28+$0x10]  }
0x32a: {  	v13 =	vld [tilespmem:s4+$0xFFFFFFF0]  }
0x32b: {  	v14 =	vld [tilespmem:s28+$0x20]  }
0x32c: {  	v15 =	vld [tilespmem:s4+$0xFFFFFF90]  }
0x32d: {  	v8 =	vld.idx.msk [tilespmem:v0+s6+$0x0], $0xffff  }
0x32e: {  	v1 =	vld.idx.msk [tilespmem:v1+s6+$0x0], $0xffff  }
0x32f: {  	v0 =	vld [tilespmem:s28+$0xFFFFFFF0]  }
0x330: {  	v16 =	vld.idx.msk [tilespmem:v2+s6+$0x0], $0xffff  }
0x331: {  	v3 =	vld.idx.msk [tilespmem:v3+s6+$0x0], $0xffff  }
0x332: {  	v4 =	vld.idx.msk [tilespmem:v4+s6+$0x0], $0xffff  }
0x333: {  	v5 =	vld.idx.msk [tilespmem:v5+s6+$0x0], $0xffff  }
0x334: {  	v6 =	vld.idx.msk [tilespmem:v6+s6+$0x0], $0xffff  }
0x335: {  	v7 =	vld.idx.msk [tilespmem:v7+s6+$0x0], $0xffff  }
0x336: {  	v15 =	vld.idx.msk [tilespmem:v15+s6+$0x0], $0xffff  }
0x337: {  	v17 =	vld.idx.msk [tilespmem:v0+s6+$0x0], $0xffff  }
0x338: {  	v2 =	vld.idx.msk [tilespmem:v10+s6+$0x0], $0xffff  }
0x339: {  	v8 =	vsub.f32 v8, v1;
	v1 =	vld.idx.msk [tilespmem:v11+s6+$0x0], $0xffff  }
0x33a: {  	s29 =	simm.s32 $0x1D740;
	v3 =	vsub.f32 v3, v4;
	v0 =	vld.idx.msk [tilespmem:v9+s6+$0x0], $0xffff  }
0x33b: {  	v5 =	vsub.f32 v5, v6;
	v4 =	vld.idx.msk [tilespmem:v12+s6+$0x0], $0xffff;
	[tilespmem:s29+$0x30] =	vst v8  }
0x33c: {  	[tilespmem:s29+$0xFFFFFFD0] =	vst v3;
	v3 =	vld.idx.msk [tilespmem:v13+s6+$0x0], $0xffff;
	v7 =	vsub.f32 v7, v17  }
0x33d: {  	s2 =	simm.s32 $0x0;
	s4 =	simm.s32 $0x1B7F0;
	v6 =	vsub.f32 v15, v16;
	[tilespmem:s29+$0xFFFFFFE0] =	vst v5;
	v5 =	vld.idx.msk [tilespmem:v14+s6+$0x0], $0xffff  }
.LBB2_31:
0x33e: {  	v8 =	vld [tilespmem:s4+$0x0];
	[tilespmem:s29+$0xFFFFFFF0] =	vst v7;
	s28 =	sadd.s32 $0x80, s28  }
0x33f: {  	s2 =	sadd.s32 $0x8, s2;
	v0 =	vsub.f32 v0, v2;
	v7 =	vld [tilespmem:s28+$0x30];
	[tilespmem:s29+$0xFFFFFFC0] =	vst v6  }
0x340: {  	p3 =	slt.u32 s2, $0xF8;
	v2 =	vld [tilespmem:s28+$0xFFFFFFC0]  }
0x341: {  	v6 =	vld [tilespmem:s4+$0xFFFFFFA0];
	[tilespmem:s29+$0x0] =	vst v0;
	v0 =	vsub.f32 v1, v4  }
0x342: {  	v1 =	vld [tilespmem:s28+$0xFFFFFFD0]  }
0x343: {  	v4 =	vld [tilespmem:s4+$0xFFFFFFB0];
	[tilespmem:s29+$0x10] =	vst v0;
	v0 =	vsub.f32 v3, v5  }
0x344: {  	v3 =	vld [tilespmem:s28+$0xFFFFFFE0]  }
0x345: {  	v5 =	vld [tilespmem:s4+$0xFFFFFFC0];
	[tilespmem:s29+$0x20] =	vst v0  }
0x346: {  	v0 =	vld.idx.msk [tilespmem:v8+s6+$0x0], $0xffff  }
0x347: {  	v7 =	vld.idx.msk [tilespmem:v7+s6+$0x0], $0xffff  }
0x348: {  	v8 =	vld [tilespmem:s28+$0xFFFFFFF0]  }
0x349: {  	v9 =	vld [tilespmem:s4+$0xFFFFFFD0]  }
0x34a: {  	v10 =	vld [tilespmem:s28+$0x0]  }
0x34b: {  	v11 =	vld [tilespmem:s4+$0xFFFFFFE0]  }
0x34c: {  	v12 =	vld [tilespmem:s28+$0x10]  }
0x34d: {  	v0 =	vsub.f32 v0, v7;
	v13 =	vld [tilespmem:s4+$0xFFFFFFF0]  }
0x34e: {  	s29 =	sadd.s32 $0x80, s29;
	v14 =	vld [tilespmem:s28+$0x20]  }
0x34f: {  	v7 =	vld [tilespmem:s4+$0xFFFFFF90];
	[tilespmem:s29+$0x30] =	vst v0  }
0x350: {  	v15 =	vld.idx.msk [tilespmem:v2+s6+$0x0], $0xffff  }
0x351: {  	v0 =	vld.idx.msk [tilespmem:v6+s6+$0x0], $0xffff  }
0x352: {  	v1 =	vld.idx.msk [tilespmem:v1+s6+$0x0], $0xffff  }
0x353: {  	v4 =	vld.idx.msk [tilespmem:v4+s6+$0x0], $0xffff  }
0x354: {  	v3 =	vld.idx.msk [tilespmem:v3+s6+$0x0], $0xffff  }
0x355: {  	v5 =	vld.idx.msk [tilespmem:v5+s6+$0x0], $0xffff  }
0x356: {  	v6 =	vld.idx.msk [tilespmem:v8+s6+$0x0], $0xffff  }
0x357: {  	v8 =	vld.idx.msk [tilespmem:v7+s6+$0x0], $0xffff  }
0x358: {  	v1 =	vsub.f32 v0, v1;
	v0 =	vld.idx.msk [tilespmem:v9+s6+$0x0], $0xffff  }
.Ltmp17:
0x359: {  	v2 =	vld.idx.msk [tilespmem:v10+s6+$0x0], $0xffff;
	(pc) =	sbr.rel @p3 .LBB2_31-.Ltmp17, $4  }
0x35a: {  	v3 =	vsub.f32 v4, v3;
	[tilespmem:s29+$0xFFFFFFD0] =	vst v1;
	v1 =	vld.idx.msk [tilespmem:v11+s6+$0x0], $0xffff  }
0x35b: {  	v4 =	vld.idx.msk [tilespmem:v12+s6+$0x0], $0xffff  }
0x35c: {  	v7 =	vsub.f32 v5, v6;
	[tilespmem:s29+$0xFFFFFFE0] =	vst v3;
	v3 =	vld.idx.msk [tilespmem:v13+s6+$0x0], $0xffff  }
0x35d: {  	s4 =	sadd.s32 $0x80, s4;
	v6 =	vsub.f32 v8, v15;
	v5 =	vld.idx.msk [tilespmem:v14+s6+$0x0], $0xffff  }
0x35e: {  	_ =	sdelay $0x1  }
0x35f: {  	[tilespmem:s29+$0xFFFFFFF0] =	vst v7;
	v0 =	vsub.f32 v0, v2  }
0x360: {  	[tilespmem:s29+$0xFFFFFFC0] =	vst v6;
	v1 =	vsub.f32 v1, v4  }
0x361: {  	[tilespmem:s29+$0x0] =	vst v0;
	v63 =	vsub.f32 v3, v5  }
0x362: {  	[tilespmem:s29+$0x10] =	vst v1  }
.Ltmp18:
0x363: {  	s2 =	sadd.s32 s25, s22;
	[tilespmem:s29+$0x20] =	vst v63;
	(pc) =	sbr.rel @p2 .LBB2_24-.Ltmp18, $4  }
0x364: {  	[hbm4b:s2+s30] =	stream.strided.scatter [tilespmem:s1], [sflag:$0x3], $0x1000, s31, s30, $0x38;
	[tilespmem:$0x1E700] =	vst v63  }
0x365: {  	_ =	swait.ge [sflag:s7], $0x1000  }
0x366: {  	[sflag:s7] =	ssyncset.done $0x0  }
0x367: {  	p3 =	por $0x0, $0x0;
	s2 =	simm.s32 $0x1;
	[sflag:s7] =	ssyncadd.s32 $0xFFFFF000  }
0x368: {  	s2 =	simm.s32 $0x0  }
0x369: {  	s4 =	rddreg [dreg:$0x0];
	s25 =	simm.s32 $0x18700;
	s28 =	simm.s32 $0x2  }
0x36a: {  	[tilespmem:s25], [sflag:$0x2] =	stream.linear.gather [hbm4b:s4+s2], $0x4000, $0x38;
	[tilespmem:$0x1E700] =	vst v63  }
0x36b: {  	_ =	swait.ge [sflag:s28], $0x4000  }
0x36c: {  	[sflag:s28] =	ssyncset.done $0x0  }
0x36d: {  	[sflag:s28] =	ssyncadd.s32 $0xFFFFC000  }
0x36e: {  	p3 =	por $0x1, $0x1;
	s29 =	rddreg [dreg:$0x3]  }
.LBB2_34:
0x36f: {  	s2 =	sxor.u32 s23, s2  }
0x370: {  	s2 =	sor.u32 s24, s2  }
0x371: {  	s2 =	sshll.u32 s2, $0x7  }
0x372: {  	s4 =	sor.u32 s12, s2  }
0x373: {  	s4 =	sshrl.u32 s4, $0x3  }
0x374: {  	s4 =	sadd.s32 s29, s4  }
0x375: {  	[tilespmem:s6], [sflag:$0x1] =	stream.strided.gather [hbm4b:s4+s30], $0x18700, s31, s30, $0x38;
	[tilespmem:$0x1E700] =	vst v63  }
0x376: {  	_ =	swait.ge [sflag:s26], $0x18700  }
0x377: {  	[sflag:s26] =	ssyncset.done $0x0  }
0x378: {  	s25 =	simm.s32 $0x18740;
	[sflag:s26] =	ssyncadd.s32 $0xFFFE7900  }
0x379: {  	v0 =	vld [tilespmem:s25+$0x30]  }
0x37a: {  	v1 =	vld [tilespmem:s25+$0xFFFFFFD0]  }
0x37b: {  	v2 =	vld [tilespmem:s25+$0xFFFFFFE0]  }
0x37c: {  	v3 =	vld [tilespmem:s25+$0xFFFFFFF0]  }
0x37d: {  	v4 =	vld [tilespmem:s25+$0x0]  }
0x37e: {  	v6 =	vld [tilespmem:s25+$0x10]  }
0x37f: {  	v7 =	vld [tilespmem:s25+$0x20]  }
0x380: {  	v8 =	vld [tilespmem:s25+$0xFFFFFFC0]  }
0x381: {  	v9 =	vld.idx.msk [tilespmem:v0+s6+$0x0], $0xffff  }
0x382: {  	v10 =	vld.idx.msk [tilespmem:v1+s6+$0x0], $0xffff  }
0x383: {  	v5 =	vld.idx.msk [tilespmem:v2+s6+$0x0], $0xffff  }
0x384: {  	v3 =	vld.idx.msk [tilespmem:v3+s6+$0x0], $0xffff  }
0x385: {  	v1 =	vld.idx.msk [tilespmem:v4+s6+$0x0], $0xffff  }
0x386: {  	s4 =	simm.s32 $0x1D740;
	v2 =	vld.idx.msk [tilespmem:v6+s6+$0x0], $0xffff  }
0x387: {  	v0 =	vld.idx.msk [tilespmem:v7+s6+$0x0], $0xffff;
	[tilespmem:s4+$0x30] =	vst v9  }
0x388: {  	p2 =	por p3, p3;
	s28 =	simm.s32 $0x187C0;
	s25 =	simm.s32 $0x0;
	v4 =	vld.idx.msk [tilespmem:v8+s6+$0x0], $0xffff;
	[tilespmem:s4+$0xFFFFFFD0] =	vst v10  }
.LBB2_35:
0x389: {  	v6 =	vld [tilespmem:s28+$0x30];
	s25 =	sadd.s32 $0x8, s25;
	[tilespmem:s4+$0xFFFFFFE0] =	vst v5  }
0x38a: {  	v5 =	vld [tilespmem:s28+$0xFFFFFFD0];
	p3 =	slt.u32 s25, $0xF8;
	[tilespmem:s4+$0xFFFFFFF0] =	vst v3  }
0x38b: {  	v3 =	vld [tilespmem:s28+$0xFFFFFFE0];
	[tilespmem:s4+$0x0] =	vst v1  }
0x38c: {  	v1 =	vld [tilespmem:s28+$0xFFFFFFF0];
	[tilespmem:s4+$0x10] =	vst v2  }
0x38d: {  	v2 =	vld [tilespmem:s28+$0x0];
	[tilespmem:s4+$0x20] =	vst v0  }
0x38e: {  	v0 =	vld [tilespmem:s28+$0x10];
	[tilespmem:s4+$0xFFFFFFC0] =	vst v4  }
0x38f: {  	v4 =	vld [tilespmem:s28+$0x20]  }
0x390: {  	v7 =	vld [tilespmem:s28+$0xFFFFFFC0]  }
0x391: {  	v6 =	vld.idx.msk [tilespmem:v6+s6+$0x0], $0xffff  }
0x392: {  	v8 =	vld.idx.msk [tilespmem:v5+s6+$0x0], $0xffff  }
0x393: {  	v5 =	vld.idx.msk [tilespmem:v3+s6+$0x0], $0xffff  }
.Ltmp19:
0x394: {  	v3 =	vld.idx.msk [tilespmem:v1+s6+$0x0], $0xffff;
	(pc) =	sbr.rel @p3 .LBB2_35-.Ltmp19, $4  }
0x395: {  	v1 =	vld.idx.msk [tilespmem:v2+s6+$0x0], $0xffff  }
0x396: {  	s4 =	sadd.s32 $0x80, s4;
	v2 =	vld.idx.msk [tilespmem:v0+s6+$0x0], $0xffff  }
0x397: {  	v0 =	vld.idx.msk [tilespmem:v4+s6+$0x0], $0xffff;
	[tilespmem:s4+$0x30] =	vst v6  }
0x398: {  	s28 =	sadd.s32 $0x80, s28;
	v4 =	vld.idx.msk [tilespmem:v7+s6+$0x0], $0xffff;
	[tilespmem:s4+$0xFFFFFFD0] =	vst v8  }
0x399: {  	[tilespmem:s4+$0xFFFFFFE0] =	vst v5  }
0x39a: {  	[tilespmem:s4+$0xFFFFFFF0] =	vst v3  }
0x39b: {  	[tilespmem:s4+$0x0] =	vst v1  }
0x39c: {  	s2 =	sor.u32 s13, s2;
	[tilespmem:s4+$0x10] =	vst v2  }
0x39d: {  	s25 =	sshrl.u32 s2, $0x3;
	[tilespmem:s4+$0x20] =	vst v0  }
0x39e: {  	s2 =	sadd.s32 s8, s25;
	[tilespmem:s4+$0xFFFFFFC0] =	vst v4  }
0x39f: {  	[hbm4b:s2+s30] =	stream.strided.scatter [tilespmem:s1], [sflag:$0x3], $0x1000, s31, s30, $0x38;
	[tilespmem:$0x1E700] =	vst v63  }
0x3a0: {  	_ =	swait.ge [sflag:s7], $0x1000  }
0x3a1: {  	[sflag:s7] =	ssyncset.done $0x0  }
0x3a2: {  	s4 =	simm.s32 $0x19770;
	[sflag:s7] =	ssyncadd.s32 $0xFFFFF000  }
0x3a3: {  	v0 =	vld [tilespmem:s4+$0x0]  }
0x3a4: {  	v1 =	vld [tilespmem:s4+$0xFFFFFFA0]  }
0x3a5: {  	v2 =	vld [tilespmem:s4+$0xFFFFFFB0]  }
0x3a6: {  	v3 =	vld [tilespmem:s4+$0xFFFFFFC0]  }
0x3a7: {  	v4 =	vld [tilespmem:s4+$0xFFFFFFD0]  }
0x3a8: {  	v6 =	vld [tilespmem:s4+$0xFFFFFFE0]  }
0x3a9: {  	v7 =	vld [tilespmem:s4+$0xFFFFFFF0]  }
0x3aa: {  	v8 =	vld [tilespmem:s4+$0xFFFFFF90]  }
0x3ab: {  	v9 =	vld.idx.msk [tilespmem:v0+s6+$0x0], $0xffff  }
0x3ac: {  	v10 =	vld.idx.msk [tilespmem:v1+s6+$0x0], $0xffff  }
0x3ad: {  	v5 =	vld.idx.msk [tilespmem:v2+s6+$0x0], $0xffff  }
0x3ae: {  	v3 =	vld.idx.msk [tilespmem:v3+s6+$0x0], $0xffff  }
0x3af: {  	v0 =	vld.idx.msk [tilespmem:v4+s6+$0x0], $0xffff  }
0x3b0: {  	s2 =	simm.s32 $0x1D740;
	v1 =	vld.idx.msk [tilespmem:v6+s6+$0x0], $0xffff  }
0x3b1: {  	v2 =	vld.idx.msk [tilespmem:v7+s6+$0x0], $0xffff;
	[tilespmem:s2+$0x30] =	vst v9  }
0x3b2: {  	s28 =	simm.s32 $0x197F0;
	s4 =	simm.s32 $0x0;
	v4 =	vld.idx.msk [tilespmem:v8+s6+$0x0], $0xffff;
	[tilespmem:s2+$0xFFFFFFD0] =	vst v10  }
.LBB2_37:
0x3b3: {  	v6 =	vld [tilespmem:s28+$0x0];
	s4 =	sadd.s32 $0x8, s4;
	[tilespmem:s2+$0xFFFFFFE0] =	vst v5  }
0x3b4: {  	v5 =	vld [tilespmem:s28+$0xFFFFFFA0];
	p3 =	slt.u32 s4, $0xF8;
	[tilespmem:s2+$0xFFFFFFF0] =	vst v3  }
0x3b5: {  	v3 =	vld [tilespmem:s28+$0xFFFFFFB0];
	[tilespmem:s2+$0x0] =	vst v0  }
0x3b6: {  	v0 =	vld [tilespmem:s28+$0xFFFFFFC0];
	[tilespmem:s2+$0x10] =	vst v1  }
0x3b7: {  	v1 =	vld [tilespmem:s28+$0xFFFFFFD0];
	[tilespmem:s2+$0x20] =	vst v2  }
0x3b8: {  	v2 =	vld [tilespmem:s28+$0xFFFFFFE0];
	[tilespmem:s2+$0xFFFFFFC0] =	vst v4  }
0x3b9: {  	v4 =	vld [tilespmem:s28+$0xFFFFFFF0]  }
0x3ba: {  	v7 =	vld [tilespmem:s28+$0xFFFFFF90]  }
0x3bb: {  	v6 =	vld.idx.msk [tilespmem:v6+s6+$0x0], $0xffff  }
0x3bc: {  	v8 =	vld.idx.msk [tilespmem:v5+s6+$0x0], $0xffff  }
0x3bd: {  	v5 =	vld.idx.msk [tilespmem:v3+s6+$0x0], $0xffff  }
.Ltmp20:
0x3be: {  	v3 =	vld.idx.msk [tilespmem:v0+s6+$0x0], $0xffff;
	(pc) =	sbr.rel @p3 .LBB2_37-.Ltmp20, $4  }
0x3bf: {  	v0 =	vld.idx.msk [tilespmem:v1+s6+$0x0], $0xffff  }
0x3c0: {  	s2 =	sadd.s32 $0x80, s2;
	v1 =	vld.idx.msk [tilespmem:v2+s6+$0x0], $0xffff  }
0x3c1: {  	v2 =	vld.idx.msk [tilespmem:v4+s6+$0x0], $0xffff;
	[tilespmem:s2+$0x30] =	vst v6  }
0x3c2: {  	s28 =	sadd.s32 $0x80, s28;
	v4 =	vld.idx.msk [tilespmem:v7+s6+$0x0], $0xffff;
	[tilespmem:s2+$0xFFFFFFD0] =	vst v8  }
0x3c3: {  	[tilespmem:s2+$0xFFFFFFE0] =	vst v5  }
0x3c4: {  	[tilespmem:s2+$0xFFFFFFF0] =	vst v3  }
0x3c5: {  	[tilespmem:s2+$0x0] =	vst v0  }
0x3c6: {  	[tilespmem:s2+$0x10] =	vst v1  }
0x3c7: {  	[tilespmem:s2+$0x20] =	vst v2  }
0x3c8: {  	s4 =	sadd.s32 s25, s14;
	[tilespmem:s2+$0xFFFFFFC0] =	vst v4  }
0x3c9: {  	[hbm4b:s4+s30] =	stream.strided.scatter [tilespmem:s1], [sflag:$0x3], $0x1000, s31, s30, $0x38;
	[tilespmem:$0x1E700] =	vst v63  }
0x3ca: {  	_ =	swait.ge [sflag:s7], $0x1000  }
0x3cb: {  	[sflag:s7] =	ssyncset.done $0x0  }
0x3cc: {  	s4 =	simm.s32 $0x1A770;
	[sflag:s7] =	ssyncadd.s32 $0xFFFFF000  }
0x3cd: {  	v0 =	vld [tilespmem:s4+$0x0]  }
0x3ce: {  	v1 =	vld [tilespmem:s4+$0xFFFFFFA0]  }
0x3cf: {  	v2 =	vld [tilespmem:s4+$0xFFFFFFB0]  }
0x3d0: {  	v3 =	vld [tilespmem:s4+$0xFFFFFFC0]  }
0x3d1: {  	v4 =	vld [tilespmem:s4+$0xFFFFFFD0]  }
0x3d2: {  	v6 =	vld [tilespmem:s4+$0xFFFFFFE0]  }
0x3d3: {  	v7 =	vld [tilespmem:s4+$0xFFFFFFF0]  }
0x3d4: {  	v8 =	vld [tilespmem:s4+$0xFFFFFF90]  }
0x3d5: {  	v9 =	vld.idx.msk [tilespmem:v0+s6+$0x0], $0xffff  }
0x3d6: {  	v10 =	vld.idx.msk [tilespmem:v1+s6+$0x0], $0xffff  }
0x3d7: {  	v5 =	vld.idx.msk [tilespmem:v2+s6+$0x0], $0xffff  }
0x3d8: {  	v3 =	vld.idx.msk [tilespmem:v3+s6+$0x0], $0xffff  }
0x3d9: {  	v0 =	vld.idx.msk [tilespmem:v4+s6+$0x0], $0xffff  }
0x3da: {  	s2 =	simm.s32 $0x1D740;
	v1 =	vld.idx.msk [tilespmem:v6+s6+$0x0], $0xffff  }
0x3db: {  	v2 =	vld.idx.msk [tilespmem:v7+s6+$0x0], $0xffff;
	[tilespmem:s2+$0x30] =	vst v9  }
0x3dc: {  	s28 =	simm.s32 $0x1A7F0;
	s4 =	simm.s32 $0x0;
	v4 =	vld.idx.msk [tilespmem:v8+s6+$0x0], $0xffff;
	[tilespmem:s2+$0xFFFFFFD0] =	vst v10  }
.LBB2_39:
0x3dd: {  	v6 =	vld [tilespmem:s28+$0x0];
	s4 =	sadd.s32 $0x8, s4;
	[tilespmem:s2+$0xFFFFFFE0] =	vst v5  }
0x3de: {  	v5 =	vld [tilespmem:s28+$0xFFFFFFA0];
	p3 =	slt.u32 s4, $0xF8;
	[tilespmem:s2+$0xFFFFFFF0] =	vst v3  }
0x3df: {  	v3 =	vld [tilespmem:s28+$0xFFFFFFB0];
	[tilespmem:s2+$0x0] =	vst v0  }
0x3e0: {  	v0 =	vld [tilespmem:s28+$0xFFFFFFC0];
	[tilespmem:s2+$0x10] =	vst v1  }
0x3e1: {  	v1 =	vld [tilespmem:s28+$0xFFFFFFD0];
	[tilespmem:s2+$0x20] =	vst v2  }
0x3e2: {  	v2 =	vld [tilespmem:s28+$0xFFFFFFE0];
	[tilespmem:s2+$0xFFFFFFC0] =	vst v4  }
0x3e3: {  	v4 =	vld [tilespmem:s28+$0xFFFFFFF0]  }
0x3e4: {  	v7 =	vld [tilespmem:s28+$0xFFFFFF90]  }
0x3e5: {  	v6 =	vld.idx.msk [tilespmem:v6+s6+$0x0], $0xffff  }
0x3e6: {  	v8 =	vld.idx.msk [tilespmem:v5+s6+$0x0], $0xffff  }
0x3e7: {  	v5 =	vld.idx.msk [tilespmem:v3+s6+$0x0], $0xffff  }
.Ltmp21:
0x3e8: {  	v3 =	vld.idx.msk [tilespmem:v0+s6+$0x0], $0xffff;
	(pc) =	sbr.rel @p3 .LBB2_39-.Ltmp21, $4  }
0x3e9: {  	v0 =	vld.idx.msk [tilespmem:v1+s6+$0x0], $0xffff  }
0x3ea: {  	s2 =	sadd.s32 $0x80, s2;
	v1 =	vld.idx.msk [tilespmem:v2+s6+$0x0], $0xffff  }
0x3eb: {  	v2 =	vld.idx.msk [tilespmem:v4+s6+$0x0], $0xffff;
	[tilespmem:s2+$0x30] =	vst v6  }
0x3ec: {  	s28 =	sadd.s32 $0x80, s28;
	v4 =	vld.idx.msk [tilespmem:v7+s6+$0x0], $0xffff;
	[tilespmem:s2+$0xFFFFFFD0] =	vst v8  }
0x3ed: {  	[tilespmem:s2+$0xFFFFFFE0] =	vst v5  }
0x3ee: {  	[tilespmem:s2+$0xFFFFFFF0] =	vst v3  }
0x3ef: {  	[tilespmem:s2+$0x0] =	vst v0  }
0x3f0: {  	[tilespmem:s2+$0x10] =	vst v1  }
0x3f1: {  	[tilespmem:s2+$0x20] =	vst v2  }
0x3f2: {  	s4 =	sadd.s32 s25, s15;
	[tilespmem:s2+$0xFFFFFFC0] =	vst v4  }
0x3f3: {  	[hbm4b:s4+s30] =	stream.strided.scatter [tilespmem:s1], [sflag:$0x3], $0x1000, s31, s30, $0x38;
	[tilespmem:$0x1E700] =	vst v63  }
0x3f4: {  	_ =	swait.ge [sflag:s7], $0x1000  }
0x3f5: {  	[sflag:s7] =	ssyncset.done $0x0  }
0x3f6: {  	s4 =	simm.s32 $0x1B770;
	[sflag:s7] =	ssyncadd.s32 $0xFFFFF000  }
0x3f7: {  	v0 =	vld [tilespmem:s4+$0x0]  }
0x3f8: {  	v1 =	vld [tilespmem:s4+$0xFFFFFFA0]  }
0x3f9: {  	v2 =	vld [tilespmem:s4+$0xFFFFFFB0]  }
0x3fa: {  	v3 =	vld [tilespmem:s4+$0xFFFFFFC0]  }
0x3fb: {  	v4 =	vld [tilespmem:s4+$0xFFFFFFD0]  }
0x3fc: {  	v6 =	vld [tilespmem:s4+$0xFFFFFFE0]  }
0x3fd: {  	v7 =	vld [tilespmem:s4+$0xFFFFFFF0]  }
0x3fe: {  	v8 =	vld [tilespmem:s4+$0xFFFFFF90]  }
0x3ff: {  	v9 =	vld.idx.msk [tilespmem:v0+s6+$0x0], $0xffff  }
0x400: {  	v10 =	vld.idx.msk [tilespmem:v1+s6+$0x0], $0xffff  }
0x401: {  	v5 =	vld.idx.msk [tilespmem:v2+s6+$0x0], $0xffff  }
0x402: {  	v3 =	vld.idx.msk [tilespmem:v3+s6+$0x0], $0xffff  }
0x403: {  	v0 =	vld.idx.msk [tilespmem:v4+s6+$0x0], $0xffff  }
0x404: {  	s2 =	simm.s32 $0x1D740;
	v1 =	vld.idx.msk [tilespmem:v6+s6+$0x0], $0xffff  }
0x405: {  	v2 =	vld.idx.msk [tilespmem:v7+s6+$0x0], $0xffff;
	[tilespmem:s2+$0x30] =	vst v9  }
0x406: {  	s28 =	simm.s32 $0x1B7F0;
	s4 =	simm.s32 $0x0;
	v4 =	vld.idx.msk [tilespmem:v8+s6+$0x0], $0xffff;
	[tilespmem:s2+$0xFFFFFFD0] =	vst v10  }
.LBB2_41:
0x407: {  	v6 =	vld [tilespmem:s28+$0x0];
	s4 =	sadd.s32 $0x8, s4;
	[tilespmem:s2+$0xFFFFFFE0] =	vst v5  }
0x408: {  	v5 =	vld [tilespmem:s28+$0xFFFFFFA0];
	p3 =	slt.u32 s4, $0xF8;
	[tilespmem:s2+$0xFFFFFFF0] =	vst v3  }
0x409: {  	v3 =	vld [tilespmem:s28+$0xFFFFFFB0];
	[tilespmem:s2+$0x0] =	vst v0  }
0x40a: {  	v0 =	vld [tilespmem:s28+$0xFFFFFFC0];
	[tilespmem:s2+$0x10] =	vst v1  }
0x40b: {  	v1 =	vld [tilespmem:s28+$0xFFFFFFD0];
	[tilespmem:s2+$0x20] =	vst v2  }
0x40c: {  	v2 =	vld [tilespmem:s28+$0xFFFFFFE0];
	[tilespmem:s2+$0xFFFFFFC0] =	vst v4  }
0x40d: {  	v4 =	vld [tilespmem:s28+$0xFFFFFFF0]  }
0x40e: {  	v7 =	vld [tilespmem:s28+$0xFFFFFF90]  }
0x40f: {  	v6 =	vld.idx.msk [tilespmem:v6+s6+$0x0], $0xffff  }
0x410: {  	v8 =	vld.idx.msk [tilespmem:v5+s6+$0x0], $0xffff  }
0x411: {  	v5 =	vld.idx.msk [tilespmem:v3+s6+$0x0], $0xffff  }
.Ltmp22:
0x412: {  	v3 =	vld.idx.msk [tilespmem:v0+s6+$0x0], $0xffff;
	(pc) =	sbr.rel @p3 .LBB2_41-.Ltmp22, $4  }
0x413: {  	v0 =	vld.idx.msk [tilespmem:v1+s6+$0x0], $0xffff  }
0x414: {  	s2 =	sadd.s32 $0x80, s2;
	v1 =	vld.idx.msk [tilespmem:v2+s6+$0x0], $0xffff  }
0x415: {  	v2 =	vld.idx.msk [tilespmem:v4+s6+$0x0], $0xffff;
	[tilespmem:s2+$0x30] =	vst v6  }
0x416: {  	s28 =	sadd.s32 $0x80, s28;
	v4 =	vld.idx.msk [tilespmem:v7+s6+$0x0], $0xffff;
	[tilespmem:s2+$0xFFFFFFD0] =	vst v8  }
0x417: {  	[tilespmem:s2+$0xFFFFFFE0] =	vst v5  }
0x418: {  	[tilespmem:s2+$0xFFFFFFF0] =	vst v3  }
0x419: {  	[tilespmem:s2+$0x0] =	vst v0  }
0x41a: {  	[tilespmem:s2+$0x10] =	vst v1  }
0x41b: {  	[tilespmem:s2+$0x20] =	vst v2  }
0x41c: {  	s28 =	sadd.s32 s25, s16;
	[tilespmem:s2+$0xFFFFFFC0] =	vst v4  }
0x41d: {  	[hbm4b:s28+s30] =	stream.strided.scatter [tilespmem:s1], [sflag:$0x3], $0x1000, s31, s30, $0x38;
	[tilespmem:$0x1E700] =	vst v63  }
.Ltmp23:
0x41e: {  	_ = 	snop;
	(pc) =	sbr.rel @p2 .LBB2_34-.Ltmp23, $4  }
.Ltmp24:
0x41f: {  	_ = 	snop;
	(pc) =	sbr.rel @!p2 .LBB2_43-.Ltmp24, $4  }
0x420: {  	_ =	swait.ge [sflag:s7], $0x1000  }
0x421: {  	[sflag:s7] =	ssyncset.done $0x0  }
0x422: {  	p3 =	por $0x0, $0x0;
	s2 =	simm.s32 $0x1;
	[sflag:s7] =	ssyncadd.s32 $0xFFFFF000  }
0x423: {  	_ = 	snop  }
.LBB2_44:
0x424: {  	_ =	sfence.sel $0x180000  }
0x425: {  	[bflag:$0x0] =	sbarrier.arrive $0xFFFF  }
0x426: {  	_ =	strace $0x90000047  }
0x427: {  	s0 =	stileid.u32;
	[bflag:$0x2] =	sbarrier.arrive $0xFFFF  }
0x428: {  	p0 =	sne.s32 s0, $0x0;
	s0 =	rddreg [dreg:$0x6]  }
0x429: {  	s0 =	sadd.s32 @!p0 $0x100000, s0  }
0x42a: {  	[sflag:s0] =	ssyncadd.tile.s32 @!p0 $0x1;
	_ =	shalt  }
.Lfunc_end2:
_tile_overlayer_lowered:
.L_overlay_start_2:
0x42b: {  	(tag) =	ssettag $0x2  }
0x42c: {  	s0 =	rddreg [dreg:$0x0];
	s2 =	stileid.u32  }
0x42d: {  	s1 =	rddreg [dreg:$0x1];
	p0 =	sne.s32 s2, $0x0  }
0x42e: {  	s3 =	rddreg [dreg:$0x2];
	[bflag:$0x3] =	sbarrier.arrive $0xFFFF;
	s2 =	simm.s32 @!p0 $0x1C03  }
0x42f: {  	[timem:s3], [sflag:s2] =	dma.local @!p0 [hbm:s0], s1  }
0x430: {  	s0 =	simm.s32 @!p0 $0x3  }
0x431: {  	_ =	swait.ge @!p0 [sflag:s0], s1  }
0x432: {  	s1 =	ssub.s32 @!p0 $0x0, s1;
	[sflag:s0] =	ssyncset.done @!p0 $0x0  }
0x433: {  	[sflag:s0] =	ssyncadd.s32 @!p0 s1  }
0x434: {  	[bflag:$0x3] =	sbarrier.arrive $0xFFFF  }
0x435: {  	_ =	shalt  }

</sc_bundles>
